<compile_context>
chip_gen: v7x
topology: tpu7x:2x2x1
jax: 0.10.2.dev20260603
libtpu: 0.0.44.dev20260713+nightly
codegen_flags: <defaults>
</compile_context>

<pallas_src>
import functools

import jax
import jax.numpy as jnp
from jax import lax
from jax.experimental import pallas as pl
from jax.experimental.pallas import tpu as pltpu
from jax.experimental.pallas import tpu_sc as plsc

N = 10000
H = 256
HH = H // 2
NC = 2
NS = 16
CHUNK = 128
IDXB = 32
NP = 10240
ZR = NP // NS

_mesh = plsc.VectorSubcoreMesh(core_axis_name="c", subcore_axis_name="s")


def _zero_vmem_rows(buf, nrows):
    zeros16 = jnp.zeros((16,), jnp.float32)

    def body(i, _):
        for j in range(HH // 16):
            buf[i, pl.ds(j * 16, 16)] = zeros16
        return 0

    lax.fori_loop(0, nrows, body, 0)


def _sc_deg_body(dstp, deg_out, dst_i, ones_v, zeros_v, deg_sh):
    cid = lax.axis_index("c")
    sid = lax.axis_index("s")
    wid = sid * NC + cid
    n_chunks = dstp.shape[0] // (NC * NS * CHUNK)

    ones16 = jnp.ones((16,), jnp.float32)
    zero16 = jnp.zeros((16,), jnp.float32)
    for j in range(CHUNK // 16):
        ones_v[pl.ds(j * 16, 16)] = ones16
        zeros_v[pl.ds(j * 16, 16)] = zero16
    for k in range(ZR // CHUNK):
        pltpu.sync_copy(zeros_v, deg_sh.at[pl.ds(sid * ZR + k * CHUNK, CHUNK)])
    plsc.subcore_barrier()

    def body(g, _):
        base = wid * n_chunks * CHUNK + g * CHUNK
        pltpu.sync_copy(dstp.at[pl.ds(base, CHUNK)], dst_i.at[0])
        pltpu.sync_copy(ones_v, deg_sh.at[dst_i.at[0]], add=True)
        return 0

    lax.fori_loop(0, n_chunks, body, 0)
    plsc.subcore_barrier()
    pltpu.sync_copy(deg_sh.at[pl.ds(sid * ZR, ZR)],
                    deg_out.at[cid, pl.ds(sid * ZR, ZR)])


_sc_deg = functools.partial(
    pl.kernel,
    out_type=jax.ShapeDtypeStruct((NC, NP), jnp.float32),
    mesh=_mesh,
    scratch_types=[
        pltpu.VMEM((1, CHUNK), jnp.int32),
        pltpu.VMEM((CHUNK,), jnp.float32),
        pltpu.VMEM((CHUNK,), jnp.float32),
        pltpu.VMEM_SHARED((NP,), jnp.float32),
    ],
)(_sc_deg_body)


def _sc_scatter_body(table, srcp, dstp, s_out, src_i, dst_i, rows_v, sem_g,
                     sem_s, s_sh):
    cid = lax.axis_index("c")
    sid = lax.axis_index("s")
    n_blocks = srcp.shape[1] // IDXB

    _zero_vmem_rows(rows_v.at[0], CHUNK)
    for k in range(ZR // CHUNK):
        pltpu.sync_copy(rows_v.at[0], s_sh.at[pl.ds(sid * ZR + k * CHUNK, CHUNK)])
    plsc.subcore_barrier()

    def drain_one_scatter():
        pltpu.make_async_copy(table.at[cid, pl.ds(0, CHUNK)], rows_v.at[0],
                              sem_s).wait()

    def blk_body(blk, _):
        pltpu.sync_copy(srcp.at[sid, pl.ds(blk * IDXB, IDXB)], src_i)
        pltpu.sync_copy(dstp.at[sid, pl.ds(blk * IDXB, IDXB)], dst_i)

        def body(j, _):
            g = blk * IDXB + j
            b = lax.rem(g, 2)

            @pl.when(g >= 2)
            def _():
                drain_one_scatter()

            pltpu.async_copy(table.at[cid].at[src_i.at[j]], rows_v.at[b],
                             sem_g).wait()
            pltpu.async_copy(rows_v.at[b], s_sh.at[dst_i.at[j]], sem_s,
                             add=True)
            return 0

        lax.fori_loop(0, IDXB, body, 0)
        return 0

    lax.fori_loop(0, n_blocks, blk_body, 0)
    drain_one_scatter()
    drain_one_scatter()
    plsc.subcore_barrier()
    pltpu.sync_copy(s_sh.at[pl.ds(sid * ZR, ZR)],
                    s_out.at[cid, pl.ds(sid * ZR, ZR)])


def _make_sc_scatter(n_chunks):
    return functools.partial(
        pl.kernel,
        out_type=jax.ShapeDtypeStruct((NC, NP, HH), jnp.float32),
        mesh=_mesh,
        scratch_types=[
            pltpu.VMEM((IDXB, CHUNK), jnp.int32),
            pltpu.VMEM((IDXB, CHUNK), jnp.int32),
            pltpu.VMEM((2, CHUNK, HH), jnp.float32),
            pltpu.SemaphoreType.DMA,
            pltpu.SemaphoreType.DMA,
            pltpu.VMEM_SHARED((NP, HH), jnp.float32),
        ],
    )(_sc_scatter_body)


def _tc_stage1_body(h0_ref, w_ref, dis_ref, out_ref):
    res = jnp.dot(h0_ref[...], w_ref[...],
                  preferred_element_type=jnp.float32) * dis_ref[...]
    out_ref[0] = res[:, :HH]
    out_ref[1] = res[:, HH:]


def _tc_stage_body(s_ref, hwsp_ref, dis_ref, b_ref, w_ref, out_ref):
    dis = dis_ref[...]
    agg = jnp.concatenate(
        [s_ref[0, :N] + hwsp_ref[0], s_ref[1, :N] + hwsp_ref[1]], axis=1)
    h = jax.nn.relu(agg * dis + b_ref[...])
    res = jnp.dot(h, w_ref[...], preferred_element_type=jnp.float32) * dis
    out_ref[0] = res[:, :HH]
    out_ref[1] = res[:, HH:]


def _tc_final_body(s_ref, hwsp_ref, dis_ref, b_ref, batch_ref, wlin_ref,
                   blin_ref, out_ref):
    agg = jnp.concatenate(
        [s_ref[0, :N] + hwsp_ref[0], s_ref[1, :N] + hwsp_ref[1]], axis=1)
    h = jax.nn.relu(agg * dis_ref[...] + b_ref[...])
    g_iota = lax.broadcasted_iota(jnp.int32, (64, N), 0)
    onehot = jnp.where(batch_ref[...] == g_iota, 1.0, 0.0).astype(jnp.float32)
    sums = jnp.dot(onehot, h, preferred_element_type=jnp.float32)
    cnt = jnp.sum(onehot, axis=1, keepdims=True)
    pooled = sums / jnp.maximum(cnt, 1.0)
    out_ref[...] = jnp.dot(pooled, wlin_ref[...],
                           preferred_element_type=jnp.float32) + blin_ref[...]


def kernel(x, pos, edge_index, batch, W1, b1, W2, b2, W3, b3, Wlin, blin):
    h0 = jnp.concatenate([pos, x], axis=1)
    e = edge_index.shape[1]
    n_chunks = IDXB * (-(-e // (NS * IDXB * CHUNK)))
    pad = NS * n_chunks * CHUNK - e
    srcp = jnp.concatenate([edge_index[0], jnp.zeros((pad,), jnp.int32)])
    dstp = jnp.concatenate([edge_index[1], jnp.full((pad,), N, jnp.int32)])

    srcp3 = srcp.reshape(NS, n_chunks, CHUNK)
    dstp3 = dstp.reshape(NS, n_chunks, CHUNK)
    sc_scatter = _make_sc_scatter(n_chunks)

    degp = _sc_deg(dstp)
    deg = degp[0, :N] + degp[1, :N] + 1.0
    dis = lax.rsqrt(deg).reshape(N, 1)

    tc1 = pl.pallas_call(
        _tc_stage1_body,
        out_shape=jax.ShapeDtypeStruct((NC, N, HH), jnp.float32),
    )
    tcs = pl.pallas_call(
        _tc_stage_body,
        out_shape=jax.ShapeDtypeStruct((NC, N, HH), jnp.float32),
    )
    tcf = pl.pallas_call(
        _tc_final_body,
        out_shape=jax.ShapeDtypeStruct((64, Wlin.shape[1]), jnp.float32),
    )

    hws1 = tc1(h0, W1, dis)
    s1 = sc_scatter(hws1, srcp3, dstp3)
    hws2 = tcs(s1, hws1, dis, b1.reshape(1, H), W2)
    s2 = sc_scatter(hws2, srcp3, dstp3)
    hws3 = tcs(s2, hws2, dis, b2.reshape(1, H), W3)
    s3 = sc_scatter(hws3, srcp3, dstp3)
    return tcf(s3, hws3, dis, b3.reshape(1, H), batch.reshape(1, N),
               Wlin, blin.reshape(1, Wlin.shape[1]))

# --- scband reference (transcript-rebuilt; emitter-appended) ---
"""Pipeline reference for scband-simple-gcn-9637906613000 (READ-ONLY COPY).

The authoritative reference and input builder live on the scoring server;
editing this copy changes nothing except your own understanding.
"""

import jax, jax.numpy as jnp
import numpy as np

N = 10000
E = 320000
XD = 125
PD = 3
IN = XD + PD  # 128 = num_node_features
H = 256       # hidden_channels
C = 10        # num_classes
G = 64        # number of graphs in the batch


def setup_inputs(seed: int = 0) -> dict:
    key = jax.random.key(seed)
    ks = jax.random.split(key, 12)
    x = jax.random.normal(ks[0], (N, XD), dtype=jnp.float32)
    pos = jax.random.normal(ks[1], (N, PD), dtype=jnp.float32)
    edge_index = jax.random.randint(ks[2], (2, E), 0, N, dtype=jnp.int32)
    batch = jnp.sort(jax.random.randint(ks[3], (N,), 0, G, dtype=jnp.int32))
    W1 = jax.random.normal(ks[4], (IN, H), dtype=jnp.float32) * 0.05
    b1 = jnp.zeros((H,), dtype=jnp.float32)
    W2 = jax.random.normal(ks[5], (H, H), dtype=jnp.float32) * 0.05
    b2 = jnp.zeros((H,), dtype=jnp.float32)
    W3 = jax.random.normal(ks[6], (H, H), dtype=jnp.float32) * 0.05
    b3 = jnp.zeros((H,), dtype=jnp.float32)
    Wlin = jax.random.normal(ks[7], (H, C), dtype=jnp.float32) * 0.05
    blin = jnp.zeros((C,), dtype=jnp.float32)
    return {"x": x, "pos": pos, "edge_index": edge_index, "batch": batch,
            "W1": W1, "b1": b1, "W2": W2, "b2": b2, "W3": W3, "b3": b3,
            "Wlin": Wlin, "blin": blin}


def reference(x, pos, edge_index, batch, W1, b1, W2, b2, W3, b3, Wlin, blin):
    n = x.shape[0]
    h = jnp.concatenate([pos, x], axis=1)
    # GCNConv: add self loops, symmetric degree normalization D^-1/2 (A+I) D^-1/2
    loop = jnp.arange(n, dtype=edge_index.dtype)
    src = jnp.concatenate([edge_index[0], loop])
    dst = jnp.concatenate([edge_index[1], loop])
    deg = jnp.zeros((n,), jnp.float32).at[dst].add(1.0)
    dis = jnp.where(deg > 0, 1.0 / jnp.sqrt(deg), 0.0)
    norm = (dis[src] * dis[dst])[:, None]

    def conv(h_in, W, b):
        hW = h_in @ W
        msg = hW[src] * norm
        out = jnp.zeros((n, W.shape[1]), jnp.float32).at[dst].add(msg)
        return out + b

    h = jax.nn.relu(conv(h, W1, b1))
    h = jax.nn.relu(conv(h, W2, b2))
    h = jax.nn.relu(conv(h, W3, b3))
    # global mean pool over `batch`
    sums = jax.ops.segment_sum(h, batch, num_segments=G)
    cnt = jax.ops.segment_sum(jnp.ones((n,), jnp.float32), batch, num_segments=G)
    pooled = sums / jnp.maximum(cnt, 1.0)[:, None]
    # dropout is identity in eval mode
    return pooled @ Wlin + blin

if __name__ == "__main__":
    import jax
    _d = setup_inputs()
    print(jax.jit(kernel)(*tuple(_d.values())))

</pallas_src>

<mosaic_0001>
#map = affine_map<(d0, d1) -> (0)>
#map1 = affine_map<(d0, d1) -> (0, 0)>
module attributes {stable_mosaic.version = 14 : i64} {
  func.func @_sc_deg_body(%arg0: i32, %arg1: i32, %arg2: memref<327680xi32, #tpu.memory_space<hbm>>, %arg3: memref<2x10240xf32, #tpu.memory_space<hbm>>, %arg4: memref<1x128xi32, #tpu.memory_space<vmem>>, %arg5: memref<128xf32, #tpu.memory_space<vmem>>, %arg6: memref<128xf32, #tpu.memory_space<vmem>>, %arg7: memref<10240xf32, #tpu.memory_space<vmem_shared>>) attributes {dimension_semantics = [#tpu.dimension_semantics<core_parallel>, #tpu.dimension_semantics<subcore_parallel>], iteration_bounds = array<i64: 2, 16>, scalar_prefetch = 0 : i64, scratch_operands = 4 : i64, tpu.core_type = #tpu.core_type<sc_vector_subcore>, window_params = [{transform_indices = #map}, {transform_indices = #map1}]} {
    %mul3A = arith.constant 2 : i32
    %mul3A_0 = arith.muli %arg1, %mul3A : i32
    %add3A = arith.addi %mul3A_0, %arg0 : i32
    %broadcast_in_dim3A = arith.constant 1.000000e+00 : f32
    %broadcast_in_dim3A_1 = vector.broadcast %broadcast_in_dim3A : f32 to vector<16xf32>
    %broadcast_in_dim3A_2 = arith.constant 0.000000e+00 : f32
    %broadcast_in_dim3A_3 = vector.broadcast %broadcast_in_dim3A_2 : f32 to vector<16xf32>
    %swap3A = arith.constant 0 : index
    %swap3A_4 = tpu.vector_load %arg5[%swap3A] {strides = array<i32>} : memref<128xf32, #tpu.memory_space<vmem>>, vector<16xf32>,
    %swap3A_5 = vector.shape_cast %swap3A_4 : vector<16xf32> to vector<16xf32>
    %swap3A_6 = vector.shape_cast %broadcast_in_dim3A_1 : vector<16xf32> to vector<16xf32>
    tpu.vector_store %arg5[%swap3A], %swap3A_6 {strides = array<i32>} : memref<128xf32, #tpu.memory_space<vmem>>, vector<16xf32>,
    %swap3A_7 = arith.constant 0 : index
    %swap3A_8 = tpu.vector_load %arg6[%swap3A_7] {strides = array<i32>} : memref<128xf32, #tpu.memory_space<vmem>>, vector<16xf32>,
    %swap3A_9 = vector.shape_cast %swap3A_8 : vector<16xf32> to vector<16xf32>
    %swap3A_10 = vector.shape_cast %broadcast_in_dim3A_3 : vector<16xf32> to vector<16xf32>
    tpu.vector_store %arg6[%swap3A_7], %swap3A_10 {strides = array<i32>} : memref<128xf32, #tpu.memory_space<vmem>>, vector<16xf32>,
    %swap3A_11 = arith.constant 16 : index
    %swap3A_12 = tpu.vector_load %arg5[%swap3A_11] {strides = array<i32>} : memref<128xf32, #tpu.memory_space<vmem>>, vector<16xf32>,
    %swap3A_13 = vector.shape_cast %swap3A_12 : vector<16xf32> to vector<16xf32>
    %swap3A_14 = vector.shape_cast %broadcast_in_dim3A_1 : vector<16xf32> to vector<16xf32>
    tpu.vector_store %arg5[%swap3A_11], %swap3A_14 {strides = array<i32>} : memref<128xf32, #tpu.memory_space<vmem>>, vector<16xf32>,
    %swap3A_15 = arith.constant 16 : index
    %swap3A_16 = tpu.vector_load %arg6[%swap3A_15] {strides = array<i32>} : memref<128xf32, #tpu.memory_space<vmem>>, vector<16xf32>,
    %swap3A_17 = vector.shape_cast %swap3A_16 : vector<16xf32> to vector<16xf32>
    %swap3A_18 = vector.shape_cast %broadcast_in_dim3A_3 : vector<16xf32> to vector<16xf32>
    tpu.vector_store %arg6[%swap3A_15], %swap3A_18 {strides = array<i32>} : memref<128xf32, #tpu.memory_space<vmem>>, vector<16xf32>,
    %swap3A_19 = arith.constant 32 : index
    %swap3A_20 = tpu.vector_load %arg5[%swap3A_19] {strides = array<i32>} : memref<128xf32, #tpu.memory_space<vmem>>, vector<16xf32>,
    %swap3A_21 = vector.shape_cast %swap3A_20 : vector<16xf32> to vector<16xf32>
    %swap3A_22 = vector.shape_cast %broadcast_in_dim3A_1 : vector<16xf32> to vector<16xf32>
    tpu.vector_store %arg5[%swap3A_19], %swap3A_22 {strides = array<i32>} : memref<128xf32, #tpu.memory_space<vmem>>, vector<16xf32>,
    %swap3A_23 = arith.constant 32 : index
    %swap3A_24 = tpu.vector_load %arg6[%swap3A_23] {strides = array<i32>} : memref<128xf32, #tpu.memory_space<vmem>>, vector<16xf32>,
    %swap3A_25 = vector.shape_cast %swap3A_24 : vector<16xf32> to vector<16xf32>
    %swap3A_26 = vector.shape_cast %broadcast_in_dim3A_3 : vector<16xf32> to vector<16xf32>
    tpu.vector_store %arg6[%swap3A_23], %swap3A_26 {strides = array<i32>} : memref<128xf32, #tpu.memory_space<vmem>>, vector<16xf32>,
    %swap3A_27 = arith.constant 48 : index
    %swap3A_28 = tpu.vector_load %arg5[%swap3A_27] {strides = array<i32>} : memref<128xf32, #tpu.memory_space<vmem>>, vector<16xf32>,
    %swap3A_29 = vector.shape_cast %swap3A_28 : vector<16xf32> to vector<16xf32>
    %swap3A_30 = vector.shape_cast %broadcast_in_dim3A_1 : vector<16xf32> to vector<16xf32>
    tpu.vector_store %arg5[%swap3A_27], %swap3A_30 {strides = array<i32>} : memref<128xf32, #tpu.memory_space<vmem>>, vector<16xf32>,
    %swap3A_31 = arith.constant 48 : index
    %swap3A_32 = tpu.vector_load %arg6[%swap3A_31] {strides = array<i32>} : memref<128xf32, #tpu.memory_space<vmem>>, vector<16xf32>,
    %swap3A_33 = vector.shape_cast %swap3A_32 : vector<16xf32> to vector<16xf32>
    %swap3A_34 = vector.shape_cast %broadcast_in_dim3A_3 : vector<16xf32> to vector<16xf32>
    tpu.vector_store %arg6[%swap3A_31], %swap3A_34 {strides = array<i32>} : memref<128xf32, #tpu.memory_space<vmem>>, vector<16xf32>,
    %swap3A_35 = arith.constant 64 : index
    %swap3A_36 = tpu.vector_load %arg5[%swap3A_35] {strides = array<i32>} : memref<128xf32, #tpu.memory_space<vmem>>, vector<16xf32>,
    %swap3A_37 = vector.shape_cast %swap3A_36 : vector<16xf32> to vector<16xf32>
    %swap3A_38 = vector.shape_cast %broadcast_in_dim3A_1 : vector<16xf32> to vector<16xf32>
    tpu.vector_store %arg5[%swap3A_35], %swap3A_38 {strides = array<i32>} : memref<128xf32, #tpu.memory_space<vmem>>, vector<16xf32>,
    %swap3A_39 = arith.constant 64 : index
    %swap3A_40 = tpu.vector_load %arg6[%swap3A_39] {strides = array<i32>} : memref<128xf32, #tpu.memory_space<vmem>>, vector<16xf32>,
    %swap3A_41 = vector.shape_cast %swap3A_40 : vector<16xf32> to vector<16xf32>
    %swap3A_42 = vector.shape_cast %broadcast_in_dim3A_3 : vector<16xf32> to vector<16xf32>
    tpu.vector_store %arg6[%swap3A_39], %swap3A_42 {strides = array<i32>} : memref<128xf32, #tpu.memory_space<vmem>>, vector<16xf32>,
    %swap3A_43 = arith.constant 80 : index
    %swap3A_44 = tpu.vector_load %arg5[%swap3A_43] {strides = array<i32>} : memref<128xf32, #tpu.memory_space<vmem>>, vector<16xf32>,
    %swap3A_45 = vector.shape_cast %swap3A_44 : vector<16xf32> to vector<16xf32>
    %swap3A_46 = vector.shape_cast %broadcast_in_dim3A_1 : vector<16xf32> to vector<16xf32>
    tpu.vector_store %arg5[%swap3A_43], %swap3A_46 {strides = array<i32>} : memref<128xf32, #tpu.memory_space<vmem>>, vector<16xf32>,
    %swap3A_47 = arith.constant 80 : index
    %swap3A_48 = tpu.vector_load %arg6[%swap3A_47] {strides = array<i32>} : memref<128xf32, #tpu.memory_space<vmem>>, vector<16xf32>,
    %swap3A_49 = vector.shape_cast %swap3A_48 : vector<16xf32> to vector<16xf32>
    %swap3A_50 = vector.shape_cast %broadcast_in_dim3A_3 : vector<16xf32> to vector<16xf32>
    tpu.vector_store %arg6[%swap3A_47], %swap3A_50 {strides = array<i32>} : memref<128xf32, #tpu.memory_space<vmem>>, vector<16xf32>,
    %swap3A_51 = arith.constant 96 : index
    %swap3A_52 = tpu.vector_load %arg5[%swap3A_51] {strides = array<i32>} : memref<128xf32, #tpu.memory_space<vmem>>, vector<16xf32>,
    %swap3A_53 = vector.shape_cast %swap3A_52 : vector<16xf32> to vector<16xf32>
    %swap3A_54 = vector.shape_cast %broadcast_in_dim3A_1 : vector<16xf32> to vector<16xf32>
    tpu.vector_store %arg5[%swap3A_51], %swap3A_54 {strides = array<i32>} : memref<128xf32, #tpu.memory_space<vmem>>, vector<16xf32>,
    %swap3A_55 = arith.constant 96 : index
    %swap3A_56 = tpu.vector_load %arg6[%swap3A_55] {strides = array<i32>} : memref<128xf32, #tpu.memory_space<vmem>>, vector<16xf32>,
    %swap3A_57 = vector.shape_cast %swap3A_56 : vector<16xf32> to vector<16xf32>
    %swap3A_58 = vector.shape_cast %broadcast_in_dim3A_3 : vector<16xf32> to vector<16xf32>
    tpu.vector_store %arg6[%swap3A_55], %swap3A_58 {strides = array<i32>} : memref<128xf32, #tpu.memory_space<vmem>>, vector<16xf32>,
    %swap3A_59 = arith.constant 112 : index
    %swap3A_60 = tpu.vector_load %arg5[%swap3A_59] {strides = array<i32>} : memref<128xf32, #tpu.memory_space<vmem>>, vector<16xf32>,
    %swap3A_61 = vector.shape_cast %swap3A_60 : vector<16xf32> to vector<16xf32>
    %swap3A_62 = vector.shape_cast %broadcast_in_dim3A_1 : vector<16xf32> to vector<16xf32>
    tpu.vector_store %arg5[%swap3A_59], %swap3A_62 {strides = array<i32>} : memref<128xf32, #tpu.memory_space<vmem>>, vector<16xf32>,
    %swap3A_63 = arith.constant 112 : index
    %swap3A_64 = tpu.vector_load %arg6[%swap3A_63] {strides = array<i32>} : memref<128xf32, #tpu.memory_space<vmem>>, vector<16xf32>,
    %swap3A_65 = vector.shape_cast %swap3A_64 : vector<16xf32> to vector<16xf32>
    %swap3A_66 = vector.shape_cast %broadcast_in_dim3A_3 : vector<16xf32> to vector<16xf32>
    tpu.vector_store %arg6[%swap3A_63], %swap3A_66 {strides = array<i32>} : memref<128xf32, #tpu.memory_space<vmem>>, vector<16xf32>,
    %mul3A_67 = arith.constant 640 : i32
    %mul3A_68 = arith.muli %arg1, %mul3A_67 : i32
    %add3A_69 = arith.constant 0 : i32
    %add3A_70 = arith.addi %mul3A_68, %add3A_69 : i32
    "tpu.region"() ({
      %run_scoped3A = tpu.sem_alloc : memref<!tpu.dma_semaphore, #tpu.memory_space<semaphore_mem>>
      %dma_start3A = tpu.memref_slice %arg7[%add3A_70] : memref<10240xf32, #tpu.memory_space<vmem_shared>> -> memref<128xf32, #tpu.memory_space<vmem_shared>>
      %dma_start3A_98 = tpu.memref_slice %arg7[%add3A_70] : memref<10240xf32, #tpu.memory_space<vmem_shared>> -> memref<128xf32, #tpu.memory_space<vmem_shared>>
      tpu.enqueue_dma source(%arg6 : memref<128xf32, #tpu.memory_space<vmem>>) target(%dma_start3A_98 : memref<128xf32, #tpu.memory_space<vmem_shared>>) target_semaphore(%run_scoped3A : memref<!tpu.dma_semaphore, #tpu.memory_space<semaphore_mem>>)
      %dma_wait3A = tpu.memref_slice %arg7[%add3A_70] : memref<10240xf32, #tpu.memory_space<vmem_shared>> -> memref<128xf32, #tpu.memory_space<vmem_shared>>
      %dma_wait3A_99 = tpu.memref_slice %arg7[%add3A_70] : memref<10240xf32, #tpu.memory_space<vmem_shared>> -> memref<128xf32, #tpu.memory_space<vmem_shared>>
      tpu.wait_dma2 semaphore(%run_scoped3A : memref<!tpu.dma_semaphore, #tpu.memory_space<semaphore_mem>>) src(%arg6 : memref<128xf32, #tpu.memory_space<vmem>>) dst(%dma_wait3A_99 : memref<128xf32, #tpu.memory_space<vmem_shared>>)
      tpu.yield
    }) : () -> ()
    %mul3A_71 = arith.constant 640 : i32
    %mul3A_72 = arith.muli %arg1, %mul3A_71 : i32
    %add3A_73 = arith.constant 128 : i32
    %add3A_74 = arith.addi %mul3A_72, %add3A_73 : i32
    "tpu.region"() ({
      %run_scoped3A = tpu.sem_alloc : memref<!tpu.dma_semaphore, #tpu.memory_space<semaphore_mem>>
      %dma_start3A = tpu.memref_slice %arg7[%add3A_74] : memref<10240xf32, #tpu.memory_space<vmem_shared>> -> memref<128xf32, #tpu.memory_space<vmem_shared>>
      %dma_start3A_98 = tpu.memref_slice %arg7[%add3A_74] : memref<10240xf32, #tpu.memory_space<vmem_shared>> -> memref<128xf32, #tpu.memory_space<vmem_shared>>
      tpu.enqueue_dma source(%arg6 : memref<128xf32, #tpu.memory_space<vmem>>) target(%dma_start3A_98 : memref<128xf32, #tpu.memory_space<vmem_shared>>) target_semaphore(%run_scoped3A : memref<!tpu.dma_semaphore, #tpu.memory_space<semaphore_mem>>)
      %dma_wait3A = tpu.memref_slice %arg7[%add3A_74] : memref<10240xf32, #tpu.memory_space<vmem_shared>> -> memref<128xf32, #tpu.memory_space<vmem_shared>>
      %dma_wait3A_99 = tpu.memref_slice %arg7[%add3A_74] : memref<10240xf32, #tpu.memory_space<vmem_shared>> -> memref<128xf32, #tpu.memory_space<vmem_shared>>
      tpu.wait_dma2 semaphore(%run_scoped3A : memref<!tpu.dma_semaphore, #tpu.memory_space<semaphore_mem>>) src(%arg6 : memref<128xf32, #tpu.memory_space<vmem>>) dst(%dma_wait3A_99 : memref<128xf32, #tpu.memory_space<vmem_shared>>)
      tpu.yield
    }) : () -> ()
    %mul3A_75 = arith.constant 640 : i32
    %mul3A_76 = arith.muli %arg1, %mul3A_75 : i32
    %add3A_77 = arith.constant 256 : i32
    %add3A_78 = arith.addi %mul3A_76, %add3A_77 : i32
    "tpu.region"() ({
      %run_scoped3A = tpu.sem_alloc : memref<!tpu.dma_semaphore, #tpu.memory_space<semaphore_mem>>
      %dma_start3A = tpu.memref_slice %arg7[%add3A_78] : memref<10240xf32, #tpu.memory_space<vmem_shared>> -> memref<128xf32, #tpu.memory_space<vmem_shared>>
      %dma_start3A_98 = tpu.memref_slice %arg7[%add3A_78] : memref<10240xf32, #tpu.memory_space<vmem_shared>> -> memref<128xf32, #tpu.memory_space<vmem_shared>>
      tpu.enqueue_dma source(%arg6 : memref<128xf32, #tpu.memory_space<vmem>>) target(%dma_start3A_98 : memref<128xf32, #tpu.memory_space<vmem_shared>>) target_semaphore(%run_scoped3A : memref<!tpu.dma_semaphore, #tpu.memory_space<semaphore_mem>>)
      %dma_wait3A = tpu.memref_slice %arg7[%add3A_78] : memref<10240xf32, #tpu.memory_space<vmem_shared>> -> memref<128xf32, #tpu.memory_space<vmem_shared>>
      %dma_wait3A_99 = tpu.memref_slice %arg7[%add3A_78] : memref<10240xf32, #tpu.memory_space<vmem_shared>> -> memref<128xf32, #tpu.memory_space<vmem_shared>>
      tpu.wait_dma2 semaphore(%run_scoped3A : memref<!tpu.dma_semaphore, #tpu.memory_space<semaphore_mem>>) src(%arg6 : memref<128xf32, #tpu.memory_space<vmem>>) dst(%dma_wait3A_99 : memref<128xf32, #tpu.memory_space<vmem_shared>>)
      tpu.yield
    }) : () -> ()
    %mul3A_79 = arith.constant 640 : i32
    %mul3A_80 = arith.muli %arg1, %mul3A_79 : i32
    %add3A_81 = arith.constant 384 : i32
    %add3A_82 = arith.addi %mul3A_80, %add3A_81 : i32
    "tpu.region"() ({
      %run_scoped3A = tpu.sem_alloc : memref<!tpu.dma_semaphore, #tpu.memory_space<semaphore_mem>>
      %dma_start3A = tpu.memref_slice %arg7[%add3A_82] : memref<10240xf32, #tpu.memory_space<vmem_shared>> -> memref<128xf32, #tpu.memory_space<vmem_shared>>
      %dma_start3A_98 = tpu.memref_slice %arg7[%add3A_82] : memref<10240xf32, #tpu.memory_space<vmem_shared>> -> memref<128xf32, #tpu.memory_space<vmem_shared>>
      tpu.enqueue_dma source(%arg6 : memref<128xf32, #tpu.memory_space<vmem>>) target(%dma_start3A_98 : memref<128xf32, #tpu.memory_space<vmem_shared>>) target_semaphore(%run_scoped3A : memref<!tpu.dma_semaphore, #tpu.memory_space<semaphore_mem>>)
      %dma_wait3A = tpu.memref_slice %arg7[%add3A_82] : memref<10240xf32, #tpu.memory_space<vmem_shared>> -> memref<128xf32, #tpu.memory_space<vmem_shared>>
      %dma_wait3A_99 = tpu.memref_slice %arg7[%add3A_82] : memref<10240xf32, #tpu.memory_space<vmem_shared>> -> memref<128xf32, #tpu.memory_space<vmem_shared>>
      tpu.wait_dma2 semaphore(%run_scoped3A : memref<!tpu.dma_semaphore, #tpu.memory_space<semaphore_mem>>) src(%arg6 : memref<128xf32, #tpu.memory_space<vmem>>) dst(%dma_wait3A_99 : memref<128xf32, #tpu.memory_space<vmem_shared>>)
      tpu.yield
    }) : () -> ()
    %mul3A_83 = arith.constant 640 : i32
    %mul3A_84 = arith.muli %arg1, %mul3A_83 : i32
    %add3A_85 = arith.constant 512 : i32
    %add3A_86 = arith.addi %mul3A_84, %add3A_85 : i32
    "tpu.region"() ({
      %run_scoped3A = tpu.sem_alloc : memref<!tpu.dma_semaphore, #tpu.memory_space<semaphore_mem>>
      %dma_start3A = tpu.memref_slice %arg7[%add3A_86] : memref<10240xf32, #tpu.memory_space<vmem_shared>> -> memref<128xf32, #tpu.memory_space<vmem_shared>>
      %dma_start3A_98 = tpu.memref_slice %arg7[%add3A_86] : memref<10240xf32, #tpu.memory_space<vmem_shared>> -> memref<128xf32, #tpu.memory_space<vmem_shared>>
      tpu.enqueue_dma source(%arg6 : memref<128xf32, #tpu.memory_space<vmem>>) target(%dma_start3A_98 : memref<128xf32, #tpu.memory_space<vmem_shared>>) target_semaphore(%run_scoped3A : memref<!tpu.dma_semaphore, #tpu.memory_space<semaphore_mem>>)
      %dma_wait3A = tpu.memref_slice %arg7[%add3A_86] : memref<10240xf32, #tpu.memory_space<vmem_shared>> -> memref<128xf32, #tpu.memory_space<vmem_shared>>
      %dma_wait3A_99 = tpu.memref_slice %arg7[%add3A_86] : memref<10240xf32, #tpu.memory_space<vmem_shared>> -> memref<128xf32, #tpu.memory_space<vmem_shared>>
      tpu.wait_dma2 semaphore(%run_scoped3A : memref<!tpu.dma_semaphore, #tpu.memory_space<semaphore_mem>>) src(%arg6 : memref<128xf32, #tpu.memory_space<vmem>>) dst(%dma_wait3A_99 : memref<128xf32, #tpu.memory_space<vmem_shared>>)
      tpu.yield
    }) : () -> ()
    %barrier3A = arith.constant 0 : index
    tpu.barrier barrier_id(%barrier3A)
    %scan3A = arith.constant 0 : i32
    %scan3A_87 = arith.constant 0 : i32
    %scan3A_88 = arith.constant 80 : i32
    %scan3A_89 = arith.addi %scan3A_87, %scan3A_88 : i32
    %scan3A_90 = arith.constant 1 : i32
    %scan3A_91 = scf.for %scan3A_98 = %scan3A_87 to %scan3A_89 step %scan3A_90 iter_args(%scan3A_99 = %scan3A) -> (i32)  : i32 {
      %mul3A_100 = arith.constant 80 : i32
      %mul3A_101 = arith.muli %add3A, %mul3A_100 : i32
      %mul3A_102 = arith.constant 128 : i32
      %mul3A_103 = arith.muli %mul3A_101, %mul3A_102 : i32
      %mul3A_104 = arith.constant 128 : i32
      %mul3A_105 = arith.muli %scan3A_98, %mul3A_104 : i32
      %add3A_106 = arith.addi %mul3A_103, %mul3A_105 : i32
      %run_scoped3A = arith.constant 0 : i32
      "tpu.region"() ({
        %run_scoped3A_109 = tpu.sem_alloc : memref<!tpu.dma_semaphore, #tpu.memory_space<semaphore_mem>>
        %dma_start3A = arith.constant 0 : i32
        %dma_start3A_110 = tpu.memref_slice %arg4[%run_scoped3A, %dma_start3A] : memref<1x128xi32, #tpu.memory_space<vmem>> -> memref<1x128xi32, #tpu.memory_space<vmem>>
        %dma_start3A_111 = tpu.memref_squeeze %dma_start3A_110 : memref<1x128xi32, #tpu.memory_space<vmem>> -> memref<128xi32, #tpu.memory_space<vmem>>
        %dma_start3A_112 = tpu.memref_slice %arg2[%add3A_106] : memref<327680xi32, #tpu.memory_space<hbm>> -> memref<128xi32, #tpu.memory_space<hbm>>
        %dma_start3A_113 = arith.constant 0 : i32
        %dma_start3A_114 = tpu.memref_slice %arg4[%run_scoped3A, %dma_start3A_113] : memref<1x128xi32, #tpu.memory_space<vmem>> -> memref<1x128xi32, #tpu.memory_space<vmem>>
        %dma_start3A_115 = tpu.memref_squeeze %dma_start3A_114 : memref<1x128xi32, #tpu.memory_space<vmem>> -> memref<128xi32, #tpu.memory_space<vmem>>
        %dma_start3A_116 = tpu.memref_slice %arg2[%add3A_106] : memref<327680xi32, #tpu.memory_space<hbm>> -> memref<128xi32, #tpu.memory_space<hbm>>
        tpu.enqueue_dma source(%dma_start3A_116 : memref<128xi32, #tpu.memory_space<hbm>>) target(%dma_start3A_115 : memref<128xi32, #tpu.memory_space<vmem>>) target_semaphore(%run_scoped3A_109 : memref<!tpu.dma_semaphore, #tpu.memory_space<semaphore_mem>>)
        %dma_wait3A = arith.constant 0 : i32
        %dma_wait3A_117 = tpu.memref_slice %arg4[%run_scoped3A, %dma_wait3A] : memref<1x128xi32, #tpu.memory_space<vmem>> -> memref<1x128xi32, #tpu.memory_space<vmem>>
        %dma_wait3A_118 = tpu.memref_squeeze %dma_wait3A_117 : memref<1x128xi32, #tpu.memory_space<vmem>> -> memref<128xi32, #tpu.memory_space<vmem>>
        %dma_wait3A_119 = tpu.memref_slice %arg2[%add3A_106] : memref<327680xi32, #tpu.memory_space<hbm>> -> memref<128xi32, #tpu.memory_space<hbm>>
        %dma_wait3A_120 = arith.constant 0 : i32
        %dma_wait3A_121 = tpu.memref_slice %arg4[%run_scoped3A, %dma_wait3A_120] : memref<1x128xi32, #tpu.memory_space<vmem>> -> memref<1x128xi32, #tpu.memory_space<vmem>>
        %dma_wait3A_122 = tpu.memref_squeeze %dma_wait3A_121 : memref<1x128xi32, #tpu.memory_space<vmem>> -> memref<128xi32, #tpu.memory_space<vmem>>
        %dma_wait3A_123 = tpu.memref_slice %arg2[%add3A_106] : memref<327680xi32, #tpu.memory_space<hbm>> -> memref<128xi32, #tpu.memory_space<hbm>>
        tpu.wait_dma2 semaphore(%run_scoped3A_109 : memref<!tpu.dma_semaphore, #tpu.memory_space<semaphore_mem>>) src(%dma_wait3A_123 : memref<128xi32, #tpu.memory_space<hbm>>) dst(%dma_wait3A_122 : memref<128xi32, #tpu.memory_space<vmem>>)
        tpu.yield
      }) : () -> ()
      %run_scoped3A_107 = arith.constant 0 : i32
      "tpu.region"() ({
        %run_scoped3A_109 = tpu.sem_alloc : memref<!tpu.dma_semaphore, #tpu.memory_space<semaphore_mem>>
        %dma_start3A = arith.constant 0 : i32
        %dma_start3A_110 = tpu.memref_slice %arg4[%run_scoped3A_107, %dma_start3A] : memref<1x128xi32, #tpu.memory_space<vmem>> -> memref<1x128xi32, #tpu.memory_space<vmem>>
        %dma_start3A_111 = tpu.memref_squeeze %dma_start3A_110 : memref<1x128xi32, #tpu.memory_space<vmem>> -> memref<128xi32, #tpu.memory_space<vmem>>
        %dma_start3A_112 = arith.constant 0 : i32
        %dma_start3A_113 = tpu.memref_slice %arg7[%dma_start3A_112] : memref<10240xf32, #tpu.memory_space<vmem_shared>> -> memref<10240xf32, #tpu.memory_space<vmem_shared>>
        tpu.enqueue_indirect_dma source(%arg5 : memref<128xf32, #tpu.memory_space<vmem>>) target(%dma_start3A_113 : memref<10240xf32, #tpu.memory_space<vmem_shared>>) offsets(%dma_start3A_111 : memref<128xi32, #tpu.memory_space<vmem>>) semaphore(%run_scoped3A_109 : memref<!tpu.dma_semaphore, #tpu.memory_space<semaphore_mem>>) {add = true}
        %dma_wait3A = arith.constant 0 : i32
        %dma_wait3A_114 = tpu.memref_slice %arg4[%run_scoped3A_107, %dma_wait3A] : memref<1x128xi32, #tpu.memory_space<vmem>> -> memref<1x128xi32, #tpu.memory_space<vmem>>
        %dma_wait3A_115 = tpu.memref_squeeze %dma_wait3A_114 : memref<1x128xi32, #tpu.memory_space<vmem>> -> memref<128xi32, #tpu.memory_space<vmem>>
        %dma_wait3A_116 = arith.constant 0 : i32
        %dma_wait3A_117 = tpu.memref_slice %arg7[%dma_wait3A_116] : memref<10240xf32, #tpu.memory_space<vmem_shared>> -> memref<10240xf32, #tpu.memory_space<vmem_shared>>
        tpu.wait_indirect_dma semaphore(%run_scoped3A_109 : memref<!tpu.dma_semaphore, #tpu.memory_space<semaphore_mem>>) src(%arg5 : memref<128xf32, #tpu.memory_space<vmem>>) dst(%dma_wait3A_117 : memref<10240xf32, #tpu.memory_space<vmem_shared>>)
        tpu.yield
      }) : () -> ()
      %scan3A_108 = arith.constant 0 : i32
      scf.yield %scan3A_108 : i32
    }
    %scan3A_92 = arith.constant 80 : i32
    %barrier3A_93 = arith.constant 0 : index
    tpu.barrier barrier_id(%barrier3A_93)
    %mul3A_94 = arith.constant 640 : i32
    %mul3A_95 = arith.muli %arg1, %mul3A_94 : i32
    %mul3A_96 = arith.constant 640 : i32
    %mul3A_97 = arith.muli %arg1, %mul3A_96 : i32
    "tpu.region"() ({
      %run_scoped3A = tpu.sem_alloc : memref<!tpu.dma_semaphore, #tpu.memory_space<semaphore_mem>>
      %dma_start3A = tpu.memref_slice %arg3[%arg0, %mul3A_97] : memref<2x10240xf32, #tpu.memory_space<hbm>> -> memref<1x640xf32, #tpu.memory_space<hbm>>
      %dma_start3A_98 = tpu.memref_squeeze %dma_start3A : memref<1x640xf32, #tpu.memory_space<hbm>> -> memref<640xf32, #tpu.memory_space<hbm>>
      %dma_start3A_99 = tpu.memref_slice %arg7[%mul3A_95] : memref<10240xf32, #tpu.memory_space<vmem_shared>> -> memref<640xf32, #tpu.memory_space<vmem_shared>>
      tpu.enqueue_dma source(%dma_start3A_99 : memref<640xf32, #tpu.memory_space<vmem_shared>>) target(%dma_start3A_98 : memref<640xf32, #tpu.memory_space<hbm>>) target_semaphore(%run_scoped3A : memref<!tpu.dma_semaphore, #tpu.memory_space<semaphore_mem>>)
      %dma_wait3A = tpu.memref_slice %arg3[%arg0, %mul3A_97] : memref<2x10240xf32, #tpu.memory_space<hbm>> -> memref<1x640xf32, #tpu.memory_space<hbm>>
      %dma_wait3A_100 = tpu.memref_squeeze %dma_wait3A : memref<1x640xf32, #tpu.memory_space<hbm>> -> memref<640xf32, #tpu.memory_space<hbm>>
      %dma_wait3A_101 = tpu.memref_slice %arg7[%mul3A_95] : memref<10240xf32, #tpu.memory_space<vmem_shared>> -> memref<640xf32, #tpu.memory_space<vmem_shared>>
      tpu.wait_dma2 semaphore(%run_scoped3A : memref<!tpu.dma_semaphore, #tpu.memory_space<semaphore_mem>>) src(%dma_wait3A_101 : memref<640xf32, #tpu.memory_space<vmem_shared>>) dst(%dma_wait3A_100 : memref<640xf32, #tpu.memory_space<hbm>>)
      tpu.yield
    }) : () -> ()
    return
  }
}

#map = affine_map<(d0, d1) -> (0, 0, 0)>
module attributes {stable_mosaic.version = 14 : i64} {
  func.func @_sc_scatter_body(%arg0: i32, %arg1: i32, %arg2: memref<2x10000x128xf32, #tpu.memory_space<hbm>>, %arg3: memref<16x160x128xi32, #tpu.memory_space<hbm>>, %arg4: memref<16x160x128xi32, #tpu.memory_space<hbm>>, %arg5: memref<2x10240x128xf32, #tpu.memory_space<hbm>>, %arg6: memref<32x128xi32, #tpu.memory_space<vmem>>, %arg7: memref<32x128xi32, #tpu.memory_space<vmem>>, %arg8: memref<2x128x128xf32, #tpu.memory_space<vmem>>, %arg9: memref<!tpu.dma_semaphore, #tpu.memory_space<semaphore_mem>>, %arg10: memref<!tpu.dma_semaphore, #tpu.memory_space<semaphore_mem>>, %arg11: memref<10240x128xf32, #tpu.memory_space<vmem_shared>>) attributes {dimension_semantics = [#tpu.dimension_semantics<core_parallel>, #tpu.dimension_semantics<subcore_parallel>], iteration_bounds = array<i64: 2, 16>, scalar_prefetch = 0 : i64, scratch_operands = 6 : i64, tpu.core_type = #tpu.core_type<sc_vector_subcore>, window_params = [{transform_indices = #map}, {transform_indices = #map}, {transform_indices = #map}, {transform_indices = #map}]} {
    %broadcast_in_dim3A = arith.constant 0.000000e+00 : f32
    %broadcast_in_dim3A_0 = vector.broadcast %broadcast_in_dim3A : f32 to vector<16xf32>
    %scan3A = arith.constant 0 : i32
    %scan3A_1 = arith.constant 0 : i32
    %scan3A_2 = arith.constant 0 : i32
    %scan3A_3 = arith.constant 128 : i32
    %scan3A_4 = arith.addi %scan3A_2, %scan3A_3 : i32
    %scan3A_5 = arith.constant 1 : i32
    %scan3A_6 = scf.for %scan3A_75 = %scan3A_2 to %scan3A_4 step %scan3A_5 iter_args(%scan3A_76 = %scan3A_1) -> (i32)  : i32 {
      %swap3A = arith.constant 0 : i32
      %swap3A_77 = arith.constant 0 : i32
      %swap3A_78 = tpu.memref_slice %arg8[%scan3A, %swap3A, %swap3A_77] : memref<2x128x128xf32, #tpu.memory_space<vmem>> -> memref<1x128x128xf32, #tpu.memory_space<vmem>>
      %swap3A_79 = tpu.memref_squeeze %swap3A_78 : memref<1x128x128xf32, #tpu.memory_space<vmem>> -> memref<128x128xf32, #tpu.memory_space<vmem>>
      %swap3A_80 = arith.index_cast %scan3A_75 : i32 to index
      %swap3A_81 = arith.constant 0 : index
      %swap3A_82 = tpu.vector_load %swap3A_79[%swap3A_80, %swap3A_81] {strides = array<i32>} : memref<128x128xf32, #tpu.memory_space<vmem>>, vector<1x16xf32>,
      %swap3A_83 = vector.shape_cast %swap3A_82 : vector<1x16xf32> to vector<16xf32>
      %swap3A_84 = vector.shape_cast %broadcast_in_dim3A_0 : vector<16xf32> to vector<1x16xf32>
      tpu.vector_store %swap3A_79[%swap3A_80, %swap3A_81], %swap3A_84 {strides = array<i32>} : memref<128x128xf32, #tpu.memory_space<vmem>>, vector<1x16xf32>,
      %swap3A_85 = arith.constant 0 : i32
      %swap3A_86 = arith.constant 0 : i32
      %swap3A_87 = tpu.memref_slice %arg8[%scan3A, %swap3A_85, %swap3A_86] : memref<2x128x128xf32, #tpu.memory_space<vmem>> -> memref<1x128x128xf32, #tpu.memory_space<vmem>>
      %swap3A_88 = tpu.memref_squeeze %swap3A_87 : memref<1x128x128xf32, #tpu.memory_space<vmem>> -> memref<128x128xf32, #tpu.memory_space<vmem>>
      %swap3A_89 = arith.index_cast %scan3A_75 : i32 to index
      %swap3A_90 = arith.constant 16 : index
      %swap3A_91 = tpu.vector_load %swap3A_88[%swap3A_89, %swap3A_90] {strides = array<i32>} : memref<128x128xf32, #tpu.memory_space<vmem>>, vector<1x16xf32>,
      %swap3A_92 = vector.shape_cast %swap3A_91 : vector<1x16xf32> to vector<16xf32>
      %swap3A_93 = vector.shape_cast %broadcast_in_dim3A_0 : vector<16xf32> to vector<1x16xf32>
      tpu.vector_store %swap3A_88[%swap3A_89, %swap3A_90], %swap3A_93 {strides = array<i32>} : memref<128x128xf32, #tpu.memory_space<vmem>>, vector<1x16xf32>,
      %swap3A_94 = arith.constant 0 : i32
      %swap3A_95 = arith.constant 0 : i32
      %swap3A_96 = tpu.memref_slice %arg8[%scan3A, %swap3A_94, %swap3A_95] : memref<2x128x128xf32, #tpu.memory_space<vmem>> -> memref<1x128x128xf32, #tpu.memory_space<vmem>>
      %swap3A_97 = tpu.memref_squeeze %swap3A_96 : memref<1x128x128xf32, #tpu.memory_space<vmem>> -> memref<128x128xf32, #tpu.memory_space<vmem>>
      %swap3A_98 = arith.index_cast %scan3A_75 : i32 to index
      %swap3A_99 = arith.constant 32 : index
      %swap3A_100 = tpu.vector_load %swap3A_97[%swap3A_98, %swap3A_99] {strides = array<i32>} : memref<128x128xf32, #tpu.memory_space<vmem>>, vector<1x16xf32>,
      %swap3A_101 = vector.shape_cast %swap3A_100 : vector<1x16xf32> to vector<16xf32>
      %swap3A_102 = vector.shape_cast %broadcast_in_dim3A_0 : vector<16xf32> to vector<1x16xf32>
      tpu.vector_store %swap3A_97[%swap3A_98, %swap3A_99], %swap3A_102 {strides = array<i32>} : memref<128x128xf32, #tpu.memory_space<vmem>>, vector<1x16xf32>,
      %swap3A_103 = arith.constant 0 : i32
      %swap3A_104 = arith.constant 0 : i32
      %swap3A_105 = tpu.memref_slice %arg8[%scan3A, %swap3A_103, %swap3A_104] : memref<2x128x128xf32, #tpu.memory_space<vmem>> -> memref<1x128x128xf32, #tpu.memory_space<vmem>>
      %swap3A_106 = tpu.memref_squeeze %swap3A_105 : memref<1x128x128xf32, #tpu.memory_space<vmem>> -> memref<128x128xf32, #tpu.memory_space<vmem>>
      %swap3A_107 = arith.index_cast %scan3A_75 : i32 to index
      %swap3A_108 = arith.constant 48 : index
      %swap3A_109 = tpu.vector_load %swap3A_106[%swap3A_107, %swap3A_108] {strides = array<i32>} : memref<128x128xf32, #tpu.memory_space<vmem>>, vector<1x16xf32>,
      %swap3A_110 = vector.shape_cast %swap3A_109 : vector<1x16xf32> to vector<16xf32>
      %swap3A_111 = vector.shape_cast %broadcast_in_dim3A_0 : vector<16xf32> to vector<1x16xf32>
      tpu.vector_store %swap3A_106[%swap3A_107, %swap3A_108], %swap3A_111 {strides = array<i32>} : memref<128x128xf32, #tpu.memory_space<vmem>>, vector<1x16xf32>,
      %swap3A_112 = arith.constant 0 : i32
      %swap3A_113 = arith.constant 0 : i32
      %swap3A_114 = tpu.memref_slice %arg8[%scan3A, %swap3A_112, %swap3A_113] : memref<2x128x128xf32, #tpu.memory_space<vmem>> -> memref<1x128x128xf32, #tpu.memory_space<vmem>>
      %swap3A_115 = tpu.memref_squeeze %swap3A_114 : memref<1x128x128xf32, #tpu.memory_space<vmem>> -> memref<128x128xf32, #tpu.memory_space<vmem>>
      %swap3A_116 = arith.index_cast %scan3A_75 : i32 to index
      %swap3A_117 = arith.constant 64 : index
      %swap3A_118 = tpu.vector_load %swap3A_115[%swap3A_116, %swap3A_117] {strides = array<i32>} : memref<128x128xf32, #tpu.memory_space<vmem>>, vector<1x16xf32>,
      %swap3A_119 = vector.shape_cast %swap3A_118 : vector<1x16xf32> to vector<16xf32>
      %swap3A_120 = vector.shape_cast %broadcast_in_dim3A_0 : vector<16xf32> to vector<1x16xf32>
      tpu.vector_store %swap3A_115[%swap3A_116, %swap3A_117], %swap3A_120 {strides = array<i32>} : memref<128x128xf32, #tpu.memory_space<vmem>>, vector<1x16xf32>,
      %swap3A_121 = arith.constant 0 : i32
      %swap3A_122 = arith.constant 0 : i32
      %swap3A_123 = tpu.memref_slice %arg8[%scan3A, %swap3A_121, %swap3A_122] : memref<2x128x128xf32, #tpu.memory_space<vmem>> -> memref<1x128x128xf32, #tpu.memory_space<vmem>>
      %swap3A_124 = tpu.memref_squeeze %swap3A_123 : memref<1x128x128xf32, #tpu.memory_space<vmem>> -> memref<128x128xf32, #tpu.memory_space<vmem>>
      %swap3A_125 = arith.index_cast %scan3A_75 : i32 to index
      %swap3A_126 = arith.constant 80 : index
      %swap3A_127 = tpu.vector_load %swap3A_124[%swap3A_125, %swap3A_126] {strides = array<i32>} : memref<128x128xf32, #tpu.memory_space<vmem>>, vector<1x16xf32>,
      %swap3A_128 = vector.shape_cast %swap3A_127 : vector<1x16xf32> to vector<16xf32>
      %swap3A_129 = vector.shape_cast %broadcast_in_dim3A_0 : vector<16xf32> to vector<1x16xf32>
      tpu.vector_store %swap3A_124[%swap3A_125, %swap3A_126], %swap3A_129 {strides = array<i32>} : memref<128x128xf32, #tpu.memory_space<vmem>>, vector<1x16xf32>,
      %swap3A_130 = arith.constant 0 : i32
      %swap3A_131 = arith.constant 0 : i32
      %swap3A_132 = tpu.memref_slice %arg8[%scan3A, %swap3A_130, %swap3A_131] : memref<2x128x128xf32, #tpu.memory_space<vmem>> -> memref<1x128x128xf32, #tpu.memory_space<vmem>>
      %swap3A_133 = tpu.memref_squeeze %swap3A_132 : memref<1x128x128xf32, #tpu.memory_space<vmem>> -> memref<128x128xf32, #tpu.memory_space<vmem>>
      %swap3A_134 = arith.index_cast %scan3A_75 : i32 to index
      %swap3A_135 = arith.constant 96 : index
      %swap3A_136 = tpu.vector_load %swap3A_133[%swap3A_134, %swap3A_135] {strides = array<i32>} : memref<128x128xf32, #tpu.memory_space<vmem>>, vector<1x16xf32>,
      %swap3A_137 = vector.shape_cast %swap3A_136 : vector<1x16xf32> to vector<16xf32>
      %swap3A_138 = vector.shape_cast %broadcast_in_dim3A_0 : vector<16xf32> to vector<1x16xf32>
      tpu.vector_store %swap3A_133[%swap3A_134, %swap3A_135], %swap3A_138 {strides = array<i32>} : memref<128x128xf32, #tpu.memory_space<vmem>>, vector<1x16xf32>,
      %swap3A_139 = arith.constant 0 : i32
      %swap3A_140 = arith.constant 0 : i32
      %swap3A_141 = tpu.memref_slice %arg8[%scan3A, %swap3A_139, %swap3A_140] : memref<2x128x128xf32, #tpu.memory_space<vmem>> -> memref<1x128x128xf32, #tpu.memory_space<vmem>>
      %swap3A_142 = tpu.memref_squeeze %swap3A_141 : memref<1x128x128xf32, #tpu.memory_space<vmem>> -> memref<128x128xf32, #tpu.memory_space<vmem>>
      %swap3A_143 = arith.index_cast %scan3A_75 : i32 to index
      %swap3A_144 = arith.constant 112 : index
      %swap3A_145 = tpu.vector_load %swap3A_142[%swap3A_143, %swap3A_144] {strides = array<i32>} : memref<128x128xf32, #tpu.memory_space<vmem>>, vector<1x16xf32>,
      %swap3A_146 = vector.shape_cast %swap3A_145 : vector<1x16xf32> to vector<16xf32>
      %swap3A_147 = vector.shape_cast %broadcast_in_dim3A_0 : vector<16xf32> to vector<1x16xf32>
      tpu.vector_store %swap3A_142[%swap3A_143, %swap3A_144], %swap3A_147 {strides = array<i32>} : memref<128x128xf32, #tpu.memory_space<vmem>>, vector<1x16xf32>,
      %scan3A_148 = arith.constant 0 : i32
      scf.yield %scan3A_148 : i32
    }
    %scan3A_7 = arith.constant 128 : i32
    %mul3A = arith.constant 640 : i32
    %mul3A_8 = arith.muli %arg1, %mul3A : i32
    %add3A = arith.constant 0 : i32
    %add3A_9 = arith.addi %mul3A_8, %add3A : i32
    %run_scoped3A = arith.constant 0 : i32
    "tpu.region"() ({
      %run_scoped3A_75 = tpu.sem_alloc : memref<!tpu.dma_semaphore, #tpu.memory_space<semaphore_mem>>
      %dma_start3A = arith.constant 0 : i32
      %dma_start3A_76 = arith.constant 0 : i32
      %dma_start3A_77 = tpu.memref_slice %arg8[%run_scoped3A, %dma_start3A, %dma_start3A_76] : memref<2x128x128xf32, #tpu.memory_space<vmem>> -> memref<1x128x128xf32, #tpu.memory_space<vmem>>
      %dma_start3A_78 = tpu.memref_squeeze %dma_start3A_77 : memref<1x128x128xf32, #tpu.memory_space<vmem>> -> memref<128x128xf32, #tpu.memory_space<vmem>>
      %dma_start3A_79 = arith.constant 0 : i32
      %dma_start3A_80 = tpu.memref_slice %arg11[%add3A_9, %dma_start3A_79] : memref<10240x128xf32, #tpu.memory_space<vmem_shared>> -> memref<128x128xf32, #tpu.memory_space<vmem_shared>>
      %dma_start3A_81 = arith.constant 0 : i32
      %dma_start3A_82 = tpu.memref_slice %arg11[%add3A_9, %dma_start3A_81] : memref<10240x128xf32, #tpu.memory_space<vmem_shared>> -> memref<128x128xf32, #tpu.memory_space<vmem_shared>>
      %dma_start3A_83 = arith.constant 0 : i32
      %dma_start3A_84 = arith.constant 0 : i32
      %dma_start3A_85 = tpu.memref_slice %arg8[%run_scoped3A, %dma_start3A_83, %dma_start3A_84] : memref<2x128x128xf32, #tpu.memory_space<vmem>> -> memref<1x128x128xf32, #tpu.memory_space<vmem>>
      %dma_start3A_86 = tpu.memref_squeeze %dma_start3A_85 : memref<1x128x128xf32, #tpu.memory_space<vmem>> -> memref<128x128xf32, #tpu.memory_space<vmem>>
      tpu.enqueue_dma source(%dma_start3A_86 : memref<128x128xf32, #tpu.memory_space<vmem>>) target(%dma_start3A_82 : memref<128x128xf32, #tpu.memory_space<vmem_shared>>) target_semaphore(%run_scoped3A_75 : memref<!tpu.dma_semaphore, #tpu.memory_space<semaphore_mem>>)
      %dma_wait3A_87 = arith.constant 0 : i32
      %dma_wait3A_88 = arith.constant 0 : i32
      %dma_wait3A_89 = tpu.memref_slice %arg8[%run_scoped3A, %dma_wait3A_87, %dma_wait3A_88] : memref<2x128x128xf32, #tpu.memory_space<vmem>> -> memref<1x128x128xf32, #tpu.memory_space<vmem>>
      %dma_wait3A_90 = tpu.memref_squeeze %dma_wait3A_89 : memref<1x128x128xf32, #tpu.memory_space<vmem>> -> memref<128x128xf32, #tpu.memory_space<vmem>>
      %dma_wait3A_91 = arith.constant 0 : i32
      %dma_wait3A_92 = tpu.memref_slice %arg11[%add3A_9, %dma_wait3A_91] : memref<10240x128xf32, #tpu.memory_space<vmem_shared>> -> memref<128x128xf32, #tpu.memory_space<vmem_shared>>
      %dma_wait3A_93 = arith.constant 0 : i32
      %dma_wait3A_94 = tpu.memref_slice %arg11[%add3A_9, %dma_wait3A_93] : memref<10240x128xf32, #tpu.memory_space<vmem_shared>> -> memref<128x128xf32, #tpu.memory_space<vmem_shared>>
      %dma_wait3A_95 = arith.constant 0 : i32
      %dma_wait3A_96 = arith.constant 0 : i32
      %dma_wait3A_97 = tpu.memref_slice %arg8[%run_scoped3A, %dma_wait3A_95, %dma_wait3A_96] : memref<2x128x128xf32, #tpu.memory_space<vmem>> -> memref<1x128x128xf32, #tpu.memory_space<vmem>>
      %dma_wait3A_98 = tpu.memref_squeeze %dma_wait3A_97 : memref<1x128x128xf32, #tpu.memory_space<vmem>> -> memref<128x128xf32, #tpu.memory_space<vmem>>
      tpu.wait_dma2 semaphore(%run_scoped3A_75 : memref<!tpu.dma_semaphore, #tpu.memory_space<semaphore_mem>>) src(%dma_wait3A_98 : memref<128x128xf32, #tpu.memory_space<vmem>>) dst(%dma_wait3A_94 : memref<128x128xf32, #tpu.memory_space<vmem_shared>>)
      tpu.yield
    }) : () -> ()
    %mul3A_10 = arith.constant 640 : i32
    %mul3A_11 = arith.muli %arg1, %mul3A_10 : i32
    %add3A_12 = arith.constant 128 : i32
    %add3A_13 = arith.addi %mul3A_11, %add3A_12 : i32
    %run_scoped3A_14 = arith.constant 0 : i32
    "tpu.region"() ({
      %run_scoped3A_75 = tpu.sem_alloc : memref<!tpu.dma_semaphore, #tpu.memory_space<semaphore_mem>>
      %dma_start3A = arith.constant 0 : i32
      %dma_start3A_76 = arith.constant 0 : i32
      %dma_start3A_77 = tpu.memref_slice %arg8[%run_scoped3A_14, %dma_start3A, %dma_start3A_76] : memref<2x128x128xf32, #tpu.memory_space<vmem>> -> memref<1x128x128xf32, #tpu.memory_space<vmem>>
      %dma_start3A_78 = tpu.memref_squeeze %dma_start3A_77 : memref<1x128x128xf32, #tpu.memory_space<vmem>> -> memref<128x128xf32, #tpu.memory_space<vmem>>
      %dma_start3A_79 = arith.constant 0 : i32
      %dma_start3A_80 = tpu.memref_slice %arg11[%add3A_13, %dma_start3A_79] : memref<10240x128xf32, #tpu.memory_space<vmem_shared>> -> memref<128x128xf32, #tpu.memory_space<vmem_shared>>
      %dma_start3A_81 = arith.constant 0 : i32
      %dma_start3A_82 = tpu.memref_slice %arg11[%add3A_13, %dma_start3A_81] : memref<10240x128xf32, #tpu.memory_space<vmem_shared>> -> memref<128x128xf32, #tpu.memory_space<vmem_shared>>
      %dma_start3A_83 = arith.constant 0 : i32
      %dma_start3A_84 = arith.constant 0 : i32
      %dma_start3A_85 = tpu.memref_slice %arg8[%run_scoped3A_14, %dma_start3A_83, %dma_start3A_84] : memref<2x128x128xf32, #tpu.memory_space<vmem>> -> memref<1x128x128xf32, #tpu.memory_space<vmem>>
      %dma_start3A_86 = tpu.memref_squeeze %dma_start3A_85 : memref<1x128x128xf32, #tpu.memory_space<vmem>> -> memref<128x128xf32, #tpu.memory_space<vmem>>
      tpu.enqueue_dma source(%dma_start3A_86 : memref<128x128xf32, #tpu.memory_space<vmem>>) target(%dma_start3A_82 : memref<128x128xf32, #tpu.memory_space<vmem_shared>>) target_semaphore(%run_scoped3A_75 : memref<!tpu.dma_semaphore, #tpu.memory_space<semaphore_mem>>)
      %dma_wait3A_87 = arith.constant 0 : i32
      %dma_wait3A_88 = arith.constant 0 : i32
      %dma_wait3A_89 = tpu.memref_slice %arg8[%run_scoped3A_14, %dma_wait3A_87, %dma_wait3A_88] : memref<2x128x128xf32, #tpu.memory_space<vmem>> -> memref<1x128x128xf32, #tpu.memory_space<vmem>>
      %dma_wait3A_90 = tpu.memref_squeeze %dma_wait3A_89 : memref<1x128x128xf32, #tpu.memory_space<vmem>> -> memref<128x128xf32, #tpu.memory_space<vmem>>
      %dma_wait3A_91 = arith.constant 0 : i32
      %dma_wait3A_92 = tpu.memref_slice %arg11[%add3A_13, %dma_wait3A_91] : memref<10240x128xf32, #tpu.memory_space<vmem_shared>> -> memref<128x128xf32, #tpu.memory_space<vmem_shared>>
      %dma_wait3A_93 = arith.constant 0 : i32
      %dma_wait3A_94 = tpu.memref_slice %arg11[%add3A_13, %dma_wait3A_93] : memref<10240x128xf32, #tpu.memory_space<vmem_shared>> -> memref<128x128xf32, #tpu.memory_space<vmem_shared>>
      %dma_wait3A_95 = arith.constant 0 : i32
      %dma_wait3A_96 = arith.constant 0 : i32
      %dma_wait3A_97 = tpu.memref_slice %arg8[%run_scoped3A_14, %dma_wait3A_95, %dma_wait3A_96] : memref<2x128x128xf32, #tpu.memory_space<vmem>> -> memref<1x128x128xf32, #tpu.memory_space<vmem>>
      %dma_wait3A_98 = tpu.memref_squeeze %dma_wait3A_97 : memref<1x128x128xf32, #tpu.memory_space<vmem>> -> memref<128x128xf32, #tpu.memory_space<vmem>>
      tpu.wait_dma2 semaphore(%run_scoped3A_75 : memref<!tpu.dma_semaphore, #tpu.memory_space<semaphore_mem>>) src(%dma_wait3A_98 : memref<128x128xf32, #tpu.memory_space<vmem>>) dst(%dma_wait3A_94 : memref<128x128xf32, #tpu.memory_space<vmem_shared>>)
      tpu.yield
    }) : () -> ()
    %mul3A_15 = arith.constant 640 : i32
    %mul3A_16 = arith.muli %arg1, %mul3A_15 : i32
    %add3A_17 = arith.constant 256 : i32
    %add3A_18 = arith.addi %mul3A_16, %add3A_17 : i32
    %run_scoped3A_19 = arith.constant 0 : i32
    "tpu.region"() ({
      %run_scoped3A_75 = tpu.sem_alloc : memref<!tpu.dma_semaphore, #tpu.memory_space<semaphore_mem>>
      %dma_start3A = arith.constant 0 : i32
      %dma_start3A_76 = arith.constant 0 : i32
      %dma_start3A_77 = tpu.memref_slice %arg8[%run_scoped3A_19, %dma_start3A, %dma_start3A_76] : memref<2x128x128xf32, #tpu.memory_space<vmem>> -> memref<1x128x128xf32, #tpu.memory_space<vmem>>
      %dma_start3A_78 = tpu.memref_squeeze %dma_start3A_77 : memref<1x128x128xf32, #tpu.memory_space<vmem>> -> memref<128x128xf32, #tpu.memory_space<vmem>>
      %dma_start3A_79 = arith.constant 0 : i32
      %dma_start3A_80 = tpu.memref_slice %arg11[%add3A_18, %dma_start3A_79] : memref<10240x128xf32, #tpu.memory_space<vmem_shared>> -> memref<128x128xf32, #tpu.memory_space<vmem_shared>>
      %dma_start3A_81 = arith.constant 0 : i32
      %dma_start3A_82 = tpu.memref_slice %arg11[%add3A_18, %dma_start3A_81] : memref<10240x128xf32, #tpu.memory_space<vmem_shared>> -> memref<128x128xf32, #tpu.memory_space<vmem_shared>>
      %dma_start3A_83 = arith.constant 0 : i32
      %dma_start3A_84 = arith.constant 0 : i32
      %dma_start3A_85 = tpu.memref_slice %arg8[%run_scoped3A_19, %dma_start3A_83, %dma_start3A_84] : memref<2x128x128xf32, #tpu.memory_space<vmem>> -> memref<1x128x128xf32, #tpu.memory_space<vmem>>
      %dma_start3A_86 = tpu.memref_squeeze %dma_start3A_85 : memref<1x128x128xf32, #tpu.memory_space<vmem>> -> memref<128x128xf32, #tpu.memory_space<vmem>>
      tpu.enqueue_dma source(%dma_start3A_86 : memref<128x128xf32, #tpu.memory_space<vmem>>) target(%dma_start3A_82 : memref<128x128xf32, #tpu.memory_space<vmem_shared>>) target_semaphore(%run_scoped3A_75 : memref<!tpu.dma_semaphore, #tpu.memory_space<semaphore_mem>>)
      %dma_wait3A_87 = arith.constant 0 : i32
      %dma_wait3A_88 = arith.constant 0 : i32
      %dma_wait3A_89 = tpu.memref_slice %arg8[%run_scoped3A_19, %dma_wait3A_87, %dma_wait3A_88] : memref<2x128x128xf32, #tpu.memory_space<vmem>> -> memref<1x128x128xf32, #tpu.memory_space<vmem>>
      %dma_wait3A_90 = tpu.memref_squeeze %dma_wait3A_89 : memref<1x128x128xf32, #tpu.memory_space<vmem>> -> memref<128x128xf32, #tpu.memory_space<vmem>>
      %dma_wait3A_91 = arith.constant 0 : i32
      %dma_wait3A_92 = tpu.memref_slice %arg11[%add3A_18, %dma_wait3A_91] : memref<10240x128xf32, #tpu.memory_space<vmem_shared>> -> memref<128x128xf32, #tpu.memory_space<vmem_shared>>
      %dma_wait3A_93 = arith.constant 0 : i32
      %dma_wait3A_94 = tpu.memref_slice %arg11[%add3A_18, %dma_wait3A_93] : memref<10240x128xf32, #tpu.memory_space<vmem_shared>> -> memref<128x128xf32, #tpu.memory_space<vmem_shared>>
      %dma_wait3A_95 = arith.constant 0 : i32
      %dma_wait3A_96 = arith.constant 0 : i32
      %dma_wait3A_97 = tpu.memref_slice %arg8[%run_scoped3A_19, %dma_wait3A_95, %dma_wait3A_96] : memref<2x128x128xf32, #tpu.memory_space<vmem>> -> memref<1x128x128xf32, #tpu.memory_space<vmem>>
      %dma_wait3A_98 = tpu.memref_squeeze %dma_wait3A_97 : memref<1x128x128xf32, #tpu.memory_space<vmem>> -> memref<128x128xf32, #tpu.memory_space<vmem>>
      tpu.wait_dma2 semaphore(%run_scoped3A_75 : memref<!tpu.dma_semaphore, #tpu.memory_space<semaphore_mem>>) src(%dma_wait3A_98 : memref<128x128xf32, #tpu.memory_space<vmem>>) dst(%dma_wait3A_94 : memref<128x128xf32, #tpu.memory_space<vmem_shared>>)
      tpu.yield
    }) : () -> ()
    %mul3A_20 = arith.constant 640 : i32
    %mul3A_21 = arith.muli %arg1, %mul3A_20 : i32
    %add3A_22 = arith.constant 384 : i32
    %add3A_23 = arith.addi %mul3A_21, %add3A_22 : i32
    %run_scoped3A_24 = arith.constant 0 : i32
    "tpu.region"() ({
      %run_scoped3A_75 = tpu.sem_alloc : memref<!tpu.dma_semaphore, #tpu.memory_space<semaphore_mem>>
      %dma_start3A = arith.constant 0 : i32
      %dma_start3A_76 = arith.constant 0 : i32
      %dma_start3A_77 = tpu.memref_slice %arg8[%run_scoped3A_24, %dma_start3A, %dma_start3A_76] : memref<2x128x128xf32, #tpu.memory_space<vmem>> -> memref<1x128x128xf32, #tpu.memory_space<vmem>>
      %dma_start3A_78 = tpu.memref_squeeze %dma_start3A_77 : memref<1x128x128xf32, #tpu.memory_space<vmem>> -> memref<128x128xf32, #tpu.memory_space<vmem>>
      %dma_start3A_79 = arith.constant 0 : i32
      %dma_start3A_80 = tpu.memref_slice %arg11[%add3A_23, %dma_start3A_79] : memref<10240x128xf32, #tpu.memory_space<vmem_shared>> -> memref<128x128xf32, #tpu.memory_space<vmem_shared>>
      %dma_start3A_81 = arith.constant 0 : i32
      %dma_start3A_82 = tpu.memref_slice %arg11[%add3A_23, %dma_start3A_81] : memref<10240x128xf32, #tpu.memory_space<vmem_shared>> -> memref<128x128xf32, #tpu.memory_space<vmem_shared>>
      %dma_start3A_83 = arith.constant 0 : i32
      %dma_start3A_84 = arith.constant 0 : i32
      %dma_start3A_85 = tpu.memref_slice %arg8[%run_scoped3A_24, %dma_start3A_83, %dma_start3A_84] : memref<2x128x128xf32, #tpu.memory_space<vmem>> -> memref<1x128x128xf32, #tpu.memory_space<vmem>>
      %dma_start3A_86 = tpu.memref_squeeze %dma_start3A_85 : memref<1x128x128xf32, #tpu.memory_space<vmem>> -> memref<128x128xf32, #tpu.memory_space<vmem>>
      tpu.enqueue_dma source(%dma_start3A_86 : memref<128x128xf32, #tpu.memory_space<vmem>>) target(%dma_start3A_82 : memref<128x128xf32, #tpu.memory_space<vmem_shared>>) target_semaphore(%run_scoped3A_75 : memref<!tpu.dma_semaphore, #tpu.memory_space<semaphore_mem>>)
      %dma_wait3A_87 = arith.constant 0 : i32
      %dma_wait3A_88 = arith.constant 0 : i32
      %dma_wait3A_89 = tpu.memref_slice %arg8[%run_scoped3A_24, %dma_wait3A_87, %dma_wait3A_88] : memref<2x128x128xf32, #tpu.memory_space<vmem>> -> memref<1x128x128xf32, #tpu.memory_space<vmem>>
      %dma_wait3A_90 = tpu.memref_squeeze %dma_wait3A_89 : memref<1x128x128xf32, #tpu.memory_space<vmem>> -> memref<128x128xf32, #tpu.memory_space<vmem>>
      %dma_wait3A_91 = arith.constant 0 : i32
      %dma_wait3A_92 = tpu.memref_slice %arg11[%add3A_23, %dma_wait3A_91] : memref<10240x128xf32, #tpu.memory_space<vmem_shared>> -> memref<128x128xf32, #tpu.memory_space<vmem_shared>>
      %dma_wait3A_93 = arith.constant 0 : i32
      %dma_wait3A_94 = tpu.memref_slice %arg11[%add3A_23, %dma_wait3A_93] : memref<10240x128xf32, #tpu.memory_space<vmem_shared>> -> memref<128x128xf32, #tpu.memory_space<vmem_shared>>
      %dma_wait3A_95 = arith.constant 0 : i32
      %dma_wait3A_96 = arith.constant 0 : i32
      %dma_wait3A_97 = tpu.memref_slice %arg8[%run_scoped3A_24, %dma_wait3A_95, %dma_wait3A_96] : memref<2x128x128xf32, #tpu.memory_space<vmem>> -> memref<1x128x128xf32, #tpu.memory_space<vmem>>
      %dma_wait3A_98 = tpu.memref_squeeze %dma_wait3A_97 : memref<1x128x128xf32, #tpu.memory_space<vmem>> -> memref<128x128xf32, #tpu.memory_space<vmem>>
      tpu.wait_dma2 semaphore(%run_scoped3A_75 : memref<!tpu.dma_semaphore, #tpu.memory_space<semaphore_mem>>) src(%dma_wait3A_98 : memref<128x128xf32, #tpu.memory_space<vmem>>) dst(%dma_wait3A_94 : memref<128x128xf32, #tpu.memory_space<vmem_shared>>)
      tpu.yield
    }) : () -> ()
    %mul3A_25 = arith.constant 640 : i32
    %mul3A_26 = arith.muli %arg1, %mul3A_25 : i32
    %add3A_27 = arith.constant 512 : i32
    %add3A_28 = arith.addi %mul3A_26, %add3A_27 : i32
    %run_scoped3A_29 = arith.constant 0 : i32
    "tpu.region"() ({
      %run_scoped3A_75 = tpu.sem_alloc : memref<!tpu.dma_semaphore, #tpu.memory_space<semaphore_mem>>
      %dma_start3A = arith.constant 0 : i32
      %dma_start3A_76 = arith.constant 0 : i32
      %dma_start3A_77 = tpu.memref_slice %arg8[%run_scoped3A_29, %dma_start3A, %dma_start3A_76] : memref<2x128x128xf32, #tpu.memory_space<vmem>> -> memref<1x128x128xf32, #tpu.memory_space<vmem>>
      %dma_start3A_78 = tpu.memref_squeeze %dma_start3A_77 : memref<1x128x128xf32, #tpu.memory_space<vmem>> -> memref<128x128xf32, #tpu.memory_space<vmem>>
      %dma_start3A_79 = arith.constant 0 : i32
      %dma_start3A_80 = tpu.memref_slice %arg11[%add3A_28, %dma_start3A_79] : memref<10240x128xf32, #tpu.memory_space<vmem_shared>> -> memref<128x128xf32, #tpu.memory_space<vmem_shared>>
      %dma_start3A_81 = arith.constant 0 : i32
      %dma_start3A_82 = tpu.memref_slice %arg11[%add3A_28, %dma_start3A_81] : memref<10240x128xf32, #tpu.memory_space<vmem_shared>> -> memref<128x128xf32, #tpu.memory_space<vmem_shared>>
      %dma_start3A_83 = arith.constant 0 : i32
      %dma_start3A_84 = arith.constant 0 : i32
      %dma_start3A_85 = tpu.memref_slice %arg8[%run_scoped3A_29, %dma_start3A_83, %dma_start3A_84] : memref<2x128x128xf32, #tpu.memory_space<vmem>> -> memref<1x128x128xf32, #tpu.memory_space<vmem>>
      %dma_start3A_86 = tpu.memref_squeeze %dma_start3A_85 : memref<1x128x128xf32, #tpu.memory_space<vmem>> -> memref<128x128xf32, #tpu.memory_space<vmem>>
      tpu.enqueue_dma source(%dma_start3A_86 : memref<128x128xf32, #tpu.memory_space<vmem>>) target(%dma_start3A_82 : memref<128x128xf32, #tpu.memory_space<vmem_shared>>) target_semaphore(%run_scoped3A_75 : memref<!tpu.dma_semaphore, #tpu.memory_space<semaphore_mem>>)
      %dma_wait3A_87 = arith.constant 0 : i32
      %dma_wait3A_88 = arith.constant 0 : i32
      %dma_wait3A_89 = tpu.memref_slice %arg8[%run_scoped3A_29, %dma_wait3A_87, %dma_wait3A_88] : memref<2x128x128xf32, #tpu.memory_space<vmem>> -> memref<1x128x128xf32, #tpu.memory_space<vmem>>
      %dma_wait3A_90 = tpu.memref_squeeze %dma_wait3A_89 : memref<1x128x128xf32, #tpu.memory_space<vmem>> -> memref<128x128xf32, #tpu.memory_space<vmem>>
      %dma_wait3A_91 = arith.constant 0 : i32
      %dma_wait3A_92 = tpu.memref_slice %arg11[%add3A_28, %dma_wait3A_91] : memref<10240x128xf32, #tpu.memory_space<vmem_shared>> -> memref<128x128xf32, #tpu.memory_space<vmem_shared>>
      %dma_wait3A_93 = arith.constant 0 : i32
      %dma_wait3A_94 = tpu.memref_slice %arg11[%add3A_28, %dma_wait3A_93] : memref<10240x128xf32, #tpu.memory_space<vmem_shared>> -> memref<128x128xf32, #tpu.memory_space<vmem_shared>>
      %dma_wait3A_95 = arith.constant 0 : i32
      %dma_wait3A_96 = arith.constant 0 : i32
      %dma_wait3A_97 = tpu.memref_slice %arg8[%run_scoped3A_29, %dma_wait3A_95, %dma_wait3A_96] : memref<2x128x128xf32, #tpu.memory_space<vmem>> -> memref<1x128x128xf32, #tpu.memory_space<vmem>>
      %dma_wait3A_98 = tpu.memref_squeeze %dma_wait3A_97 : memref<1x128x128xf32, #tpu.memory_space<vmem>> -> memref<128x128xf32, #tpu.memory_space<vmem>>
      tpu.wait_dma2 semaphore(%run_scoped3A_75 : memref<!tpu.dma_semaphore, #tpu.memory_space<semaphore_mem>>) src(%dma_wait3A_98 : memref<128x128xf32, #tpu.memory_space<vmem>>) dst(%dma_wait3A_94 : memref<128x128xf32, #tpu.memory_space<vmem_shared>>)
      tpu.yield
    }) : () -> ()
    %barrier3A = arith.constant 0 : index
    tpu.barrier barrier_id(%barrier3A)
    %scan3A_30 = arith.constant 0 : i32
    %scan3A_31 = arith.constant 0 : i32
    %scan3A_32 = arith.constant 5 : i32
    %scan3A_33 = arith.addi %scan3A_31, %scan3A_32 : i32
    %scan3A_34 = arith.constant 1 : i32
    %scan3A_35 = scf.for %scan3A_75 = %scan3A_31 to %scan3A_33 step %scan3A_34 iter_args(%scan3A_76 = %scan3A_30) -> (i32)  : i32 {
      %mul3A_77 = arith.constant 32 : i32
      %mul3A_78 = arith.muli %scan3A_75, %mul3A_77 : i32
      "tpu.region"() ({
        %run_scoped3A_89 = tpu.sem_alloc : memref<!tpu.dma_semaphore, #tpu.memory_space<semaphore_mem>>
        %dma_start3A = arith.constant 0 : i32
        %dma_start3A_90 = tpu.memref_slice %arg3[%arg1, %mul3A_78, %dma_start3A] : memref<16x160x128xi32, #tpu.memory_space<hbm>> -> memref<1x32x128xi32, #tpu.memory_space<hbm>>
        %dma_start3A_91 = tpu.memref_squeeze %dma_start3A_90 : memref<1x32x128xi32, #tpu.memory_space<hbm>> -> memref<32x128xi32, #tpu.memory_space<hbm>>
        %dma_start3A_92 = arith.constant 0 : i32
        %dma_start3A_93 = tpu.memref_slice %arg3[%arg1, %mul3A_78, %dma_start3A_92] : memref<16x160x128xi32, #tpu.memory_space<hbm>> -> memref<1x32x128xi32, #tpu.memory_space<hbm>>
        %dma_start3A_94 = tpu.memref_squeeze %dma_start3A_93 : memref<1x32x128xi32, #tpu.memory_space<hbm>> -> memref<32x128xi32, #tpu.memory_space<hbm>>
        tpu.enqueue_dma source(%dma_start3A_94 : memref<32x128xi32, #tpu.memory_space<hbm>>) target(%arg6 : memref<32x128xi32, #tpu.memory_space<vmem>>) target_semaphore(%run_scoped3A_89 : memref<!tpu.dma_semaphore, #tpu.memory_space<semaphore_mem>>)
        %dma_wait3A_95 = arith.constant 0 : i32
        %dma_wait3A_96 = tpu.memref_slice %arg3[%arg1, %mul3A_78, %dma_wait3A_95] : memref<16x160x128xi32, #tpu.memory_space<hbm>> -> memref<1x32x128xi32, #tpu.memory_space<hbm>>
        %dma_wait3A_97 = tpu.memref_squeeze %dma_wait3A_96 : memref<1x32x128xi32, #tpu.memory_space<hbm>> -> memref<32x128xi32, #tpu.memory_space<hbm>>
        %dma_wait3A_98 = arith.constant 0 : i32
        %dma_wait3A_99 = tpu.memref_slice %arg3[%arg1, %mul3A_78, %dma_wait3A_98] : memref<16x160x128xi32, #tpu.memory_space<hbm>> -> memref<1x32x128xi32, #tpu.memory_space<hbm>>
        %dma_wait3A_100 = tpu.memref_squeeze %dma_wait3A_99 : memref<1x32x128xi32, #tpu.memory_space<hbm>> -> memref<32x128xi32, #tpu.memory_space<hbm>>
        tpu.wait_dma2 semaphore(%run_scoped3A_89 : memref<!tpu.dma_semaphore, #tpu.memory_space<semaphore_mem>>) src(%dma_wait3A_100 : memref<32x128xi32, #tpu.memory_space<hbm>>) dst(%arg6 : memref<32x128xi32, #tpu.memory_space<vmem>>)
        tpu.yield
      }) : () -> ()
      %mul3A_79 = arith.constant 32 : i32
      %mul3A_80 = arith.muli %scan3A_75, %mul3A_79 : i32
      "tpu.region"() ({
        %run_scoped3A_89 = tpu.sem_alloc : memref<!tpu.dma_semaphore, #tpu.memory_space<semaphore_mem>>
        %dma_start3A = arith.constant 0 : i32
        %dma_start3A_90 = tpu.memref_slice %arg4[%arg1, %mul3A_80, %dma_start3A] : memref<16x160x128xi32, #tpu.memory_space<hbm>> -> memref<1x32x128xi32, #tpu.memory_space<hbm>>
        %dma_start3A_91 = tpu.memref_squeeze %dma_start3A_90 : memref<1x32x128xi32, #tpu.memory_space<hbm>> -> memref<32x128xi32, #tpu.memory_space<hbm>>
        %dma_start3A_92 = arith.constant 0 : i32
        %dma_start3A_93 = tpu.memref_slice %arg4[%arg1, %mul3A_80, %dma_start3A_92] : memref<16x160x128xi32, #tpu.memory_space<hbm>> -> memref<1x32x128xi32, #tpu.memory_space<hbm>>
        %dma_start3A_94 = tpu.memref_squeeze %dma_start3A_93 : memref<1x32x128xi32, #tpu.memory_space<hbm>> -> memref<32x128xi32, #tpu.memory_space<hbm>>
        tpu.enqueue_dma source(%dma_start3A_94 : memref<32x128xi32, #tpu.memory_space<hbm>>) target(%arg7 : memref<32x128xi32, #tpu.memory_space<vmem>>) target_semaphore(%run_scoped3A_89 : memref<!tpu.dma_semaphore, #tpu.memory_space<semaphore_mem>>)
        %dma_wait3A_95 = arith.constant 0 : i32
        %dma_wait3A_96 = tpu.memref_slice %arg4[%arg1, %mul3A_80, %dma_wait3A_95] : memref<16x160x128xi32, #tpu.memory_space<hbm>> -> memref<1x32x128xi32, #tpu.memory_space<hbm>>
        %dma_wait3A_97 = tpu.memref_squeeze %dma_wait3A_96 : memref<1x32x128xi32, #tpu.memory_space<hbm>> -> memref<32x128xi32, #tpu.memory_space<hbm>>
        %dma_wait3A_98 = arith.constant 0 : i32
        %dma_wait3A_99 = tpu.memref_slice %arg4[%arg1, %mul3A_80, %dma_wait3A_98] : memref<16x160x128xi32, #tpu.memory_space<hbm>> -> memref<1x32x128xi32, #tpu.memory_space<hbm>>
        %dma_wait3A_100 = tpu.memref_squeeze %dma_wait3A_99 : memref<1x32x128xi32, #tpu.memory_space<hbm>> -> memref<32x128xi32, #tpu.memory_space<hbm>>
        tpu.wait_dma2 semaphore(%run_scoped3A_89 : memref<!tpu.dma_semaphore, #tpu.memory_space<semaphore_mem>>) src(%dma_wait3A_100 : memref<32x128xi32, #tpu.memory_space<hbm>>) dst(%arg7 : memref<32x128xi32, #tpu.memory_space<vmem>>)
        tpu.yield
      }) : () -> ()
      %scan3A_81 = arith.constant 0 : i32
      %scan3A_82 = arith.constant 0 : i32
      %scan3A_83 = arith.constant 32 : i32
      %scan3A_84 = arith.addi %scan3A_82, %scan3A_83 : i32
      %scan3A_85 = arith.constant 1 : i32
      %scan3A_86 = scf.for %scan3A_89 = %scan3A_82 to %scan3A_84 step %scan3A_85 iter_args(%scan3A_90 = %scan3A_81) -> (i32)  : i32 {
        %mul3A_91 = arith.constant 32 : i32
        %mul3A_92 = arith.muli %scan3A_75, %mul3A_91 : i32
        %add3A_93 = arith.addi %mul3A_92, %scan3A_89 : i32
        %rem3A = arith.constant 2 : i32
        %rem3A_94 = arith.remsi %add3A_93, %rem3A : i32
        %ge3A = arith.constant 2 : i32
        %ge3A_95 = arith.cmpi sge, %add3A_93, %ge3A : i32
        %convert_element_type3A = arith.extui %ge3A_95 : i1 to i32
        %cond3A = arith.constant 0 : i32
        %cond3A_96 = arith.cmpi ne, %convert_element_type3A, %cond3A : i32
        scf.if %cond3A_96 {
          %dma_wait3A_135 = arith.constant 0 : i32
          %dma_wait3A_136 = arith.constant 0 : i32
          %dma_wait3A_137 = arith.constant 0 : i32
          %dma_wait3A_138 = tpu.memref_slice %arg8[%dma_wait3A_135, %dma_wait3A_136, %dma_wait3A_137] : memref<2x128x128xf32, #tpu.memory_space<vmem>> -> memref<1x128x128xf32, #tpu.memory_space<vmem>>
          %dma_wait3A_139 = tpu.memref_squeeze %dma_wait3A_138 : memref<1x128x128xf32, #tpu.memory_space<vmem>> -> memref<128x128xf32, #tpu.memory_space<vmem>>
          %dma_wait3A_140 = arith.constant 0 : i32
          %dma_wait3A_141 = arith.constant 0 : i32
          %dma_wait3A_142 = tpu.memref_slice %arg2[%arg0, %dma_wait3A_140, %dma_wait3A_141] : memref<2x10000x128xf32, #tpu.memory_space<hbm>> -> memref<1x128x128xf32, #tpu.memory_space<hbm>>
          %dma_wait3A_143 = tpu.memref_squeeze %dma_wait3A_142 : memref<1x128x128xf32, #tpu.memory_space<hbm>> -> memref<128x128xf32, #tpu.memory_space<hbm>>
          %dma_wait3A_144 = arith.constant 0 : i32
          %dma_wait3A_145 = arith.constant 0 : i32
          %dma_wait3A_146 = tpu.memref_slice %arg8[%dma_wait3A_135, %dma_wait3A_144, %dma_wait3A_145] : memref<2x128x128xf32, #tpu.memory_space<vmem>> -> memref<1x128x128xf32, #tpu.memory_space<vmem>>
          %dma_wait3A_147 = tpu.memref_squeeze %dma_wait3A_146 : memref<1x128x128xf32, #tpu.memory_space<vmem>> -> memref<128x128xf32, #tpu.memory_space<vmem>>
          %dma_wait3A_148 = arith.constant 0 : i32
          %dma_wait3A_149 = arith.constant 0 : i32
          %dma_wait3A_150 = tpu.memref_slice %arg2[%arg0, %dma_wait3A_148, %dma_wait3A_149] : memref<2x10000x128xf32, #tpu.memory_space<hbm>> -> memref<1x128x128xf32, #tpu.memory_space<hbm>>
          %dma_wait3A_151 = tpu.memref_squeeze %dma_wait3A_150 : memref<1x128x128xf32, #tpu.memory_space<hbm>> -> memref<128x128xf32, #tpu.memory_space<hbm>>
          tpu.wait_dma2 semaphore(%arg10 : memref<!tpu.dma_semaphore, #tpu.memory_space<semaphore_mem>>) src(%dma_wait3A_151 : memref<128x128xf32, #tpu.memory_space<hbm>>) dst(%dma_wait3A_147 : memref<128x128xf32, #tpu.memory_space<vmem>>)
        } else {
        }
        %dma_start3A = arith.constant 0 : i32
        %dma_start3A_97 = arith.constant 0 : i32
        %dma_start3A_98 = tpu.memref_slice %arg8[%rem3A_94, %dma_start3A, %dma_start3A_97] : memref<2x128x128xf32, #tpu.memory_space<vmem>> -> memref<1x128x128xf32, #tpu.memory_space<vmem>>
        %dma_start3A_99 = tpu.memref_squeeze %dma_start3A_98 : memref<1x128x128xf32, #tpu.memory_space<vmem>> -> memref<128x128xf32, #tpu.memory_space<vmem>>
        %dma_start3A_100 = arith.constant 0 : i32
        %dma_start3A_101 = tpu.memref_slice %arg6[%scan3A_89, %dma_start3A_100] : memref<32x128xi32, #tpu.memory_space<vmem>> -> memref<1x128xi32, #tpu.memory_space<vmem>>
        %dma_start3A_102 = tpu.memref_squeeze %dma_start3A_101 : memref<1x128xi32, #tpu.memory_space<vmem>> -> memref<128xi32, #tpu.memory_space<vmem>>
        %dma_start3A_103 = arith.constant 0 : i32
        %dma_start3A_104 = arith.constant 0 : i32
        %dma_start3A_105 = tpu.memref_slice %arg2[%arg0, %dma_start3A_103, %dma_start3A_104] : memref<2x10000x128xf32, #tpu.memory_space<hbm>> -> memref<1x10000x128xf32, #tpu.memory_space<hbm>>
        %dma_start3A_106 = tpu.memref_squeeze %dma_start3A_105 : memref<1x10000x128xf32, #tpu.memory_space<hbm>> -> memref<10000x128xf32, #tpu.memory_space<hbm>>
        %dma_start3A_107 = arith.constant 0 : i32
        %dma_start3A_108 = arith.constant 0 : i32
        %dma_start3A_109 = tpu.memref_slice %dma_start3A_106[%dma_start3A_107, %dma_start3A_108] : memref<10000x128xf32, #tpu.memory_space<hbm>> -> memref<10000x128xf32, #tpu.memory_space<hbm>>
        tpu.enqueue_indirect_dma source(%dma_start3A_109 : memref<10000x128xf32, #tpu.memory_space<hbm>>) target(%dma_start3A_99 : memref<128x128xf32, #tpu.memory_space<vmem>>) offsets(%dma_start3A_102 : memref<128xi32, #tpu.memory_space<vmem>>) semaphore(%arg9 : memref<!tpu.dma_semaphore, #tpu.memory_space<semaphore_mem>>)
        %dma_wait3A_110 = arith.constant 0 : i32
        %dma_wait3A_111 = arith.constant 0 : i32
        %dma_wait3A_112 = tpu.memref_slice %arg8[%rem3A_94, %dma_wait3A_110, %dma_wait3A_111] : memref<2x128x128xf32, #tpu.memory_space<vmem>> -> memref<1x128x128xf32, #tpu.memory_space<vmem>>
        %dma_wait3A_113 = tpu.memref_squeeze %dma_wait3A_112 : memref<1x128x128xf32, #tpu.memory_space<vmem>> -> memref<128x128xf32, #tpu.memory_space<vmem>>
        %dma_wait3A_114 = arith.constant 0 : i32
        %dma_wait3A_115 = tpu.memref_slice %arg6[%scan3A_89, %dma_wait3A_114] : memref<32x128xi32, #tpu.memory_space<vmem>> -> memref<1x128xi32, #tpu.memory_space<vmem>>
        %dma_wait3A_116 = tpu.memref_squeeze %dma_wait3A_115 : memref<1x128xi32, #tpu.memory_space<vmem>> -> memref<128xi32, #tpu.memory_space<vmem>>
        %dma_wait3A_117 = arith.constant 0 : i32
        %dma_wait3A_118 = arith.constant 0 : i32
        %dma_wait3A_119 = tpu.memref_slice %arg2[%arg0, %dma_wait3A_117, %dma_wait3A_118] : memref<2x10000x128xf32, #tpu.memory_space<hbm>> -> memref<1x10000x128xf32, #tpu.memory_space<hbm>>
        %dma_wait3A_120 = tpu.memref_squeeze %dma_wait3A_119 : memref<1x10000x128xf32, #tpu.memory_space<hbm>> -> memref<10000x128xf32, #tpu.memory_space<hbm>>
        %dma_wait3A_121 = arith.constant 0 : i32
        %dma_wait3A_122 = arith.constant 0 : i32
        %dma_wait3A_123 = tpu.memref_slice %dma_wait3A_120[%dma_wait3A_121, %dma_wait3A_122] : memref<10000x128xf32, #tpu.memory_space<hbm>> -> memref<10000x128xf32, #tpu.memory_space<hbm>>
        tpu.wait_indirect_dma semaphore(%arg9 : memref<!tpu.dma_semaphore, #tpu.memory_space<semaphore_mem>>) src(%dma_wait3A_123 : memref<10000x128xf32, #tpu.memory_space<hbm>>) dst(%dma_wait3A_113 : memref<128x128xf32, #tpu.memory_space<vmem>>)
        %dma_start3A_124 = arith.constant 0 : i32
        %dma_start3A_125 = arith.constant 0 : i32
        %dma_start3A_126 = tpu.memref_slice %arg8[%rem3A_94, %dma_start3A_124, %dma_start3A_125] : memref<2x128x128xf32, #tpu.memory_space<vmem>> -> memref<1x128x128xf32, #tpu.memory_space<vmem>>
        %dma_start3A_127 = tpu.memref_squeeze %dma_start3A_126 : memref<1x128x128xf32, #tpu.memory_space<vmem>> -> memref<128x128xf32, #tpu.memory_space<vmem>>
        %dma_start3A_128 = arith.constant 0 : i32
        %dma_start3A_129 = tpu.memref_slice %arg7[%scan3A_89, %dma_start3A_128] : memref<32x128xi32, #tpu.memory_space<vmem>> -> memref<1x128xi32, #tpu.memory_space<vmem>>
        %dma_start3A_130 = tpu.memref_squeeze %dma_start3A_129 : memref<1x128xi32, #tpu.memory_space<vmem>> -> memref<128xi32, #tpu.memory_space<vmem>>
        %dma_start3A_131 = arith.constant 0 : i32
        %dma_start3A_132 = arith.constant 0 : i32
        %dma_start3A_133 = tpu.memref_slice %arg11[%dma_start3A_131, %dma_start3A_132] : memref<10240x128xf32, #tpu.memory_space<vmem_shared>> -> memref<10240x128xf32, #tpu.memory_space<vmem_shared>>
        tpu.enqueue_indirect_dma source(%dma_start3A_127 : memref<128x128xf32, #tpu.memory_space<vmem>>) target(%dma_start3A_133 : memref<10240x128xf32, #tpu.memory_space<vmem_shared>>) offsets(%dma_start3A_130 : memref<128xi32, #tpu.memory_space<vmem>>) semaphore(%arg10 : memref<!tpu.dma_semaphore, #tpu.memory_space<semaphore_mem>>) {add = true}
        %scan3A_134 = arith.constant 0 : i32
        scf.yield %scan3A_134 : i32
      }
      %scan3A_87 = arith.constant 32 : i32
      %scan3A_88 = arith.constant 0 : i32
      scf.yield %scan3A_88 : i32
    }
    %scan3A_36 = arith.constant 5 : i32
    %dma_wait3A = arith.constant 0 : i32
    %dma_wait3A_37 = arith.constant 0 : i32
    %dma_wait3A_38 = arith.constant 0 : i32
    %dma_wait3A_39 = tpu.memref_slice %arg8[%dma_wait3A, %dma_wait3A_37, %dma_wait3A_38] : memref<2x128x128xf32, #tpu.memory_space<vmem>> -> memref<1x128x128xf32, #tpu.memory_space<vmem>>
    %dma_wait3A_40 = tpu.memref_squeeze %dma_wait3A_39 : memref<1x128x128xf32, #tpu.memory_space<vmem>> -> memref<128x128xf32, #tpu.memory_space<vmem>>
    %dma_wait3A_41 = arith.constant 0 : i32
    %dma_wait3A_42 = arith.constant 0 : i32
    %dma_wait3A_43 = tpu.memref_slice %arg2[%arg0, %dma_wait3A_41, %dma_wait3A_42] : memref<2x10000x128xf32, #tpu.memory_space<hbm>> -> memref<1x128x128xf32, #tpu.memory_space<hbm>>
    %dma_wait3A_44 = tpu.memref_squeeze %dma_wait3A_43 : memref<1x128x128xf32, #tpu.memory_space<hbm>> -> memref<128x128xf32, #tpu.memory_space<hbm>>
    %dma_wait3A_45 = arith.constant 0 : i32
    %dma_wait3A_46 = arith.constant 0 : i32
    %dma_wait3A_47 = tpu.memref_slice %arg8[%dma_wait3A, %dma_wait3A_45, %dma_wait3A_46] : memref<2x128x128xf32, #tpu.memory_space<vmem>> -> memref<1x128x128xf32, #tpu.memory_space<vmem>>
    %dma_wait3A_48 = tpu.memref_squeeze %dma_wait3A_47 : memref<1x128x128xf32, #tpu.memory_space<vmem>> -> memref<128x128xf32, #tpu.memory_space<vmem>>
    %dma_wait3A_49 = arith.constant 0 : i32
    %dma_wait3A_50 = arith.constant 0 : i32
    %dma_wait3A_51 = tpu.memref_slice %arg2[%arg0, %dma_wait3A_49, %dma_wait3A_50] : memref<2x10000x128xf32, #tpu.memory_space<hbm>> -> memref<1x128x128xf32, #tpu.memory_space<hbm>>
    %dma_wait3A_52 = tpu.memref_squeeze %dma_wait3A_51 : memref<1x128x128xf32, #tpu.memory_space<hbm>> -> memref<128x128xf32, #tpu.memory_space<hbm>>
    tpu.wait_dma2 semaphore(%arg10 : memref<!tpu.dma_semaphore, #tpu.memory_space<semaphore_mem>>) src(%dma_wait3A_52 : memref<128x128xf32, #tpu.memory_space<hbm>>) dst(%dma_wait3A_48 : memref<128x128xf32, #tpu.memory_space<vmem>>)
    %dma_wait3A_53 = arith.constant 0 : i32
    %dma_wait3A_54 = arith.constant 0 : i32
    %dma_wait3A_55 = arith.constant 0 : i32
    %dma_wait3A_56 = tpu.memref_slice %arg8[%dma_wait3A_53, %dma_wait3A_54, %dma_wait3A_55] : memref<2x128x128xf32, #tpu.memory_space<vmem>> -> memref<1x128x128xf32, #tpu.memory_space<vmem>>
    %dma_wait3A_57 = tpu.memref_squeeze %dma_wait3A_56 : memref<1x128x128xf32, #tpu.memory_space<vmem>> -> memref<128x128xf32, #tpu.memory_space<vmem>>
    %dma_wait3A_58 = arith.constant 0 : i32
    %dma_wait3A_59 = arith.constant 0 : i32
    %dma_wait3A_60 = tpu.memref_slice %arg2[%arg0, %dma_wait3A_58, %dma_wait3A_59] : memref<2x10000x128xf32, #tpu.memory_space<hbm>> -> memref<1x128x128xf32, #tpu.memory_space<hbm>>
    %dma_wait3A_61 = tpu.memref_squeeze %dma_wait3A_60 : memref<1x128x128xf32, #tpu.memory_space<hbm>> -> memref<128x128xf32, #tpu.memory_space<hbm>>
    %dma_wait3A_62 = arith.constant 0 : i32
    %dma_wait3A_63 = arith.constant 0 : i32
    %dma_wait3A_64 = tpu.memref_slice %arg8[%dma_wait3A_53, %dma_wait3A_62, %dma_wait3A_63] : memref<2x128x128xf32, #tpu.memory_space<vmem>> -> memref<1x128x128xf32, #tpu.memory_space<vmem>>
    %dma_wait3A_65 = tpu.memref_squeeze %dma_wait3A_64 : memref<1x128x128xf32, #tpu.memory_space<vmem>> -> memref<128x128xf32, #tpu.memory_space<vmem>>
    %dma_wait3A_66 = arith.constant 0 : i32
    %dma_wait3A_67 = arith.constant 0 : i32
    %dma_wait3A_68 = tpu.memref_slice %arg2[%arg0, %dma_wait3A_66, %dma_wait3A_67] : memref<2x10000x128xf32, #tpu.memory_space<hbm>> -> memref<1x128x128xf32, #tpu.memory_space<hbm>>
    %dma_wait3A_69 = tpu.memref_squeeze %dma_wait3A_68 : memref<1x128x128xf32, #tpu.memory_space<hbm>> -> memref<128x128xf32, #tpu.memory_space<hbm>>
    tpu.wait_dma2 semaphore(%arg10 : memref<!tpu.dma_semaphore, #tpu.memory_space<semaphore_mem>>) src(%dma_wait3A_69 : memref<128x128xf32, #tpu.memory_space<hbm>>) dst(%dma_wait3A_65 : memref<128x128xf32, #tpu.memory_space<vmem>>)
    %barrier3A_70 = arith.constant 0 : index
    tpu.barrier barrier_id(%barrier3A_70)
    %mul3A_71 = arith.constant 640 : i32
    %mul3A_72 = arith.muli %arg1, %mul3A_71 : i32
    %mul3A_73 = arith.constant 640 : i32
    %mul3A_74 = arith.muli %arg1, %mul3A_73 : i32
    "tpu.region"() ({
      %run_scoped3A_75 = tpu.sem_alloc : memref<!tpu.dma_semaphore, #tpu.memory_space<semaphore_mem>>
      %dma_start3A = arith.constant 0 : i32
      %dma_start3A_76 = tpu.memref_slice %arg5[%arg0, %mul3A_74, %dma_start3A] : memref<2x10240x128xf32, #tpu.memory_space<hbm>> -> memref<1x640x128xf32, #tpu.memory_space<hbm>>
      %dma_start3A_77 = tpu.memref_squeeze %dma_start3A_76 : memref<1x640x128xf32, #tpu.memory_space<hbm>> -> memref<640x128xf32, #tpu.memory_space<hbm>>
      %dma_start3A_78 = arith.constant 0 : i32
      %dma_start3A_79 = tpu.memref_slice %arg11[%mul3A_72, %dma_start3A_78] : memref<10240x128xf32, #tpu.memory_space<vmem_shared>> -> memref<640x128xf32, #tpu.memory_space<vmem_shared>>
      tpu.enqueue_dma source(%dma_start3A_79 : memref<640x128xf32, #tpu.memory_space<vmem_shared>>) target(%dma_start3A_77 : memref<640x128xf32, #tpu.memory_space<hbm>>) target_semaphore(%run_scoped3A_75 : memref<!tpu.dma_semaphore, #tpu.memory_space<semaphore_mem>>)
      %dma_wait3A_80 = arith.constant 0 : i32
      %dma_wait3A_81 = tpu.memref_slice %arg5[%arg0, %mul3A_74, %dma_wait3A_80] : memref<2x10240x128xf32, #tpu.memory_space<hbm>> -> memref<1x640x128xf32, #tpu.memory_space<hbm>>
      %dma_wait3A_82 = tpu.memref_squeeze %dma_wait3A_81 : memref<1x640x128xf32, #tpu.memory_space<hbm>> -> memref<640x128xf32, #tpu.memory_space<hbm>>
      %dma_wait3A_83 = arith.constant 0 : i32
      %dma_wait3A_84 = tpu.memref_slice %arg11[%mul3A_72, %dma_wait3A_83] : memref<10240x128xf32, #tpu.memory_space<vmem_shared>> -> memref<640x128xf32, #tpu.memory_space<vmem_shared>>
      tpu.wait_dma2 semaphore(%run_scoped3A_75 : memref<!tpu.dma_semaphore, #tpu.memory_space<semaphore_mem>>) src(%dma_wait3A_84 : memref<640x128xf32, #tpu.memory_space<vmem_shared>>) dst(%dma_wait3A_82 : memref<640x128xf32, #tpu.memory_space<hbm>>)
      tpu.yield
    }) : () -> ()
    return
  }
}

#map = affine_map<(d0, d1) -> (0, 0, 0)>
module attributes {stable_mosaic.version = 14 : i64} {
  func.func @_sc_scatter_body(%arg0: i32, %arg1: i32, %arg2: memref<2x10000x128xf32, #tpu.memory_space<hbm>>, %arg3: memref<16x160x128xi32, #tpu.memory_space<hbm>>, %arg4: memref<16x160x128xi32, #tpu.memory_space<hbm>>, %arg5: memref<2x10240x128xf32, #tpu.memory_space<hbm>>, %arg6: memref<32x128xi32, #tpu.memory_space<vmem>>, %arg7: memref<32x128xi32, #tpu.memory_space<vmem>>, %arg8: memref<2x128x128xf32, #tpu.memory_space<vmem>>, %arg9: memref<!tpu.dma_semaphore, #tpu.memory_space<semaphore_mem>>, %arg10: memref<!tpu.dma_semaphore, #tpu.memory_space<semaphore_mem>>, %arg11: memref<10240x128xf32, #tpu.memory_space<vmem_shared>>) attributes {dimension_semantics = [#tpu.dimension_semantics<core_parallel>, #tpu.dimension_semantics<subcore_parallel>], iteration_bounds = array<i64: 2, 16>, scalar_prefetch = 0 : i64, scratch_operands = 6 : i64, tpu.core_type = #tpu.core_type<sc_vector_subcore>, window_params = [{transform_indices = #map}, {transform_indices = #map}, {transform_indices = #map}, {transform_indices = #map}]} {
    %broadcast_in_dim3A = arith.constant 0.000000e+00 : f32
    %broadcast_in_dim3A_0 = vector.broadcast %broadcast_in_dim3A : f32 to vector<16xf32>
    %scan3A = arith.constant 0 : i32
    %scan3A_1 = arith.constant 0 : i32
    %scan3A_2 = arith.constant 0 : i32
    %scan3A_3 = arith.constant 128 : i32
    %scan3A_4 = arith.addi %scan3A_2, %scan3A_3 : i32
    %scan3A_5 = arith.constant 1 : i32
    %scan3A_6 = scf.for %scan3A_75 = %scan3A_2 to %scan3A_4 step %scan3A_5 iter_args(%scan3A_76 = %scan3A_1) -> (i32)  : i32 {
      %swap3A = arith.constant 0 : i32
      %swap3A_77 = arith.constant 0 : i32
      %swap3A_78 = tpu.memref_slice %arg8[%scan3A, %swap3A, %swap3A_77] : memref<2x128x128xf32, #tpu.memory_space<vmem>> -> memref<1x128x128xf32, #tpu.memory_space<vmem>>
      %swap3A_79 = tpu.memref_squeeze %swap3A_78 : memref<1x128x128xf32, #tpu.memory_space<vmem>> -> memref<128x128xf32, #tpu.memory_space<vmem>>
      %swap3A_80 = arith.index_cast %scan3A_75 : i32 to index
      %swap3A_81 = arith.constant 0 : index
      %swap3A_82 = tpu.vector_load %swap3A_79[%swap3A_80, %swap3A_81] {strides = array<i32>} : memref<128x128xf32, #tpu.memory_space<vmem>>, vector<1x16xf32>,
      %swap3A_83 = vector.shape_cast %swap3A_82 : vector<1x16xf32> to vector<16xf32>
      %swap3A_84 = vector.shape_cast %broadcast_in_dim3A_0 : vector<16xf32> to vector<1x16xf32>
      tpu.vector_store %swap3A_79[%swap3A_80, %swap3A_81], %swap3A_84 {strides = array<i32>} : memref<128x128xf32, #tpu.memory_space<vmem>>, vector<1x16xf32>,
      %swap3A_85 = arith.constant 0 : i32
      %swap3A_86 = arith.constant 0 : i32
      %swap3A_87 = tpu.memref_slice %arg8[%scan3A, %swap3A_85, %swap3A_86] : memref<2x128x128xf32, #tpu.memory_space<vmem>> -> memref<1x128x128xf32, #tpu.memory_space<vmem>>
      %swap3A_88 = tpu.memref_squeeze %swap3A_87 : memref<1x128x128xf32, #tpu.memory_space<vmem>> -> memref<128x128xf32, #tpu.memory_space<vmem>>
      %swap3A_89 = arith.index_cast %scan3A_75 : i32 to index
      %swap3A_90 = arith.constant 16 : index
      %swap3A_91 = tpu.vector_load %swap3A_88[%swap3A_89, %swap3A_90] {strides = array<i32>} : memref<128x128xf32, #tpu.memory_space<vmem>>, vector<1x16xf32>,
      %swap3A_92 = vector.shape_cast %swap3A_91 : vector<1x16xf32> to vector<16xf32>
      %swap3A_93 = vector.shape_cast %broadcast_in_dim3A_0 : vector<16xf32> to vector<1x16xf32>
      tpu.vector_store %swap3A_88[%swap3A_89, %swap3A_90], %swap3A_93 {strides = array<i32>} : memref<128x128xf32, #tpu.memory_space<vmem>>, vector<1x16xf32>,
      %swap3A_94 = arith.constant 0 : i32
      %swap3A_95 = arith.constant 0 : i32
      %swap3A_96 = tpu.memref_slice %arg8[%scan3A, %swap3A_94, %swap3A_95] : memref<2x128x128xf32, #tpu.memory_space<vmem>> -> memref<1x128x128xf32, #tpu.memory_space<vmem>>
      %swap3A_97 = tpu.memref_squeeze %swap3A_96 : memref<1x128x128xf32, #tpu.memory_space<vmem>> -> memref<128x128xf32, #tpu.memory_space<vmem>>
      %swap3A_98 = arith.index_cast %scan3A_75 : i32 to index
      %swap3A_99 = arith.constant 32 : index
      %swap3A_100 = tpu.vector_load %swap3A_97[%swap3A_98, %swap3A_99] {strides = array<i32>} : memref<128x128xf32, #tpu.memory_space<vmem>>, vector<1x16xf32>,
      %swap3A_101 = vector.shape_cast %swap3A_100 : vector<1x16xf32> to vector<16xf32>
      %swap3A_102 = vector.shape_cast %broadcast_in_dim3A_0 : vector<16xf32> to vector<1x16xf32>
      tpu.vector_store %swap3A_97[%swap3A_98, %swap3A_99], %swap3A_102 {strides = array<i32>} : memref<128x128xf32, #tpu.memory_space<vmem>>, vector<1x16xf32>,
      %swap3A_103 = arith.constant 0 : i32
      %swap3A_104 = arith.constant 0 : i32
      %swap3A_105 = tpu.memref_slice %arg8[%scan3A, %swap3A_103, %swap3A_104] : memref<2x128x128xf32, #tpu.memory_space<vmem>> -> memref<1x128x128xf32, #tpu.memory_space<vmem>>
      %swap3A_106 = tpu.memref_squeeze %swap3A_105 : memref<1x128x128xf32, #tpu.memory_space<vmem>> -> memref<128x128xf32, #tpu.memory_space<vmem>>
      %swap3A_107 = arith.index_cast %scan3A_75 : i32 to index
      %swap3A_108 = arith.constant 48 : index
      %swap3A_109 = tpu.vector_load %swap3A_106[%swap3A_107, %swap3A_108] {strides = array<i32>} : memref<128x128xf32, #tpu.memory_space<vmem>>, vector<1x16xf32>,
      %swap3A_110 = vector.shape_cast %swap3A_109 : vector<1x16xf32> to vector<16xf32>
      %swap3A_111 = vector.shape_cast %broadcast_in_dim3A_0 : vector<16xf32> to vector<1x16xf32>
      tpu.vector_store %swap3A_106[%swap3A_107, %swap3A_108], %swap3A_111 {strides = array<i32>} : memref<128x128xf32, #tpu.memory_space<vmem>>, vector<1x16xf32>,
      %swap3A_112 = arith.constant 0 : i32
      %swap3A_113 = arith.constant 0 : i32
      %swap3A_114 = tpu.memref_slice %arg8[%scan3A, %swap3A_112, %swap3A_113] : memref<2x128x128xf32, #tpu.memory_space<vmem>> -> memref<1x128x128xf32, #tpu.memory_space<vmem>>
      %swap3A_115 = tpu.memref_squeeze %swap3A_114 : memref<1x128x128xf32, #tpu.memory_space<vmem>> -> memref<128x128xf32, #tpu.memory_space<vmem>>
      %swap3A_116 = arith.index_cast %scan3A_75 : i32 to index
      %swap3A_117 = arith.constant 64 : index
      %swap3A_118 = tpu.vector_load %swap3A_115[%swap3A_116, %swap3A_117] {strides = array<i32>} : memref<128x128xf32, #tpu.memory_space<vmem>>, vector<1x16xf32>,
      %swap3A_119 = vector.shape_cast %swap3A_118 : vector<1x16xf32> to vector<16xf32>
      %swap3A_120 = vector.shape_cast %broadcast_in_dim3A_0 : vector<16xf32> to vector<1x16xf32>
      tpu.vector_store %swap3A_115[%swap3A_116, %swap3A_117], %swap3A_120 {strides = array<i32>} : memref<128x128xf32, #tpu.memory_space<vmem>>, vector<1x16xf32>,
      %swap3A_121 = arith.constant 0 : i32
      %swap3A_122 = arith.constant 0 : i32
      %swap3A_123 = tpu.memref_slice %arg8[%scan3A, %swap3A_121, %swap3A_122] : memref<2x128x128xf32, #tpu.memory_space<vmem>> -> memref<1x128x128xf32, #tpu.memory_space<vmem>>
      %swap3A_124 = tpu.memref_squeeze %swap3A_123 : memref<1x128x128xf32, #tpu.memory_space<vmem>> -> memref<128x128xf32, #tpu.memory_space<vmem>>
      %swap3A_125 = arith.index_cast %scan3A_75 : i32 to index
      %swap3A_126 = arith.constant 80 : index
      %swap3A_127 = tpu.vector_load %swap3A_124[%swap3A_125, %swap3A_126] {strides = array<i32>} : memref<128x128xf32, #tpu.memory_space<vmem>>, vector<1x16xf32>,
      %swap3A_128 = vector.shape_cast %swap3A_127 : vector<1x16xf32> to vector<16xf32>
      %swap3A_129 = vector.shape_cast %broadcast_in_dim3A_0 : vector<16xf32> to vector<1x16xf32>
      tpu.vector_store %swap3A_124[%swap3A_125, %swap3A_126], %swap3A_129 {strides = array<i32>} : memref<128x128xf32, #tpu.memory_space<vmem>>, vector<1x16xf32>,
      %swap3A_130 = arith.constant 0 : i32
      %swap3A_131 = arith.constant 0 : i32
      %swap3A_132 = tpu.memref_slice %arg8[%scan3A, %swap3A_130, %swap3A_131] : memref<2x128x128xf32, #tpu.memory_space<vmem>> -> memref<1x128x128xf32, #tpu.memory_space<vmem>>
      %swap3A_133 = tpu.memref_squeeze %swap3A_132 : memref<1x128x128xf32, #tpu.memory_space<vmem>> -> memref<128x128xf32, #tpu.memory_space<vmem>>
      %swap3A_134 = arith.index_cast %scan3A_75 : i32 to index
      %swap3A_135 = arith.constant 96 : index
      %swap3A_136 = tpu.vector_load %swap3A_133[%swap3A_134, %swap3A_135] {strides = array<i32>} : memref<128x128xf32, #tpu.memory_space<vmem>>, vector<1x16xf32>,
      %swap3A_137 = vector.shape_cast %swap3A_136 : vector<1x16xf32> to vector<16xf32>
      %swap3A_138 = vector.shape_cast %broadcast_in_dim3A_0 : vector<16xf32> to vector<1x16xf32>
      tpu.vector_store %swap3A_133[%swap3A_134, %swap3A_135], %swap3A_138 {strides = array<i32>} : memref<128x128xf32, #tpu.memory_space<vmem>>, vector<1x16xf32>,
      %swap3A_139 = arith.constant 0 : i32
      %swap3A_140 = arith.constant 0 : i32
      %swap3A_141 = tpu.memref_slice %arg8[%scan3A, %swap3A_139, %swap3A_140] : memref<2x128x128xf32, #tpu.memory_space<vmem>> -> memref<1x128x128xf32, #tpu.memory_space<vmem>>
      %swap3A_142 = tpu.memref_squeeze %swap3A_141 : memref<1x128x128xf32, #tpu.memory_space<vmem>> -> memref<128x128xf32, #tpu.memory_space<vmem>>
      %swap3A_143 = arith.index_cast %scan3A_75 : i32 to index
      %swap3A_144 = arith.constant 112 : index
      %swap3A_145 = tpu.vector_load %swap3A_142[%swap3A_143, %swap3A_144] {strides = array<i32>} : memref<128x128xf32, #tpu.memory_space<vmem>>, vector<1x16xf32>,
      %swap3A_146 = vector.shape_cast %swap3A_145 : vector<1x16xf32> to vector<16xf32>
      %swap3A_147 = vector.shape_cast %broadcast_in_dim3A_0 : vector<16xf32> to vector<1x16xf32>
      tpu.vector_store %swap3A_142[%swap3A_143, %swap3A_144], %swap3A_147 {strides = array<i32>} : memref<128x128xf32, #tpu.memory_space<vmem>>, vector<1x16xf32>,
      %scan3A_148 = arith.constant 0 : i32
      scf.yield %scan3A_148 : i32
    }
    %scan3A_7 = arith.constant 128 : i32
    %mul3A = arith.constant 640 : i32
    %mul3A_8 = arith.muli %arg1, %mul3A : i32
    %add3A = arith.constant 0 : i32
    %add3A_9 = arith.addi %mul3A_8, %add3A : i32
    %run_scoped3A = arith.constant 0 : i32
    "tpu.region"() ({
      %run_scoped3A_75 = tpu.sem_alloc : memref<!tpu.dma_semaphore, #tpu.memory_space<semaphore_mem>>
      %dma_start3A = arith.constant 0 : i32
      %dma_start3A_76 = arith.constant 0 : i32
      %dma_start3A_77 = tpu.memref_slice %arg8[%run_scoped3A, %dma_start3A, %dma_start3A_76] : memref<2x128x128xf32, #tpu.memory_space<vmem>> -> memref<1x128x128xf32, #tpu.memory_space<vmem>>
      %dma_start3A_78 = tpu.memref_squeeze %dma_start3A_77 : memref<1x128x128xf32, #tpu.memory_space<vmem>> -> memref<128x128xf32, #tpu.memory_space<vmem>>
      %dma_start3A_79 = arith.constant 0 : i32
      %dma_start3A_80 = tpu.memref_slice %arg11[%add3A_9, %dma_start3A_79] : memref<10240x128xf32, #tpu.memory_space<vmem_shared>> -> memref<128x128xf32, #tpu.memory_space<vmem_shared>>
      %dma_start3A_81 = arith.constant 0 : i32
      %dma_start3A_82 = tpu.memref_slice %arg11[%add3A_9, %dma_start3A_81] : memref<10240x128xf32, #tpu.memory_space<vmem_shared>> -> memref<128x128xf32, #tpu.memory_space<vmem_shared>>
      %dma_start3A_83 = arith.constant 0 : i32
      %dma_start3A_84 = arith.constant 0 : i32
      %dma_start3A_85 = tpu.memref_slice %arg8[%run_scoped3A, %dma_start3A_83, %dma_start3A_84] : memref<2x128x128xf32, #tpu.memory_space<vmem>> -> memref<1x128x128xf32, #tpu.memory_space<vmem>>
      %dma_start3A_86 = tpu.memref_squeeze %dma_start3A_85 : memref<1x128x128xf32, #tpu.memory_space<vmem>> -> memref<128x128xf32, #tpu.memory_space<vmem>>
      tpu.enqueue_dma source(%dma_start3A_86 : memref<128x128xf32, #tpu.memory_space<vmem>>) target(%dma_start3A_82 : memref<128x128xf32, #tpu.memory_space<vmem_shared>>) target_semaphore(%run_scoped3A_75 : memref<!tpu.dma_semaphore, #tpu.memory_space<semaphore_mem>>)
      %dma_wait3A_87 = arith.constant 0 : i32
      %dma_wait3A_88 = arith.constant 0 : i32
      %dma_wait3A_89 = tpu.memref_slice %arg8[%run_scoped3A, %dma_wait3A_87, %dma_wait3A_88] : memref<2x128x128xf32, #tpu.memory_space<vmem>> -> memref<1x128x128xf32, #tpu.memory_space<vmem>>
      %dma_wait3A_90 = tpu.memref_squeeze %dma_wait3A_89 : memref<1x128x128xf32, #tpu.memory_space<vmem>> -> memref<128x128xf32, #tpu.memory_space<vmem>>
      %dma_wait3A_91 = arith.constant 0 : i32
      %dma_wait3A_92 = tpu.memref_slice %arg11[%add3A_9, %dma_wait3A_91] : memref<10240x128xf32, #tpu.memory_space<vmem_shared>> -> memref<128x128xf32, #tpu.memory_space<vmem_shared>>
      %dma_wait3A_93 = arith.constant 0 : i32
      %dma_wait3A_94 = tpu.memref_slice %arg11[%add3A_9, %dma_wait3A_93] : memref<10240x128xf32, #tpu.memory_space<vmem_shared>> -> memref<128x128xf32, #tpu.memory_space<vmem_shared>>
      %dma_wait3A_95 = arith.constant 0 : i32
      %dma_wait3A_96 = arith.constant 0 : i32
      %dma_wait3A_97 = tpu.memref_slice %arg8[%run_scoped3A, %dma_wait3A_95, %dma_wait3A_96] : memref<2x128x128xf32, #tpu.memory_space<vmem>> -> memref<1x128x128xf32, #tpu.memory_space<vmem>>
      %dma_wait3A_98 = tpu.memref_squeeze %dma_wait3A_97 : memref<1x128x128xf32, #tpu.memory_space<vmem>> -> memref<128x128xf32, #tpu.memory_space<vmem>>
      tpu.wait_dma2 semaphore(%run_scoped3A_75 : memref<!tpu.dma_semaphore, #tpu.memory_space<semaphore_mem>>) src(%dma_wait3A_98 : memref<128x128xf32, #tpu.memory_space<vmem>>) dst(%dma_wait3A_94 : memref<128x128xf32, #tpu.memory_space<vmem_shared>>)
      tpu.yield
    }) : () -> ()
    %mul3A_10 = arith.constant 640 : i32
    %mul3A_11 = arith.muli %arg1, %mul3A_10 : i32
    %add3A_12 = arith.constant 128 : i32
    %add3A_13 = arith.addi %mul3A_11, %add3A_12 : i32
    %run_scoped3A_14 = arith.constant 0 : i32
    "tpu.region"() ({
      %run_scoped3A_75 = tpu.sem_alloc : memref<!tpu.dma_semaphore, #tpu.memory_space<semaphore_mem>>
      %dma_start3A = arith.constant 0 : i32
      %dma_start3A_76 = arith.constant 0 : i32
      %dma_start3A_77 = tpu.memref_slice %arg8[%run_scoped3A_14, %dma_start3A, %dma_start3A_76] : memref<2x128x128xf32, #tpu.memory_space<vmem>> -> memref<1x128x128xf32, #tpu.memory_space<vmem>>
      %dma_start3A_78 = tpu.memref_squeeze %dma_start3A_77 : memref<1x128x128xf32, #tpu.memory_space<vmem>> -> memref<128x128xf32, #tpu.memory_space<vmem>>
      %dma_start3A_79 = arith.constant 0 : i32
      %dma_start3A_80 = tpu.memref_slice %arg11[%add3A_13, %dma_start3A_79] : memref<10240x128xf32, #tpu.memory_space<vmem_shared>> -> memref<128x128xf32, #tpu.memory_space<vmem_shared>>
      %dma_start3A_81 = arith.constant 0 : i32
      %dma_start3A_82 = tpu.memref_slice %arg11[%add3A_13, %dma_start3A_81] : memref<10240x128xf32, #tpu.memory_space<vmem_shared>> -> memref<128x128xf32, #tpu.memory_space<vmem_shared>>
      %dma_start3A_83 = arith.constant 0 : i32
      %dma_start3A_84 = arith.constant 0 : i32
      %dma_start3A_85 = tpu.memref_slice %arg8[%run_scoped3A_14, %dma_start3A_83, %dma_start3A_84] : memref<2x128x128xf32, #tpu.memory_space<vmem>> -> memref<1x128x128xf32, #tpu.memory_space<vmem>>
      %dma_start3A_86 = tpu.memref_squeeze %dma_start3A_85 : memref<1x128x128xf32, #tpu.memory_space<vmem>> -> memref<128x128xf32, #tpu.memory_space<vmem>>
      tpu.enqueue_dma source(%dma_start3A_86 : memref<128x128xf32, #tpu.memory_space<vmem>>) target(%dma_start3A_82 : memref<128x128xf32, #tpu.memory_space<vmem_shared>>) target_semaphore(%run_scoped3A_75 : memref<!tpu.dma_semaphore, #tpu.memory_space<semaphore_mem>>)
      %dma_wait3A_87 = arith.constant 0 : i32
      %dma_wait3A_88 = arith.constant 0 : i32
      %dma_wait3A_89 = tpu.memref_slice %arg8[%run_scoped3A_14, %dma_wait3A_87, %dma_wait3A_88] : memref<2x128x128xf32, #tpu.memory_space<vmem>> -> memref<1x128x128xf32, #tpu.memory_space<vmem>>
      %dma_wait3A_90 = tpu.memref_squeeze %dma_wait3A_89 : memref<1x128x128xf32, #tpu.memory_space<vmem>> -> memref<128x128xf32, #tpu.memory_space<vmem>>
      %dma_wait3A_91 = arith.constant 0 : i32
      %dma_wait3A_92 = tpu.memref_slice %arg11[%add3A_13, %dma_wait3A_91] : memref<10240x128xf32, #tpu.memory_space<vmem_shared>> -> memref<128x128xf32, #tpu.memory_space<vmem_shared>>
      %dma_wait3A_93 = arith.constant 0 : i32
      %dma_wait3A_94 = tpu.memref_slice %arg11[%add3A_13, %dma_wait3A_93] : memref<10240x128xf32, #tpu.memory_space<vmem_shared>> -> memref<128x128xf32, #tpu.memory_space<vmem_shared>>
      %dma_wait3A_95 = arith.constant 0 : i32
      %dma_wait3A_96 = arith.constant 0 : i32
      %dma_wait3A_97 = tpu.memref_slice %arg8[%run_scoped3A_14, %dma_wait3A_95, %dma_wait3A_96] : memref<2x128x128xf32, #tpu.memory_space<vmem>> -> memref<1x128x128xf32, #tpu.memory_space<vmem>>
      %dma_wait3A_98 = tpu.memref_squeeze %dma_wait3A_97 : memref<1x128x128xf32, #tpu.memory_space<vmem>> -> memref<128x128xf32, #tpu.memory_space<vmem>>
      tpu.wait_dma2 semaphore(%run_scoped3A_75 : memref<!tpu.dma_semaphore, #tpu.memory_space<semaphore_mem>>) src(%dma_wait3A_98 : memref<128x128xf32, #tpu.memory_space<vmem>>) dst(%dma_wait3A_94 : memref<128x128xf32, #tpu.memory_space<vmem_shared>>)
      tpu.yield
    }) : () -> ()
    %mul3A_15 = arith.constant 640 : i32
    %mul3A_16 = arith.muli %arg1, %mul3A_15 : i32
    %add3A_17 = arith.constant 256 : i32
    %add3A_18 = arith.addi %mul3A_16, %add3A_17 : i32
    %run_scoped3A_19 = arith.constant 0 : i32
    "tpu.region"() ({
      %run_scoped3A_75 = tpu.sem_alloc : memref<!tpu.dma_semaphore, #tpu.memory_space<semaphore_mem>>
      %dma_start3A = arith.constant 0 : i32
      %dma_start3A_76 = arith.constant 0 : i32
      %dma_start3A_77 = tpu.memref_slice %arg8[%run_scoped3A_19, %dma_start3A, %dma_start3A_76] : memref<2x128x128xf32, #tpu.memory_space<vmem>> -> memref<1x128x128xf32, #tpu.memory_space<vmem>>
      %dma_start3A_78 = tpu.memref_squeeze %dma_start3A_77 : memref<1x128x128xf32, #tpu.memory_space<vmem>> -> memref<128x128xf32, #tpu.memory_space<vmem>>
      %dma_start3A_79 = arith.constant 0 : i32
      %dma_start3A_80 = tpu.memref_slice %arg11[%add3A_18, %dma_start3A_79] : memref<10240x128xf32, #tpu.memory_space<vmem_shared>> -> memref<128x128xf32, #tpu.memory_space<vmem_shared>>
      %dma_start3A_81 = arith.constant 0 : i32
      %dma_start3A_82 = tpu.memref_slice %arg11[%add3A_18, %dma_start3A_81] : memref<10240x128xf32, #tpu.memory_space<vmem_shared>> -> memref<128x128xf32, #tpu.memory_space<vmem_shared>>
      %dma_start3A_83 = arith.constant 0 : i32
      %dma_start3A_84 = arith.constant 0 : i32
      %dma_start3A_85 = tpu.memref_slice %arg8[%run_scoped3A_19, %dma_start3A_83, %dma_start3A_84] : memref<2x128x128xf32, #tpu.memory_space<vmem>> -> memref<1x128x128xf32, #tpu.memory_space<vmem>>
      %dma_start3A_86 = tpu.memref_squeeze %dma_start3A_85 : memref<1x128x128xf32, #tpu.memory_space<vmem>> -> memref<128x128xf32, #tpu.memory_space<vmem>>
      tpu.enqueue_dma source(%dma_start3A_86 : memref<128x128xf32, #tpu.memory_space<vmem>>) target(%dma_start3A_82 : memref<128x128xf32, #tpu.memory_space<vmem_shared>>) target_semaphore(%run_scoped3A_75 : memref<!tpu.dma_semaphore, #tpu.memory_space<semaphore_mem>>)
      %dma_wait3A_87 = arith.constant 0 : i32
      %dma_wait3A_88 = arith.constant 0 : i32
      %dma_wait3A_89 = tpu.memref_slice %arg8[%run_scoped3A_19, %dma_wait3A_87, %dma_wait3A_88] : memref<2x128x128xf32, #tpu.memory_space<vmem>> -> memref<1x128x128xf32, #tpu.memory_space<vmem>>
      %dma_wait3A_90 = tpu.memref_squeeze %dma_wait3A_89 : memref<1x128x128xf32, #tpu.memory_space<vmem>> -> memref<128x128xf32, #tpu.memory_space<vmem>>
      %dma_wait3A_91 = arith.constant 0 : i32
      %dma_wait3A_92 = tpu.memref_slice %arg11[%add3A_18, %dma_wait3A_91] : memref<10240x128xf32, #tpu.memory_space<vmem_shared>> -> memref<128x128xf32, #tpu.memory_space<vmem_shared>>
      %dma_wait3A_93 = arith.constant 0 : i32
      %dma_wait3A_94 = tpu.memref_slice %arg11[%add3A_18, %dma_wait3A_93] : memref<10240x128xf32, #tpu.memory_space<vmem_shared>> -> memref<128x128xf32, #tpu.memory_space<vmem_shared>>
      %dma_wait3A_95 = arith.constant 0 : i32
      %dma_wait3A_96 = arith.constant 0 : i32
      %dma_wait3A_97 = tpu.memref_slice %arg8[%run_scoped3A_19, %dma_wait3A_95, %dma_wait3A_96] : memref<2x128x128xf32, #tpu.memory_space<vmem>> -> memref<1x128x128xf32, #tpu.memory_space<vmem>>
      %dma_wait3A_98 = tpu.memref_squeeze %dma_wait3A_97 : memref<1x128x128xf32, #tpu.memory_space<vmem>> -> memref<128x128xf32, #tpu.memory_space<vmem>>
      tpu.wait_dma2 semaphore(%run_scoped3A_75 : memref<!tpu.dma_semaphore, #tpu.memory_space<semaphore_mem>>) src(%dma_wait3A_98 : memref<128x128xf32, #tpu.memory_space<vmem>>) dst(%dma_wait3A_94 : memref<128x128xf32, #tpu.memory_space<vmem_shared>>)
      tpu.yield
    }) : () -> ()
    %mul3A_20 = arith.constant 640 : i32
    %mul3A_21 = arith.muli %arg1, %mul3A_20 : i32
    %add3A_22 = arith.constant 384 : i32
    %add3A_23 = arith.addi %mul3A_21, %add3A_22 : i32
    %run_scoped3A_24 = arith.constant 0 : i32
    "tpu.region"() ({
      %run_scoped3A_75 = tpu.sem_alloc : memref<!tpu.dma_semaphore, #tpu.memory_space<semaphore_mem>>
      %dma_start3A = arith.constant 0 : i32
      %dma_start3A_76 = arith.constant 0 : i32
      %dma_start3A_77 = tpu.memref_slice %arg8[%run_scoped3A_24, %dma_start3A, %dma_start3A_76] : memref<2x128x128xf32, #tpu.memory_space<vmem>> -> memref<1x128x128xf32, #tpu.memory_space<vmem>>
      %dma_start3A_78 = tpu.memref_squeeze %dma_start3A_77 : memref<1x128x128xf32, #tpu.memory_space<vmem>> -> memref<128x128xf32, #tpu.memory_space<vmem>>
      %dma_start3A_79 = arith.constant 0 : i32
      %dma_start3A_80 = tpu.memref_slice %arg11[%add3A_23, %dma_start3A_79] : memref<10240x128xf32, #tpu.memory_space<vmem_shared>> -> memref<128x128xf32, #tpu.memory_space<vmem_shared>>
      %dma_start3A_81 = arith.constant 0 : i32
      %dma_start3A_82 = tpu.memref_slice %arg11[%add3A_23, %dma_start3A_81] : memref<10240x128xf32, #tpu.memory_space<vmem_shared>> -> memref<128x128xf32, #tpu.memory_space<vmem_shared>>
      %dma_start3A_83 = arith.constant 0 : i32
      %dma_start3A_84 = arith.constant 0 : i32
      %dma_start3A_85 = tpu.memref_slice %arg8[%run_scoped3A_24, %dma_start3A_83, %dma_start3A_84] : memref<2x128x128xf32, #tpu.memory_space<vmem>> -> memref<1x128x128xf32, #tpu.memory_space<vmem>>
      %dma_start3A_86 = tpu.memref_squeeze %dma_start3A_85 : memref<1x128x128xf32, #tpu.memory_space<vmem>> -> memref<128x128xf32, #tpu.memory_space<vmem>>
      tpu.enqueue_dma source(%dma_start3A_86 : memref<128x128xf32, #tpu.memory_space<vmem>>) target(%dma_start3A_82 : memref<128x128xf32, #tpu.memory_space<vmem_shared>>) target_semaphore(%run_scoped3A_75 : memref<!tpu.dma_semaphore, #tpu.memory_space<semaphore_mem>>)
      %dma_wait3A_87 = arith.constant 0 : i32
      %dma_wait3A_88 = arith.constant 0 : i32
      %dma_wait3A_89 = tpu.memref_slice %arg8[%run_scoped3A_24, %dma_wait3A_87, %dma_wait3A_88] : memref<2x128x128xf32, #tpu.memory_space<vmem>> -> memref<1x128x128xf32, #tpu.memory_space<vmem>>
      %dma_wait3A_90 = tpu.memref_squeeze %dma_wait3A_89 : memref<1x128x128xf32, #tpu.memory_space<vmem>> -> memref<128x128xf32, #tpu.memory_space<vmem>>
      %dma_wait3A_91 = arith.constant 0 : i32
      %dma_wait3A_92 = tpu.memref_slice %arg11[%add3A_23, %dma_wait3A_91] : memref<10240x128xf32, #tpu.memory_space<vmem_shared>> -> memref<128x128xf32, #tpu.memory_space<vmem_shared>>
      %dma_wait3A_93 = arith.constant 0 : i32
      %dma_wait3A_94 = tpu.memref_slice %arg11[%add3A_23, %dma_wait3A_93] : memref<10240x128xf32, #tpu.memory_space<vmem_shared>> -> memref<128x128xf32, #tpu.memory_space<vmem_shared>>
      %dma_wait3A_95 = arith.constant 0 : i32
      %dma_wait3A_96 = arith.constant 0 : i32
      %dma_wait3A_97 = tpu.memref_slice %arg8[%run_scoped3A_24, %dma_wait3A_95, %dma_wait3A_96] : memref<2x128x128xf32, #tpu.memory_space<vmem>> -> memref<1x128x128xf32, #tpu.memory_space<vmem>>
      %dma_wait3A_98 = tpu.memref_squeeze %dma_wait3A_97 : memref<1x128x128xf32, #tpu.memory_space<vmem>> -> memref<128x128xf32, #tpu.memory_space<vmem>>
      tpu.wait_dma2 semaphore(%run_scoped3A_75 : memref<!tpu.dma_semaphore, #tpu.memory_space<semaphore_mem>>) src(%dma_wait3A_98 : memref<128x128xf32, #tpu.memory_space<vmem>>) dst(%dma_wait3A_94 : memref<128x128xf32, #tpu.memory_space<vmem_shared>>)
      tpu.yield
    }) : () -> ()
    %mul3A_25 = arith.constant 640 : i32
    %mul3A_26 = arith.muli %arg1, %mul3A_25 : i32
    %add3A_27 = arith.constant 512 : i32
    %add3A_28 = arith.addi %mul3A_26, %add3A_27 : i32
    %run_scoped3A_29 = arith.constant 0 : i32
    "tpu.region"() ({
      %run_scoped3A_75 = tpu.sem_alloc : memref<!tpu.dma_semaphore, #tpu.memory_space<semaphore_mem>>
      %dma_start3A = arith.constant 0 : i32
      %dma_start3A_76 = arith.constant 0 : i32
      %dma_start3A_77 = tpu.memref_slice %arg8[%run_scoped3A_29, %dma_start3A, %dma_start3A_76] : memref<2x128x128xf32, #tpu.memory_space<vmem>> -> memref<1x128x128xf32, #tpu.memory_space<vmem>>
      %dma_start3A_78 = tpu.memref_squeeze %dma_start3A_77 : memref<1x128x128xf32, #tpu.memory_space<vmem>> -> memref<128x128xf32, #tpu.memory_space<vmem>>
      %dma_start3A_79 = arith.constant 0 : i32
      %dma_start3A_80 = tpu.memref_slice %arg11[%add3A_28, %dma_start3A_79] : memref<10240x128xf32, #tpu.memory_space<vmem_shared>> -> memref<128x128xf32, #tpu.memory_space<vmem_shared>>
      %dma_start3A_81 = arith.constant 0 : i32
      %dma_start3A_82 = tpu.memref_slice %arg11[%add3A_28, %dma_start3A_81] : memref<10240x128xf32, #tpu.memory_space<vmem_shared>> -> memref<128x128xf32, #tpu.memory_space<vmem_shared>>
      %dma_start3A_83 = arith.constant 0 : i32
      %dma_start3A_84 = arith.constant 0 : i32
      %dma_start3A_85 = tpu.memref_slice %arg8[%run_scoped3A_29, %dma_start3A_83, %dma_start3A_84] : memref<2x128x128xf32, #tpu.memory_space<vmem>> -> memref<1x128x128xf32, #tpu.memory_space<vmem>>
      %dma_start3A_86 = tpu.memref_squeeze %dma_start3A_85 : memref<1x128x128xf32, #tpu.memory_space<vmem>> -> memref<128x128xf32, #tpu.memory_space<vmem>>
      tpu.enqueue_dma source(%dma_start3A_86 : memref<128x128xf32, #tpu.memory_space<vmem>>) target(%dma_start3A_82 : memref<128x128xf32, #tpu.memory_space<vmem_shared>>) target_semaphore(%run_scoped3A_75 : memref<!tpu.dma_semaphore, #tpu.memory_space<semaphore_mem>>)
      %dma_wait3A_87 = arith.constant 0 : i32
      %dma_wait3A_88 = arith.constant 0 : i32
      %dma_wait3A_89 = tpu.memref_slice %arg8[%run_scoped3A_29, %dma_wait3A_87, %dma_wait3A_88] : memref<2x128x128xf32, #tpu.memory_space<vmem>> -> memref<1x128x128xf32, #tpu.memory_space<vmem>>
      %dma_wait3A_90 = tpu.memref_squeeze %dma_wait3A_89 : memref<1x128x128xf32, #tpu.memory_space<vmem>> -> memref<128x128xf32, #tpu.memory_space<vmem>>
      %dma_wait3A_91 = arith.constant 0 : i32
      %dma_wait3A_92 = tpu.memref_slice %arg11[%add3A_28, %dma_wait3A_91] : memref<10240x128xf32, #tpu.memory_space<vmem_shared>> -> memref<128x128xf32, #tpu.memory_space<vmem_shared>>
      %dma_wait3A_93 = arith.constant 0 : i32
      %dma_wait3A_94 = tpu.memref_slice %arg11[%add3A_28, %dma_wait3A_93] : memref<10240x128xf32, #tpu.memory_space<vmem_shared>> -> memref<128x128xf32, #tpu.memory_space<vmem_shared>>
      %dma_wait3A_95 = arith.constant 0 : i32
      %dma_wait3A_96 = arith.constant 0 : i32
      %dma_wait3A_97 = tpu.memref_slice %arg8[%run_scoped3A_29, %dma_wait3A_95, %dma_wait3A_96] : memref<2x128x128xf32, #tpu.memory_space<vmem>> -> memref<1x128x128xf32, #tpu.memory_space<vmem>>
      %dma_wait3A_98 = tpu.memref_squeeze %dma_wait3A_97 : memref<1x128x128xf32, #tpu.memory_space<vmem>> -> memref<128x128xf32, #tpu.memory_space<vmem>>
      tpu.wait_dma2 semaphore(%run_scoped3A_75 : memref<!tpu.dma_semaphore, #tpu.memory_space<semaphore_mem>>) src(%dma_wait3A_98 : memref<128x128xf32, #tpu.memory_space<vmem>>) dst(%dma_wait3A_94 : memref<128x128xf32, #tpu.memory_space<vmem_shared>>)
      tpu.yield
    }) : () -> ()
    %barrier3A = arith.constant 0 : index
    tpu.barrier barrier_id(%barrier3A)
    %scan3A_30 = arith.constant 0 : i32
    %scan3A_31 = arith.constant 0 : i32
    %scan3A_32 = arith.constant 5 : i32
    %scan3A_33 = arith.addi %scan3A_31, %scan3A_32 : i32
    %scan3A_34 = arith.constant 1 : i32
    %scan3A_35 = scf.for %scan3A_75 = %scan3A_31 to %scan3A_33 step %scan3A_34 iter_args(%scan3A_76 = %scan3A_30) -> (i32)  : i32 {
      %mul3A_77 = arith.constant 32 : i32
      %mul3A_78 = arith.muli %scan3A_75, %mul3A_77 : i32
      "tpu.region"() ({
        %run_scoped3A_89 = tpu.sem_alloc : memref<!tpu.dma_semaphore, #tpu.memory_space<semaphore_mem>>
        %dma_start3A = arith.constant 0 : i32
        %dma_start3A_90 = tpu.memref_slice %arg3[%arg1, %mul3A_78, %dma_start3A] : memref<16x160x128xi32, #tpu.memory_space<hbm>> -> memref<1x32x128xi32, #tpu.memory_space<hbm>>
        %dma_start3A_91 = tpu.memref_squeeze %dma_start3A_90 : memref<1x32x128xi32, #tpu.memory_space<hbm>> -> memref<32x128xi32, #tpu.memory_space<hbm>>
        %dma_start3A_92 = arith.constant 0 : i32
        %dma_start3A_93 = tpu.memref_slice %arg3[%arg1, %mul3A_78, %dma_start3A_92] : memref<16x160x128xi32, #tpu.memory_space<hbm>> -> memref<1x32x128xi32, #tpu.memory_space<hbm>>
        %dma_start3A_94 = tpu.memref_squeeze %dma_start3A_93 : memref<1x32x128xi32, #tpu.memory_space<hbm>> -> memref<32x128xi32, #tpu.memory_space<hbm>>
        tpu.enqueue_dma source(%dma_start3A_94 : memref<32x128xi32, #tpu.memory_space<hbm>>) target(%arg6 : memref<32x128xi32, #tpu.memory_space<vmem>>) target_semaphore(%run_scoped3A_89 : memref<!tpu.dma_semaphore, #tpu.memory_space<semaphore_mem>>)
        %dma_wait3A_95 = arith.constant 0 : i32
        %dma_wait3A_96 = tpu.memref_slice %arg3[%arg1, %mul3A_78, %dma_wait3A_95] : memref<16x160x128xi32, #tpu.memory_space<hbm>> -> memref<1x32x128xi32, #tpu.memory_space<hbm>>
        %dma_wait3A_97 = tpu.memref_squeeze %dma_wait3A_96 : memref<1x32x128xi32, #tpu.memory_space<hbm>> -> memref<32x128xi32, #tpu.memory_space<hbm>>
        %dma_wait3A_98 = arith.constant 0 : i32
        %dma_wait3A_99 = tpu.memref_slice %arg3[%arg1, %mul3A_78, %dma_wait3A_98] : memref<16x160x128xi32, #tpu.memory_space<hbm>> -> memref<1x32x128xi32, #tpu.memory_space<hbm>>
        %dma_wait3A_100 = tpu.memref_squeeze %dma_wait3A_99 : memref<1x32x128xi32, #tpu.memory_space<hbm>> -> memref<32x128xi32, #tpu.memory_space<hbm>>
        tpu.wait_dma2 semaphore(%run_scoped3A_89 : memref<!tpu.dma_semaphore, #tpu.memory_space<semaphore_mem>>) src(%dma_wait3A_100 : memref<32x128xi32, #tpu.memory_space<hbm>>) dst(%arg6 : memref<32x128xi32, #tpu.memory_space<vmem>>)
        tpu.yield
      }) : () -> ()
      %mul3A_79 = arith.constant 32 : i32
      %mul3A_80 = arith.muli %scan3A_75, %mul3A_79 : i32
      "tpu.region"() ({
        %run_scoped3A_89 = tpu.sem_alloc : memref<!tpu.dma_semaphore, #tpu.memory_space<semaphore_mem>>
        %dma_start3A = arith.constant 0 : i32
        %dma_start3A_90 = tpu.memref_slice %arg4[%arg1, %mul3A_80, %dma_start3A] : memref<16x160x128xi32, #tpu.memory_space<hbm>> -> memref<1x32x128xi32, #tpu.memory_space<hbm>>
        %dma_start3A_91 = tpu.memref_squeeze %dma_start3A_90 : memref<1x32x128xi32, #tpu.memory_space<hbm>> -> memref<32x128xi32, #tpu.memory_space<hbm>>
        %dma_start3A_92 = arith.constant 0 : i32
        %dma_start3A_93 = tpu.memref_slice %arg4[%arg1, %mul3A_80, %dma_start3A_92] : memref<16x160x128xi32, #tpu.memory_space<hbm>> -> memref<1x32x128xi32, #tpu.memory_space<hbm>>
        %dma_start3A_94 = tpu.memref_squeeze %dma_start3A_93 : memref<1x32x128xi32, #tpu.memory_space<hbm>> -> memref<32x128xi32, #tpu.memory_space<hbm>>
        tpu.enqueue_dma source(%dma_start3A_94 : memref<32x128xi32, #tpu.memory_space<hbm>>) target(%arg7 : memref<32x128xi32, #tpu.memory_space<vmem>>) target_semaphore(%run_scoped3A_89 : memref<!tpu.dma_semaphore, #tpu.memory_space<semaphore_mem>>)
        %dma_wait3A_95 = arith.constant 0 : i32
        %dma_wait3A_96 = tpu.memref_slice %arg4[%arg1, %mul3A_80, %dma_wait3A_95] : memref<16x160x128xi32, #tpu.memory_space<hbm>> -> memref<1x32x128xi32, #tpu.memory_space<hbm>>
        %dma_wait3A_97 = tpu.memref_squeeze %dma_wait3A_96 : memref<1x32x128xi32, #tpu.memory_space<hbm>> -> memref<32x128xi32, #tpu.memory_space<hbm>>
        %dma_wait3A_98 = arith.constant 0 : i32
        %dma_wait3A_99 = tpu.memref_slice %arg4[%arg1, %mul3A_80, %dma_wait3A_98] : memref<16x160x128xi32, #tpu.memory_space<hbm>> -> memref<1x32x128xi32, #tpu.memory_space<hbm>>
        %dma_wait3A_100 = tpu.memref_squeeze %dma_wait3A_99 : memref<1x32x128xi32, #tpu.memory_space<hbm>> -> memref<32x128xi32, #tpu.memory_space<hbm>>
        tpu.wait_dma2 semaphore(%run_scoped3A_89 : memref<!tpu.dma_semaphore, #tpu.memory_space<semaphore_mem>>) src(%dma_wait3A_100 : memref<32x128xi32, #tpu.memory_space<hbm>>) dst(%arg7 : memref<32x128xi32, #tpu.memory_space<vmem>>)
        tpu.yield
      }) : () -> ()
      %scan3A_81 = arith.constant 0 : i32
      %scan3A_82 = arith.constant 0 : i32
      %scan3A_83 = arith.constant 32 : i32
      %scan3A_84 = arith.addi %scan3A_82, %scan3A_83 : i32
      %scan3A_85 = arith.constant 1 : i32
      %scan3A_86 = scf.for %scan3A_89 = %scan3A_82 to %scan3A_84 step %scan3A_85 iter_args(%scan3A_90 = %scan3A_81) -> (i32)  : i32 {
        %mul3A_91 = arith.constant 32 : i32
        %mul3A_92 = arith.muli %scan3A_75, %mul3A_91 : i32
        %add3A_93 = arith.addi %mul3A_92, %scan3A_89 : i32
        %rem3A = arith.constant 2 : i32
        %rem3A_94 = arith.remsi %add3A_93, %rem3A : i32
        %ge3A = arith.constant 2 : i32
        %ge3A_95 = arith.cmpi sge, %add3A_93, %ge3A : i32
        %convert_element_type3A = arith.extui %ge3A_95 : i1 to i32
        %cond3A = arith.constant 0 : i32
        %cond3A_96 = arith.cmpi ne, %convert_element_type3A, %cond3A : i32
        scf.if %cond3A_96 {
          %dma_wait3A_135 = arith.constant 0 : i32
          %dma_wait3A_136 = arith.constant 0 : i32
          %dma_wait3A_137 = arith.constant 0 : i32
          %dma_wait3A_138 = tpu.memref_slice %arg8[%dma_wait3A_135, %dma_wait3A_136, %dma_wait3A_137] : memref<2x128x128xf32, #tpu.memory_space<vmem>> -> memref<1x128x128xf32, #tpu.memory_space<vmem>>
          %dma_wait3A_139 = tpu.memref_squeeze %dma_wait3A_138 : memref<1x128x128xf32, #tpu.memory_space<vmem>> -> memref<128x128xf32, #tpu.memory_space<vmem>>
          %dma_wait3A_140 = arith.constant 0 : i32
          %dma_wait3A_141 = arith.constant 0 : i32
          %dma_wait3A_142 = tpu.memref_slice %arg2[%arg0, %dma_wait3A_140, %dma_wait3A_141] : memref<2x10000x128xf32, #tpu.memory_space<hbm>> -> memref<1x128x128xf32, #tpu.memory_space<hbm>>
          %dma_wait3A_143 = tpu.memref_squeeze %dma_wait3A_142 : memref<1x128x128xf32, #tpu.memory_space<hbm>> -> memref<128x128xf32, #tpu.memory_space<hbm>>
          %dma_wait3A_144 = arith.constant 0 : i32
          %dma_wait3A_145 = arith.constant 0 : i32
          %dma_wait3A_146 = tpu.memref_slice %arg8[%dma_wait3A_135, %dma_wait3A_144, %dma_wait3A_145] : memref<2x128x128xf32, #tpu.memory_space<vmem>> -> memref<1x128x128xf32, #tpu.memory_space<vmem>>
          %dma_wait3A_147 = tpu.memref_squeeze %dma_wait3A_146 : memref<1x128x128xf32, #tpu.memory_space<vmem>> -> memref<128x128xf32, #tpu.memory_space<vmem>>
          %dma_wait3A_148 = arith.constant 0 : i32
          %dma_wait3A_149 = arith.constant 0 : i32
          %dma_wait3A_150 = tpu.memref_slice %arg2[%arg0, %dma_wait3A_148, %dma_wait3A_149] : memref<2x10000x128xf32, #tpu.memory_space<hbm>> -> memref<1x128x128xf32, #tpu.memory_space<hbm>>
          %dma_wait3A_151 = tpu.memref_squeeze %dma_wait3A_150 : memref<1x128x128xf32, #tpu.memory_space<hbm>> -> memref<128x128xf32, #tpu.memory_space<hbm>>
          tpu.wait_dma2 semaphore(%arg10 : memref<!tpu.dma_semaphore, #tpu.memory_space<semaphore_mem>>) src(%dma_wait3A_151 : memref<128x128xf32, #tpu.memory_space<hbm>>) dst(%dma_wait3A_147 : memref<128x128xf32, #tpu.memory_space<vmem>>)
        } else {
        }
        %dma_start3A = arith.constant 0 : i32
        %dma_start3A_97 = arith.constant 0 : i32
        %dma_start3A_98 = tpu.memref_slice %arg8[%rem3A_94, %dma_start3A, %dma_start3A_97] : memref<2x128x128xf32, #tpu.memory_space<vmem>> -> memref<1x128x128xf32, #tpu.memory_space<vmem>>
        %dma_start3A_99 = tpu.memref_squeeze %dma_start3A_98 : memref<1x128x128xf32, #tpu.memory_space<vmem>> -> memref<128x128xf32, #tpu.memory_space<vmem>>
        %dma_start3A_100 = arith.constant 0 : i32
        %dma_start3A_101 = tpu.memref_slice %arg6[%scan3A_89, %dma_start3A_100] : memref<32x128xi32, #tpu.memory_space<vmem>> -> memref<1x128xi32, #tpu.memory_space<vmem>>
        %dma_start3A_102 = tpu.memref_squeeze %dma_start3A_101 : memref<1x128xi32, #tpu.memory_space<vmem>> -> memref<128xi32, #tpu.memory_space<vmem>>
        %dma_start3A_103 = arith.constant 0 : i32
        %dma_start3A_104 = arith.constant 0 : i32
        %dma_start3A_105 = tpu.memref_slice %arg2[%arg0, %dma_start3A_103, %dma_start3A_104] : memref<2x10000x128xf32, #tpu.memory_space<hbm>> -> memref<1x10000x128xf32, #tpu.memory_space<hbm>>
        %dma_start3A_106 = tpu.memref_squeeze %dma_start3A_105 : memref<1x10000x128xf32, #tpu.memory_space<hbm>> -> memref<10000x128xf32, #tpu.memory_space<hbm>>
        %dma_start3A_107 = arith.constant 0 : i32
        %dma_start3A_108 = arith.constant 0 : i32
        %dma_start3A_109 = tpu.memref_slice %dma_start3A_106[%dma_start3A_107, %dma_start3A_108] : memref<10000x128xf32, #tpu.memory_space<hbm>> -> memref<10000x128xf32, #tpu.memory_space<hbm>>
        tpu.enqueue_indirect_dma source(%dma_start3A_109 : memref<10000x128xf32, #tpu.memory_space<hbm>>) target(%dma_start3A_99 : memref<128x128xf32, #tpu.memory_space<vmem>>) offsets(%dma_start3A_102 : memref<128xi32, #tpu.memory_space<vmem>>) semaphore(%arg9 : memref<!tpu.dma_semaphore, #tpu.memory_space<semaphore_mem>>)
        %dma_wait3A_110 = arith.constant 0 : i32
        %dma_wait3A_111 = arith.constant 0 : i32
        %dma_wait3A_112 = tpu.memref_slice %arg8[%rem3A_94, %dma_wait3A_110, %dma_wait3A_111] : memref<2x128x128xf32, #tpu.memory_space<vmem>> -> memref<1x128x128xf32, #tpu.memory_space<vmem>>
        %dma_wait3A_113 = tpu.memref_squeeze %dma_wait3A_112 : memref<1x128x128xf32, #tpu.memory_space<vmem>> -> memref<128x128xf32, #tpu.memory_space<vmem>>
        %dma_wait3A_114 = arith.constant 0 : i32
        %dma_wait3A_115 = tpu.memref_slice %arg6[%scan3A_89, %dma_wait3A_114] : memref<32x128xi32, #tpu.memory_space<vmem>> -> memref<1x128xi32, #tpu.memory_space<vmem>>
        %dma_wait3A_116 = tpu.memref_squeeze %dma_wait3A_115 : memref<1x128xi32, #tpu.memory_space<vmem>> -> memref<128xi32, #tpu.memory_space<vmem>>
        %dma_wait3A_117 = arith.constant 0 : i32
        %dma_wait3A_118 = arith.constant 0 : i32
        %dma_wait3A_119 = tpu.memref_slice %arg2[%arg0, %dma_wait3A_117, %dma_wait3A_118] : memref<2x10000x128xf32, #tpu.memory_space<hbm>> -> memref<1x10000x128xf32, #tpu.memory_space<hbm>>
        %dma_wait3A_120 = tpu.memref_squeeze %dma_wait3A_119 : memref<1x10000x128xf32, #tpu.memory_space<hbm>> -> memref<10000x128xf32, #tpu.memory_space<hbm>>
        %dma_wait3A_121 = arith.constant 0 : i32
        %dma_wait3A_122 = arith.constant 0 : i32
        %dma_wait3A_123 = tpu.memref_slice %dma_wait3A_120[%dma_wait3A_121, %dma_wait3A_122] : memref<10000x128xf32, #tpu.memory_space<hbm>> -> memref<10000x128xf32, #tpu.memory_space<hbm>>
        tpu.wait_indirect_dma semaphore(%arg9 : memref<!tpu.dma_semaphore, #tpu.memory_space<semaphore_mem>>) src(%dma_wait3A_123 : memref<10000x128xf32, #tpu.memory_space<hbm>>) dst(%dma_wait3A_113 : memref<128x128xf32, #tpu.memory_space<vmem>>)
        %dma_start3A_124 = arith.constant 0 : i32
        %dma_start3A_125 = arith.constant 0 : i32
        %dma_start3A_126 = tpu.memref_slice %arg8[%rem3A_94, %dma_start3A_124, %dma_start3A_125] : memref<2x128x128xf32, #tpu.memory_space<vmem>> -> memref<1x128x128xf32, #tpu.memory_space<vmem>>
        %dma_start3A_127 = tpu.memref_squeeze %dma_start3A_126 : memref<1x128x128xf32, #tpu.memory_space<vmem>> -> memref<128x128xf32, #tpu.memory_space<vmem>>
        %dma_start3A_128 = arith.constant 0 : i32
        %dma_start3A_129 = tpu.memref_slice %arg7[%scan3A_89, %dma_start3A_128] : memref<32x128xi32, #tpu.memory_space<vmem>> -> memref<1x128xi32, #tpu.memory_space<vmem>>
        %dma_start3A_130 = tpu.memref_squeeze %dma_start3A_129 : memref<1x128xi32, #tpu.memory_space<vmem>> -> memref<128xi32, #tpu.memory_space<vmem>>
        %dma_start3A_131 = arith.constant 0 : i32
        %dma_start3A_132 = arith.constant 0 : i32
        %dma_start3A_133 = tpu.memref_slice %arg11[%dma_start3A_131, %dma_start3A_132] : memref<10240x128xf32, #tpu.memory_space<vmem_shared>> -> memref<10240x128xf32, #tpu.memory_space<vmem_shared>>
        tpu.enqueue_indirect_dma source(%dma_start3A_127 : memref<128x128xf32, #tpu.memory_space<vmem>>) target(%dma_start3A_133 : memref<10240x128xf32, #tpu.memory_space<vmem_shared>>) offsets(%dma_start3A_130 : memref<128xi32, #tpu.memory_space<vmem>>) semaphore(%arg10 : memref<!tpu.dma_semaphore, #tpu.memory_space<semaphore_mem>>) {add = true}
        %scan3A_134 = arith.constant 0 : i32
        scf.yield %scan3A_134 : i32
      }
      %scan3A_87 = arith.constant 32 : i32
      %scan3A_88 = arith.constant 0 : i32
      scf.yield %scan3A_88 : i32
    }
    %scan3A_36 = arith.constant 5 : i32
    %dma_wait3A = arith.constant 0 : i32
    %dma_wait3A_37 = arith.constant 0 : i32
    %dma_wait3A_38 = arith.constant 0 : i32
    %dma_wait3A_39 = tpu.memref_slice %arg8[%dma_wait3A, %dma_wait3A_37, %dma_wait3A_38] : memref<2x128x128xf32, #tpu.memory_space<vmem>> -> memref<1x128x128xf32, #tpu.memory_space<vmem>>
    %dma_wait3A_40 = tpu.memref_squeeze %dma_wait3A_39 : memref<1x128x128xf32, #tpu.memory_space<vmem>> -> memref<128x128xf32, #tpu.memory_space<vmem>>
    %dma_wait3A_41 = arith.constant 0 : i32
    %dma_wait3A_42 = arith.constant 0 : i32
    %dma_wait3A_43 = tpu.memref_slice %arg2[%arg0, %dma_wait3A_41, %dma_wait3A_42] : memref<2x10000x128xf32, #tpu.memory_space<hbm>> -> memref<1x128x128xf32, #tpu.memory_space<hbm>>
    %dma_wait3A_44 = tpu.memref_squeeze %dma_wait3A_43 : memref<1x128x128xf32, #tpu.memory_space<hbm>> -> memref<128x128xf32, #tpu.memory_space<hbm>>
    %dma_wait3A_45 = arith.constant 0 : i32
    %dma_wait3A_46 = arith.constant 0 : i32
    %dma_wait3A_47 = tpu.memref_slice %arg8[%dma_wait3A, %dma_wait3A_45, %dma_wait3A_46] : memref<2x128x128xf32, #tpu.memory_space<vmem>> -> memref<1x128x128xf32, #tpu.memory_space<vmem>>
    %dma_wait3A_48 = tpu.memref_squeeze %dma_wait3A_47 : memref<1x128x128xf32, #tpu.memory_space<vmem>> -> memref<128x128xf32, #tpu.memory_space<vmem>>
    %dma_wait3A_49 = arith.constant 0 : i32
    %dma_wait3A_50 = arith.constant 0 : i32
    %dma_wait3A_51 = tpu.memref_slice %arg2[%arg0, %dma_wait3A_49, %dma_wait3A_50] : memref<2x10000x128xf32, #tpu.memory_space<hbm>> -> memref<1x128x128xf32, #tpu.memory_space<hbm>>
    %dma_wait3A_52 = tpu.memref_squeeze %dma_wait3A_51 : memref<1x128x128xf32, #tpu.memory_space<hbm>> -> memref<128x128xf32, #tpu.memory_space<hbm>>
    tpu.wait_dma2 semaphore(%arg10 : memref<!tpu.dma_semaphore, #tpu.memory_space<semaphore_mem>>) src(%dma_wait3A_52 : memref<128x128xf32, #tpu.memory_space<hbm>>) dst(%dma_wait3A_48 : memref<128x128xf32, #tpu.memory_space<vmem>>)
    %dma_wait3A_53 = arith.constant 0 : i32
    %dma_wait3A_54 = arith.constant 0 : i32
    %dma_wait3A_55 = arith.constant 0 : i32
    %dma_wait3A_56 = tpu.memref_slice %arg8[%dma_wait3A_53, %dma_wait3A_54, %dma_wait3A_55] : memref<2x128x128xf32, #tpu.memory_space<vmem>> -> memref<1x128x128xf32, #tpu.memory_space<vmem>>
    %dma_wait3A_57 = tpu.memref_squeeze %dma_wait3A_56 : memref<1x128x128xf32, #tpu.memory_space<vmem>> -> memref<128x128xf32, #tpu.memory_space<vmem>>
    %dma_wait3A_58 = arith.constant 0 : i32
    %dma_wait3A_59 = arith.constant 0 : i32
    %dma_wait3A_60 = tpu.memref_slice %arg2[%arg0, %dma_wait3A_58, %dma_wait3A_59] : memref<2x10000x128xf32, #tpu.memory_space<hbm>> -> memref<1x128x128xf32, #tpu.memory_space<hbm>>
    %dma_wait3A_61 = tpu.memref_squeeze %dma_wait3A_60 : memref<1x128x128xf32, #tpu.memory_space<hbm>> -> memref<128x128xf32, #tpu.memory_space<hbm>>
    %dma_wait3A_62 = arith.constant 0 : i32
    %dma_wait3A_63 = arith.constant 0 : i32
    %dma_wait3A_64 = tpu.memref_slice %arg8[%dma_wait3A_53, %dma_wait3A_62, %dma_wait3A_63] : memref<2x128x128xf32, #tpu.memory_space<vmem>> -> memref<1x128x128xf32, #tpu.memory_space<vmem>>
    %dma_wait3A_65 = tpu.memref_squeeze %dma_wait3A_64 : memref<1x128x128xf32, #tpu.memory_space<vmem>> -> memref<128x128xf32, #tpu.memory_space<vmem>>
    %dma_wait3A_66 = arith.constant 0 : i32
    %dma_wait3A_67 = arith.constant 0 : i32
    %dma_wait3A_68 = tpu.memref_slice %arg2[%arg0, %dma_wait3A_66, %dma_wait3A_67] : memref<2x10000x128xf32, #tpu.memory_space<hbm>> -> memref<1x128x128xf32, #tpu.memory_space<hbm>>
    %dma_wait3A_69 = tpu.memref_squeeze %dma_wait3A_68 : memref<1x128x128xf32, #tpu.memory_space<hbm>> -> memref<128x128xf32, #tpu.memory_space<hbm>>
    tpu.wait_dma2 semaphore(%arg10 : memref<!tpu.dma_semaphore, #tpu.memory_space<semaphore_mem>>) src(%dma_wait3A_69 : memref<128x128xf32, #tpu.memory_space<hbm>>) dst(%dma_wait3A_65 : memref<128x128xf32, #tpu.memory_space<vmem>>)
    %barrier3A_70 = arith.constant 0 : index
    tpu.barrier barrier_id(%barrier3A_70)
    %mul3A_71 = arith.constant 640 : i32
    %mul3A_72 = arith.muli %arg1, %mul3A_71 : i32
    %mul3A_73 = arith.constant 640 : i32
    %mul3A_74 = arith.muli %arg1, %mul3A_73 : i32
    "tpu.region"() ({
      %run_scoped3A_75 = tpu.sem_alloc : memref<!tpu.dma_semaphore, #tpu.memory_space<semaphore_mem>>
      %dma_start3A = arith.constant 0 : i32
      %dma_start3A_76 = tpu.memref_slice %arg5[%arg0, %mul3A_74, %dma_start3A] : memref<2x10240x128xf32, #tpu.memory_space<hbm>> -> memref<1x640x128xf32, #tpu.memory_space<hbm>>
      %dma_start3A_77 = tpu.memref_squeeze %dma_start3A_76 : memref<1x640x128xf32, #tpu.memory_space<hbm>> -> memref<640x128xf32, #tpu.memory_space<hbm>>
      %dma_start3A_78 = arith.constant 0 : i32
      %dma_start3A_79 = tpu.memref_slice %arg11[%mul3A_72, %dma_start3A_78] : memref<10240x128xf32, #tpu.memory_space<vmem_shared>> -> memref<640x128xf32, #tpu.memory_space<vmem_shared>>
      tpu.enqueue_dma source(%dma_start3A_79 : memref<640x128xf32, #tpu.memory_space<vmem_shared>>) target(%dma_start3A_77 : memref<640x128xf32, #tpu.memory_space<hbm>>) target_semaphore(%run_scoped3A_75 : memref<!tpu.dma_semaphore, #tpu.memory_space<semaphore_mem>>)
      %dma_wait3A_80 = arith.constant 0 : i32
      %dma_wait3A_81 = tpu.memref_slice %arg5[%arg0, %mul3A_74, %dma_wait3A_80] : memref<2x10240x128xf32, #tpu.memory_space<hbm>> -> memref<1x640x128xf32, #tpu.memory_space<hbm>>
      %dma_wait3A_82 = tpu.memref_squeeze %dma_wait3A_81 : memref<1x640x128xf32, #tpu.memory_space<hbm>> -> memref<640x128xf32, #tpu.memory_space<hbm>>
      %dma_wait3A_83 = arith.constant 0 : i32
      %dma_wait3A_84 = tpu.memref_slice %arg11[%mul3A_72, %dma_wait3A_83] : memref<10240x128xf32, #tpu.memory_space<vmem_shared>> -> memref<640x128xf32, #tpu.memory_space<vmem_shared>>
      tpu.wait_dma2 semaphore(%run_scoped3A_75 : memref<!tpu.dma_semaphore, #tpu.memory_space<semaphore_mem>>) src(%dma_wait3A_84 : memref<640x128xf32, #tpu.memory_space<vmem_shared>>) dst(%dma_wait3A_82 : memref<640x128xf32, #tpu.memory_space<hbm>>)
      tpu.yield
    }) : () -> ()
    return
  }
}

#map = affine_map<(d0, d1) -> (0, 0, 0)>
module attributes {stable_mosaic.version = 14 : i64} {
  func.func @_sc_scatter_body(%arg0: i32, %arg1: i32, %arg2: memref<2x10000x128xf32, #tpu.memory_space<hbm>>, %arg3: memref<16x160x128xi32, #tpu.memory_space<hbm>>, %arg4: memref<16x160x128xi32, #tpu.memory_space<hbm>>, %arg5: memref<2x10240x128xf32, #tpu.memory_space<hbm>>, %arg6: memref<32x128xi32, #tpu.memory_space<vmem>>, %arg7: memref<32x128xi32, #tpu.memory_space<vmem>>, %arg8: memref<2x128x128xf32, #tpu.memory_space<vmem>>, %arg9: memref<!tpu.dma_semaphore, #tpu.memory_space<semaphore_mem>>, %arg10: memref<!tpu.dma_semaphore, #tpu.memory_space<semaphore_mem>>, %arg11: memref<10240x128xf32, #tpu.memory_space<vmem_shared>>) attributes {dimension_semantics = [#tpu.dimension_semantics<core_parallel>, #tpu.dimension_semantics<subcore_parallel>], iteration_bounds = array<i64: 2, 16>, scalar_prefetch = 0 : i64, scratch_operands = 6 : i64, tpu.core_type = #tpu.core_type<sc_vector_subcore>, window_params = [{transform_indices = #map}, {transform_indices = #map}, {transform_indices = #map}, {transform_indices = #map}]} {
    %broadcast_in_dim3A = arith.constant 0.000000e+00 : f32
    %broadcast_in_dim3A_0 = vector.broadcast %broadcast_in_dim3A : f32 to vector<16xf32>
    %scan3A = arith.constant 0 : i32
    %scan3A_1 = arith.constant 0 : i32
    %scan3A_2 = arith.constant 0 : i32
    %scan3A_3 = arith.constant 128 : i32
    %scan3A_4 = arith.addi %scan3A_2, %scan3A_3 : i32
    %scan3A_5 = arith.constant 1 : i32
    %scan3A_6 = scf.for %scan3A_75 = %scan3A_2 to %scan3A_4 step %scan3A_5 iter_args(%scan3A_76 = %scan3A_1) -> (i32)  : i32 {
      %swap3A = arith.constant 0 : i32
      %swap3A_77 = arith.constant 0 : i32
      %swap3A_78 = tpu.memref_slice %arg8[%scan3A, %swap3A, %swap3A_77] : memref<2x128x128xf32, #tpu.memory_space<vmem>> -> memref<1x128x128xf32, #tpu.memory_space<vmem>>
      %swap3A_79 = tpu.memref_squeeze %swap3A_78 : memref<1x128x128xf32, #tpu.memory_space<vmem>> -> memref<128x128xf32, #tpu.memory_space<vmem>>
      %swap3A_80 = arith.index_cast %scan3A_75 : i32 to index
      %swap3A_81 = arith.constant 0 : index
      %swap3A_82 = tpu.vector_load %swap3A_79[%swap3A_80, %swap3A_81] {strides = array<i32>} : memref<128x128xf32, #tpu.memory_space<vmem>>, vector<1x16xf32>,
      %swap3A_83 = vector.shape_cast %swap3A_82 : vector<1x16xf32> to vector<16xf32>
      %swap3A_84 = vector.shape_cast %broadcast_in_dim3A_0 : vector<16xf32> to vector<1x16xf32>
      tpu.vector_store %swap3A_79[%swap3A_80, %swap3A_81], %swap3A_84 {strides = array<i32>} : memref<128x128xf32, #tpu.memory_space<vmem>>, vector<1x16xf32>,
      %swap3A_85 = arith.constant 0 : i32
      %swap3A_86 = arith.constant 0 : i32
      %swap3A_87 = tpu.memref_slice %arg8[%scan3A, %swap3A_85, %swap3A_86] : memref<2x128x128xf32, #tpu.memory_space<vmem>> -> memref<1x128x128xf32, #tpu.memory_space<vmem>>
      %swap3A_88 = tpu.memref_squeeze %swap3A_87 : memref<1x128x128xf32, #tpu.memory_space<vmem>> -> memref<128x128xf32, #tpu.memory_space<vmem>>
      %swap3A_89 = arith.index_cast %scan3A_75 : i32 to index
      %swap3A_90 = arith.constant 16 : index
      %swap3A_91 = tpu.vector_load %swap3A_88[%swap3A_89, %swap3A_90] {strides = array<i32>} : memref<128x128xf32, #tpu.memory_space<vmem>>, vector<1x16xf32>,
      %swap3A_92 = vector.shape_cast %swap3A_91 : vector<1x16xf32> to vector<16xf32>
      %swap3A_93 = vector.shape_cast %broadcast_in_dim3A_0 : vector<16xf32> to vector<1x16xf32>
      tpu.vector_store %swap3A_88[%swap3A_89, %swap3A_90], %swap3A_93 {strides = array<i32>} : memref<128x128xf32, #tpu.memory_space<vmem>>, vector<1x16xf32>,
      %swap3A_94 = arith.constant 0 : i32
      %swap3A_95 = arith.constant 0 : i32
      %swap3A_96 = tpu.memref_slice %arg8[%scan3A, %swap3A_94, %swap3A_95] : memref<2x128x128xf32, #tpu.memory_space<vmem>> -> memref<1x128x128xf32, #tpu.memory_space<vmem>>
      %swap3A_97 = tpu.memref_squeeze %swap3A_96 : memref<1x128x128xf32, #tpu.memory_space<vmem>> -> memref<128x128xf32, #tpu.memory_space<vmem>>
      %swap3A_98 = arith.index_cast %scan3A_75 : i32 to index
      %swap3A_99 = arith.constant 32 : index
      %swap3A_100 = tpu.vector_load %swap3A_97[%swap3A_98, %swap3A_99] {strides = array<i32>} : memref<128x128xf32, #tpu.memory_space<vmem>>, vector<1x16xf32>,
      %swap3A_101 = vector.shape_cast %swap3A_100 : vector<1x16xf32> to vector<16xf32>
      %swap3A_102 = vector.shape_cast %broadcast_in_dim3A_0 : vector<16xf32> to vector<1x16xf32>
      tpu.vector_store %swap3A_97[%swap3A_98, %swap3A_99], %swap3A_102 {strides = array<i32>} : memref<128x128xf32, #tpu.memory_space<vmem>>, vector<1x16xf32>,
      %swap3A_103 = arith.constant 0 : i32
      %swap3A_104 = arith.constant 0 : i32
      %swap3A_105 = tpu.memref_slice %arg8[%scan3A, %swap3A_103, %swap3A_104] : memref<2x128x128xf32, #tpu.memory_space<vmem>> -> memref<1x128x128xf32, #tpu.memory_space<vmem>>
      %swap3A_106 = tpu.memref_squeeze %swap3A_105 : memref<1x128x128xf32, #tpu.memory_space<vmem>> -> memref<128x128xf32, #tpu.memory_space<vmem>>
      %swap3A_107 = arith.index_cast %scan3A_75 : i32 to index
      %swap3A_108 = arith.constant 48 : index
      %swap3A_109 = tpu.vector_load %swap3A_106[%swap3A_107, %swap3A_108] {strides = array<i32>} : memref<128x128xf32, #tpu.memory_space<vmem>>, vector<1x16xf32>,
      %swap3A_110 = vector.shape_cast %swap3A_109 : vector<1x16xf32> to vector<16xf32>
      %swap3A_111 = vector.shape_cast %broadcast_in_dim3A_0 : vector<16xf32> to vector<1x16xf32>
      tpu.vector_store %swap3A_106[%swap3A_107, %swap3A_108], %swap3A_111 {strides = array<i32>} : memref<128x128xf32, #tpu.memory_space<vmem>>, vector<1x16xf32>,
      %swap3A_112 = arith.constant 0 : i32
      %swap3A_113 = arith.constant 0 : i32
      %swap3A_114 = tpu.memref_slice %arg8[%scan3A, %swap3A_112, %swap3A_113] : memref<2x128x128xf32, #tpu.memory_space<vmem>> -> memref<1x128x128xf32, #tpu.memory_space<vmem>>
      %swap3A_115 = tpu.memref_squeeze %swap3A_114 : memref<1x128x128xf32, #tpu.memory_space<vmem>> -> memref<128x128xf32, #tpu.memory_space<vmem>>
      %swap3A_116 = arith.index_cast %scan3A_75 : i32 to index
      %swap3A_117 = arith.constant 64 : index
      %swap3A_118 = tpu.vector_load %swap3A_115[%swap3A_116, %swap3A_117] {strides = array<i32>} : memref<128x128xf32, #tpu.memory_space<vmem>>, vector<1x16xf32>,
      %swap3A_119 = vector.shape_cast %swap3A_118 : vector<1x16xf32> to vector<16xf32>
      %swap3A_120 = vector.shape_cast %broadcast_in_dim3A_0 : vector<16xf32> to vector<1x16xf32>
      tpu.vector_store %swap3A_115[%swap3A_116, %swap3A_117], %swap3A_120 {strides = array<i32>} : memref<128x128xf32, #tpu.memory_space<vmem>>, vector<1x16xf32>,
      %swap3A_121 = arith.constant 0 : i32
      %swap3A_122 = arith.constant 0 : i32
      %swap3A_123 = tpu.memref_slice %arg8[%scan3A, %swap3A_121, %swap3A_122] : memref<2x128x128xf32, #tpu.memory_space<vmem>> -> memref<1x128x128xf32, #tpu.memory_space<vmem>>
      %swap3A_124 = tpu.memref_squeeze %swap3A_123 : memref<1x128x128xf32, #tpu.memory_space<vmem>> -> memref<128x128xf32, #tpu.memory_space<vmem>>
      %swap3A_125 = arith.index_cast %scan3A_75 : i32 to index
      %swap3A_126 = arith.constant 80 : index
      %swap3A_127 = tpu.vector_load %swap3A_124[%swap3A_125, %swap3A_126] {strides = array<i32>} : memref<128x128xf32, #tpu.memory_space<vmem>>, vector<1x16xf32>,
      %swap3A_128 = vector.shape_cast %swap3A_127 : vector<1x16xf32> to vector<16xf32>
      %swap3A_129 = vector.shape_cast %broadcast_in_dim3A_0 : vector<16xf32> to vector<1x16xf32>
      tpu.vector_store %swap3A_124[%swap3A_125, %swap3A_126], %swap3A_129 {strides = array<i32>} : memref<128x128xf32, #tpu.memory_space<vmem>>, vector<1x16xf32>,
      %swap3A_130 = arith.constant 0 : i32
      %swap3A_131 = arith.constant 0 : i32
      %swap3A_132 = tpu.memref_slice %arg8[%scan3A, %swap3A_130, %swap3A_131] : memref<2x128x128xf32, #tpu.memory_space<vmem>> -> memref<1x128x128xf32, #tpu.memory_space<vmem>>
      %swap3A_133 = tpu.memref_squeeze %swap3A_132 : memref<1x128x128xf32, #tpu.memory_space<vmem>> -> memref<128x128xf32, #tpu.memory_space<vmem>>
      %swap3A_134 = arith.index_cast %scan3A_75 : i32 to index
      %swap3A_135 = arith.constant 96 : index
      %swap3A_136 = tpu.vector_load %swap3A_133[%swap3A_134, %swap3A_135] {strides = array<i32>} : memref<128x128xf32, #tpu.memory_space<vmem>>, vector<1x16xf32>,
      %swap3A_137 = vector.shape_cast %swap3A_136 : vector<1x16xf32> to vector<16xf32>
      %swap3A_138 = vector.shape_cast %broadcast_in_dim3A_0 : vector<16xf32> to vector<1x16xf32>
      tpu.vector_store %swap3A_133[%swap3A_134, %swap3A_135], %swap3A_138 {strides = array<i32>} : memref<128x128xf32, #tpu.memory_space<vmem>>, vector<1x16xf32>,
      %swap3A_139 = arith.constant 0 : i32
      %swap3A_140 = arith.constant 0 : i32
      %swap3A_141 = tpu.memref_slice %arg8[%scan3A, %swap3A_139, %swap3A_140] : memref<2x128x128xf32, #tpu.memory_space<vmem>> -> memref<1x128x128xf32, #tpu.memory_space<vmem>>
      %swap3A_142 = tpu.memref_squeeze %swap3A_141 : memref<1x128x128xf32, #tpu.memory_space<vmem>> -> memref<128x128xf32, #tpu.memory_space<vmem>>
      %swap3A_143 = arith.index_cast %scan3A_75 : i32 to index
      %swap3A_144 = arith.constant 112 : index
      %swap3A_145 = tpu.vector_load %swap3A_142[%swap3A_143, %swap3A_144] {strides = array<i32>} : memref<128x128xf32, #tpu.memory_space<vmem>>, vector<1x16xf32>,
      %swap3A_146 = vector.shape_cast %swap3A_145 : vector<1x16xf32> to vector<16xf32>
      %swap3A_147 = vector.shape_cast %broadcast_in_dim3A_0 : vector<16xf32> to vector<1x16xf32>
      tpu.vector_store %swap3A_142[%swap3A_143, %swap3A_144], %swap3A_147 {strides = array<i32>} : memref<128x128xf32, #tpu.memory_space<vmem>>, vector<1x16xf32>,
      %scan3A_148 = arith.constant 0 : i32
      scf.yield %scan3A_148 : i32
    }
    %scan3A_7 = arith.constant 128 : i32
    %mul3A = arith.constant 640 : i32
    %mul3A_8 = arith.muli %arg1, %mul3A : i32
    %add3A = arith.constant 0 : i32
    %add3A_9 = arith.addi %mul3A_8, %add3A : i32
    %run_scoped3A = arith.constant 0 : i32
    "tpu.region"() ({
      %run_scoped3A_75 = tpu.sem_alloc : memref<!tpu.dma_semaphore, #tpu.memory_space<semaphore_mem>>
      %dma_start3A = arith.constant 0 : i32
      %dma_start3A_76 = arith.constant 0 : i32
      %dma_start3A_77 = tpu.memref_slice %arg8[%run_scoped3A, %dma_start3A, %dma_start3A_76] : memref<2x128x128xf32, #tpu.memory_space<vmem>> -> memref<1x128x128xf32, #tpu.memory_space<vmem>>
      %dma_start3A_78 = tpu.memref_squeeze %dma_start3A_77 : memref<1x128x128xf32, #tpu.memory_space<vmem>> -> memref<128x128xf32, #tpu.memory_space<vmem>>
      %dma_start3A_79 = arith.constant 0 : i32
      %dma_start3A_80 = tpu.memref_slice %arg11[%add3A_9, %dma_start3A_79] : memref<10240x128xf32, #tpu.memory_space<vmem_shared>> -> memref<128x128xf32, #tpu.memory_space<vmem_shared>>
      %dma_start3A_81 = arith.constant 0 : i32
      %dma_start3A_82 = tpu.memref_slice %arg11[%add3A_9, %dma_start3A_81] : memref<10240x128xf32, #tpu.memory_space<vmem_shared>> -> memref<128x128xf32, #tpu.memory_space<vmem_shared>>
      %dma_start3A_83 = arith.constant 0 : i32
      %dma_start3A_84 = arith.constant 0 : i32
      %dma_start3A_85 = tpu.memref_slice %arg8[%run_scoped3A, %dma_start3A_83, %dma_start3A_84] : memref<2x128x128xf32, #tpu.memory_space<vmem>> -> memref<1x128x128xf32, #tpu.memory_space<vmem>>
      %dma_start3A_86 = tpu.memref_squeeze %dma_start3A_85 : memref<1x128x128xf32, #tpu.memory_space<vmem>> -> memref<128x128xf32, #tpu.memory_space<vmem>>
      tpu.enqueue_dma source(%dma_start3A_86 : memref<128x128xf32, #tpu.memory_space<vmem>>) target(%dma_start3A_82 : memref<128x128xf32, #tpu.memory_space<vmem_shared>>) target_semaphore(%run_scoped3A_75 : memref<!tpu.dma_semaphore, #tpu.memory_space<semaphore_mem>>)
      %dma_wait3A_87 = arith.constant 0 : i32
      %dma_wait3A_88 = arith.constant 0 : i32
      %dma_wait3A_89 = tpu.memref_slice %arg8[%run_scoped3A, %dma_wait3A_87, %dma_wait3A_88] : memref<2x128x128xf32, #tpu.memory_space<vmem>> -> memref<1x128x128xf32, #tpu.memory_space<vmem>>
      %dma_wait3A_90 = tpu.memref_squeeze %dma_wait3A_89 : memref<1x128x128xf32, #tpu.memory_space<vmem>> -> memref<128x128xf32, #tpu.memory_space<vmem>>
      %dma_wait3A_91 = arith.constant 0 : i32
      %dma_wait3A_92 = tpu.memref_slice %arg11[%add3A_9, %dma_wait3A_91] : memref<10240x128xf32, #tpu.memory_space<vmem_shared>> -> memref<128x128xf32, #tpu.memory_space<vmem_shared>>
      %dma_wait3A_93 = arith.constant 0 : i32
      %dma_wait3A_94 = tpu.memref_slice %arg11[%add3A_9, %dma_wait3A_93] : memref<10240x128xf32, #tpu.memory_space<vmem_shared>> -> memref<128x128xf32, #tpu.memory_space<vmem_shared>>
      %dma_wait3A_95 = arith.constant 0 : i32
      %dma_wait3A_96 = arith.constant 0 : i32
      %dma_wait3A_97 = tpu.memref_slice %arg8[%run_scoped3A, %dma_wait3A_95, %dma_wait3A_96] : memref<2x128x128xf32, #tpu.memory_space<vmem>> -> memref<1x128x128xf32, #tpu.memory_space<vmem>>
      %dma_wait3A_98 = tpu.memref_squeeze %dma_wait3A_97 : memref<1x128x128xf32, #tpu.memory_space<vmem>> -> memref<128x128xf32, #tpu.memory_space<vmem>>
      tpu.wait_dma2 semaphore(%run_scoped3A_75 : memref<!tpu.dma_semaphore, #tpu.memory_space<semaphore_mem>>) src(%dma_wait3A_98 : memref<128x128xf32, #tpu.memory_space<vmem>>) dst(%dma_wait3A_94 : memref<128x128xf32, #tpu.memory_space<vmem_shared>>)
      tpu.yield
    }) : () -> ()
    %mul3A_10 = arith.constant 640 : i32
    %mul3A_11 = arith.muli %arg1, %mul3A_10 : i32
    %add3A_12 = arith.constant 128 : i32
    %add3A_13 = arith.addi %mul3A_11, %add3A_12 : i32
    %run_scoped3A_14 = arith.constant 0 : i32
    "tpu.region"() ({
      %run_scoped3A_75 = tpu.sem_alloc : memref<!tpu.dma_semaphore, #tpu.memory_space<semaphore_mem>>
      %dma_start3A = arith.constant 0 : i32
      %dma_start3A_76 = arith.constant 0 : i32
      %dma_start3A_77 = tpu.memref_slice %arg8[%run_scoped3A_14, %dma_start3A, %dma_start3A_76] : memref<2x128x128xf32, #tpu.memory_space<vmem>> -> memref<1x128x128xf32, #tpu.memory_space<vmem>>
      %dma_start3A_78 = tpu.memref_squeeze %dma_start3A_77 : memref<1x128x128xf32, #tpu.memory_space<vmem>> -> memref<128x128xf32, #tpu.memory_space<vmem>>
      %dma_start3A_79 = arith.constant 0 : i32
      %dma_start3A_80 = tpu.memref_slice %arg11[%add3A_13, %dma_start3A_79] : memref<10240x128xf32, #tpu.memory_space<vmem_shared>> -> memref<128x128xf32, #tpu.memory_space<vmem_shared>>
      %dma_start3A_81 = arith.constant 0 : i32
      %dma_start3A_82 = tpu.memref_slice %arg11[%add3A_13, %dma_start3A_81] : memref<10240x128xf32, #tpu.memory_space<vmem_shared>> -> memref<128x128xf32, #tpu.memory_space<vmem_shared>>
      %dma_start3A_83 = arith.constant 0 : i32
      %dma_start3A_84 = arith.constant 0 : i32
      %dma_start3A_85 = tpu.memref_slice %arg8[%run_scoped3A_14, %dma_start3A_83, %dma_start3A_84] : memref<2x128x128xf32, #tpu.memory_space<vmem>> -> memref<1x128x128xf32, #tpu.memory_space<vmem>>
      %dma_start3A_86 = tpu.memref_squeeze %dma_start3A_85 : memref<1x128x128xf32, #tpu.memory_space<vmem>> -> memref<128x128xf32, #tpu.memory_space<vmem>>
      tpu.enqueue_dma source(%dma_start3A_86 : memref<128x128xf32, #tpu.memory_space<vmem>>) target(%dma_start3A_82 : memref<128x128xf32, #tpu.memory_space<vmem_shared>>) target_semaphore(%run_scoped3A_75 : memref<!tpu.dma_semaphore, #tpu.memory_space<semaphore_mem>>)
      %dma_wait3A_87 = arith.constant 0 : i32
      %dma_wait3A_88 = arith.constant 0 : i32
      %dma_wait3A_89 = tpu.memref_slice %arg8[%run_scoped3A_14, %dma_wait3A_87, %dma_wait3A_88] : memref<2x128x128xf32, #tpu.memory_space<vmem>> -> memref<1x128x128xf32, #tpu.memory_space<vmem>>
      %dma_wait3A_90 = tpu.memref_squeeze %dma_wait3A_89 : memref<1x128x128xf32, #tpu.memory_space<vmem>> -> memref<128x128xf32, #tpu.memory_space<vmem>>
      %dma_wait3A_91 = arith.constant 0 : i32
      %dma_wait3A_92 = tpu.memref_slice %arg11[%add3A_13, %dma_wait3A_91] : memref<10240x128xf32, #tpu.memory_space<vmem_shared>> -> memref<128x128xf32, #tpu.memory_space<vmem_shared>>
      %dma_wait3A_93 = arith.constant 0 : i32
      %dma_wait3A_94 = tpu.memref_slice %arg11[%add3A_13, %dma_wait3A_93] : memref<10240x128xf32, #tpu.memory_space<vmem_shared>> -> memref<128x128xf32, #tpu.memory_space<vmem_shared>>
      %dma_wait3A_95 = arith.constant 0 : i32
      %dma_wait3A_96 = arith.constant 0 : i32
      %dma_wait3A_97 = tpu.memref_slice %arg8[%run_scoped3A_14, %dma_wait3A_95, %dma_wait3A_96] : memref<2x128x128xf32, #tpu.memory_space<vmem>> -> memref<1x128x128xf32, #tpu.memory_space<vmem>>
      %dma_wait3A_98 = tpu.memref_squeeze %dma_wait3A_97 : memref<1x128x128xf32, #tpu.memory_space<vmem>> -> memref<128x128xf32, #tpu.memory_space<vmem>>
      tpu.wait_dma2 semaphore(%run_scoped3A_75 : memref<!tpu.dma_semaphore, #tpu.memory_space<semaphore_mem>>) src(%dma_wait3A_98 : memref<128x128xf32, #tpu.memory_space<vmem>>) dst(%dma_wait3A_94 : memref<128x128xf32, #tpu.memory_space<vmem_shared>>)
      tpu.yield
    }) : () -> ()
    %mul3A_15 = arith.constant 640 : i32
    %mul3A_16 = arith.muli %arg1, %mul3A_15 : i32
    %add3A_17 = arith.constant 256 : i32
    %add3A_18 = arith.addi %mul3A_16, %add3A_17 : i32
    %run_scoped3A_19 = arith.constant 0 : i32
    "tpu.region"() ({
      %run_scoped3A_75 = tpu.sem_alloc : memref<!tpu.dma_semaphore, #tpu.memory_space<semaphore_mem>>
      %dma_start3A = arith.constant 0 : i32
      %dma_start3A_76 = arith.constant 0 : i32
      %dma_start3A_77 = tpu.memref_slice %arg8[%run_scoped3A_19, %dma_start3A, %dma_start3A_76] : memref<2x128x128xf32, #tpu.memory_space<vmem>> -> memref<1x128x128xf32, #tpu.memory_space<vmem>>
      %dma_start3A_78 = tpu.memref_squeeze %dma_start3A_77 : memref<1x128x128xf32, #tpu.memory_space<vmem>> -> memref<128x128xf32, #tpu.memory_space<vmem>>
      %dma_start3A_79 = arith.constant 0 : i32
      %dma_start3A_80 = tpu.memref_slice %arg11[%add3A_18, %dma_start3A_79] : memref<10240x128xf32, #tpu.memory_space<vmem_shared>> -> memref<128x128xf32, #tpu.memory_space<vmem_shared>>
      %dma_start3A_81 = arith.constant 0 : i32
      %dma_start3A_82 = tpu.memref_slice %arg11[%add3A_18, %dma_start3A_81] : memref<10240x128xf32, #tpu.memory_space<vmem_shared>> -> memref<128x128xf32, #tpu.memory_space<vmem_shared>>
      %dma_start3A_83 = arith.constant 0 : i32
      %dma_start3A_84 = arith.constant 0 : i32
      %dma_start3A_85 = tpu.memref_slice %arg8[%run_scoped3A_19, %dma_start3A_83, %dma_start3A_84] : memref<2x128x128xf32, #tpu.memory_space<vmem>> -> memref<1x128x128xf32, #tpu.memory_space<vmem>>
      %dma_start3A_86 = tpu.memref_squeeze %dma_start3A_85 : memref<1x128x128xf32, #tpu.memory_space<vmem>> -> memref<128x128xf32, #tpu.memory_space<vmem>>
      tpu.enqueue_dma source(%dma_start3A_86 : memref<128x128xf32, #tpu.memory_space<vmem>>) target(%dma_start3A_82 : memref<128x128xf32, #tpu.memory_space<vmem_shared>>) target_semaphore(%run_scoped3A_75 : memref<!tpu.dma_semaphore, #tpu.memory_space<semaphore_mem>>)
      %dma_wait3A_87 = arith.constant 0 : i32
      %dma_wait3A_88 = arith.constant 0 : i32
      %dma_wait3A_89 = tpu.memref_slice %arg8[%run_scoped3A_19, %dma_wait3A_87, %dma_wait3A_88] : memref<2x128x128xf32, #tpu.memory_space<vmem>> -> memref<1x128x128xf32, #tpu.memory_space<vmem>>
      %dma_wait3A_90 = tpu.memref_squeeze %dma_wait3A_89 : memref<1x128x128xf32, #tpu.memory_space<vmem>> -> memref<128x128xf32, #tpu.memory_space<vmem>>
      %dma_wait3A_91 = arith.constant 0 : i32
      %dma_wait3A_92 = tpu.memref_slice %arg11[%add3A_18, %dma_wait3A_91] : memref<10240x128xf32, #tpu.memory_space<vmem_shared>> -> memref<128x128xf32, #tpu.memory_space<vmem_shared>>
      %dma_wait3A_93 = arith.constant 0 : i32
      %dma_wait3A_94 = tpu.memref_slice %arg11[%add3A_18, %dma_wait3A_93] : memref<10240x128xf32, #tpu.memory_space<vmem_shared>> -> memref<128x128xf32, #tpu.memory_space<vmem_shared>>
      %dma_wait3A_95 = arith.constant 0 : i32
      %dma_wait3A_96 = arith.constant 0 : i32
      %dma_wait3A_97 = tpu.memref_slice %arg8[%run_scoped3A_19, %dma_wait3A_95, %dma_wait3A_96] : memref<2x128x128xf32, #tpu.memory_space<vmem>> -> memref<1x128x128xf32, #tpu.memory_space<vmem>>
      %dma_wait3A_98 = tpu.memref_squeeze %dma_wait3A_97 : memref<1x128x128xf32, #tpu.memory_space<vmem>> -> memref<128x128xf32, #tpu.memory_space<vmem>>
      tpu.wait_dma2 semaphore(%run_scoped3A_75 : memref<!tpu.dma_semaphore, #tpu.memory_space<semaphore_mem>>) src(%dma_wait3A_98 : memref<128x128xf32, #tpu.memory_space<vmem>>) dst(%dma_wait3A_94 : memref<128x128xf32, #tpu.memory_space<vmem_shared>>)
      tpu.yield
    }) : () -> ()
    %mul3A_20 = arith.constant 640 : i32
    %mul3A_21 = arith.muli %arg1, %mul3A_20 : i32
    %add3A_22 = arith.constant 384 : i32
    %add3A_23 = arith.addi %mul3A_21, %add3A_22 : i32
    %run_scoped3A_24 = arith.constant 0 : i32
    "tpu.region"() ({
      %run_scoped3A_75 = tpu.sem_alloc : memref<!tpu.dma_semaphore, #tpu.memory_space<semaphore_mem>>
      %dma_start3A = arith.constant 0 : i32
      %dma_start3A_76 = arith.constant 0 : i32
      %dma_start3A_77 = tpu.memref_slice %arg8[%run_scoped3A_24, %dma_start3A, %dma_start3A_76] : memref<2x128x128xf32, #tpu.memory_space<vmem>> -> memref<1x128x128xf32, #tpu.memory_space<vmem>>
      %dma_start3A_78 = tpu.memref_squeeze %dma_start3A_77 : memref<1x128x128xf32, #tpu.memory_space<vmem>> -> memref<128x128xf32, #tpu.memory_space<vmem>>
      %dma_start3A_79 = arith.constant 0 : i32
      %dma_start3A_80 = tpu.memref_slice %arg11[%add3A_23, %dma_start3A_79] : memref<10240x128xf32, #tpu.memory_space<vmem_shared>> -> memref<128x128xf32, #tpu.memory_space<vmem_shared>>
      %dma_start3A_81 = arith.constant 0 : i32
      %dma_start3A_82 = tpu.memref_slice %arg11[%add3A_23, %dma_start3A_81] : memref<10240x128xf32, #tpu.memory_space<vmem_shared>> -> memref<128x128xf32, #tpu.memory_space<vmem_shared>>
      %dma_start3A_83 = arith.constant 0 : i32
      %dma_start3A_84 = arith.constant 0 : i32
      %dma_start3A_85 = tpu.memref_slice %arg8[%run_scoped3A_24, %dma_start3A_83, %dma_start3A_84] : memref<2x128x128xf32, #tpu.memory_space<vmem>> -> memref<1x128x128xf32, #tpu.memory_space<vmem>>
      %dma_start3A_86 = tpu.memref_squeeze %dma_start3A_85 : memref<1x128x128xf32, #tpu.memory_space<vmem>> -> memref<128x128xf32, #tpu.memory_space<vmem>>
      tpu.enqueue_dma source(%dma_start3A_86 : memref<128x128xf32, #tpu.memory_space<vmem>>) target(%dma_start3A_82 : memref<128x128xf32, #tpu.memory_space<vmem_shared>>) target_semaphore(%run_scoped3A_75 : memref<!tpu.dma_semaphore, #tpu.memory_space<semaphore_mem>>)
      %dma_wait3A_87 = arith.constant 0 : i32
      %dma_wait3A_88 = arith.constant 0 : i32
      %dma_wait3A_89 = tpu.memref_slice %arg8[%run_scoped3A_24, %dma_wait3A_87, %dma_wait3A_88] : memref<2x128x128xf32, #tpu.memory_space<vmem>> -> memref<1x128x128xf32, #tpu.memory_space<vmem>>
      %dma_wait3A_90 = tpu.memref_squeeze %dma_wait3A_89 : memref<1x128x128xf32, #tpu.memory_space<vmem>> -> memref<128x128xf32, #tpu.memory_space<vmem>>
      %dma_wait3A_91 = arith.constant 0 : i32
      %dma_wait3A_92 = tpu.memref_slice %arg11[%add3A_23, %dma_wait3A_91] : memref<10240x128xf32, #tpu.memory_space<vmem_shared>> -> memref<128x128xf32, #tpu.memory_space<vmem_shared>>
      %dma_wait3A_93 = arith.constant 0 : i32
      %dma_wait3A_94 = tpu.memref_slice %arg11[%add3A_23, %dma_wait3A_93] : memref<10240x128xf32, #tpu.memory_space<vmem_shared>> -> memref<128x128xf32, #tpu.memory_space<vmem_shared>>
      %dma_wait3A_95 = arith.constant 0 : i32
      %dma_wait3A_96 = arith.constant 0 : i32
      %dma_wait3A_97 = tpu.memref_slice %arg8[%run_scoped3A_24, %dma_wait3A_95, %dma_wait3A_96] : memref<2x128x128xf32, #tpu.memory_space<vmem>> -> memref<1x128x128xf32, #tpu.memory_space<vmem>>
      %dma_wait3A_98 = tpu.memref_squeeze %dma_wait3A_97 : memref<1x128x128xf32, #tpu.memory_space<vmem>> -> memref<128x128xf32, #tpu.memory_space<vmem>>
      tpu.wait_dma2 semaphore(%run_scoped3A_75 : memref<!tpu.dma_semaphore, #tpu.memory_space<semaphore_mem>>) src(%dma_wait3A_98 : memref<128x128xf32, #tpu.memory_space<vmem>>) dst(%dma_wait3A_94 : memref<128x128xf32, #tpu.memory_space<vmem_shared>>)
      tpu.yield
    }) : () -> ()
    %mul3A_25 = arith.constant 640 : i32
    %mul3A_26 = arith.muli %arg1, %mul3A_25 : i32
    %add3A_27 = arith.constant 512 : i32
    %add3A_28 = arith.addi %mul3A_26, %add3A_27 : i32
    %run_scoped3A_29 = arith.constant 0 : i32
    "tpu.region"() ({
      %run_scoped3A_75 = tpu.sem_alloc : memref<!tpu.dma_semaphore, #tpu.memory_space<semaphore_mem>>
      %dma_start3A = arith.constant 0 : i32
      %dma_start3A_76 = arith.constant 0 : i32
      %dma_start3A_77 = tpu.memref_slice %arg8[%run_scoped3A_29, %dma_start3A, %dma_start3A_76] : memref<2x128x128xf32, #tpu.memory_space<vmem>> -> memref<1x128x128xf32, #tpu.memory_space<vmem>>
      %dma_start3A_78 = tpu.memref_squeeze %dma_start3A_77 : memref<1x128x128xf32, #tpu.memory_space<vmem>> -> memref<128x128xf32, #tpu.memory_space<vmem>>
      %dma_start3A_79 = arith.constant 0 : i32
      %dma_start3A_80 = tpu.memref_slice %arg11[%add3A_28, %dma_start3A_79] : memref<10240x128xf32, #tpu.memory_space<vmem_shared>> -> memref<128x128xf32, #tpu.memory_space<vmem_shared>>
      %dma_start3A_81 = arith.constant 0 : i32
      %dma_start3A_82 = tpu.memref_slice %arg11[%add3A_28, %dma_start3A_81] : memref<10240x128xf32, #tpu.memory_space<vmem_shared>> -> memref<128x128xf32, #tpu.memory_space<vmem_shared>>
      %dma_start3A_83 = arith.constant 0 : i32
      %dma_start3A_84 = arith.constant 0 : i32
      %dma_start3A_85 = tpu.memref_slice %arg8[%run_scoped3A_29, %dma_start3A_83, %dma_start3A_84] : memref<2x128x128xf32, #tpu.memory_space<vmem>> -> memref<1x128x128xf32, #tpu.memory_space<vmem>>
      %dma_start3A_86 = tpu.memref_squeeze %dma_start3A_85 : memref<1x128x128xf32, #tpu.memory_space<vmem>> -> memref<128x128xf32, #tpu.memory_space<vmem>>
      tpu.enqueue_dma source(%dma_start3A_86 : memref<128x128xf32, #tpu.memory_space<vmem>>) target(%dma_start3A_82 : memref<128x128xf32, #tpu.memory_space<vmem_shared>>) target_semaphore(%run_scoped3A_75 : memref<!tpu.dma_semaphore, #tpu.memory_space<semaphore_mem>>)
      %dma_wait3A_87 = arith.constant 0 : i32
      %dma_wait3A_88 = arith.constant 0 : i32
      %dma_wait3A_89 = tpu.memref_slice %arg8[%run_scoped3A_29, %dma_wait3A_87, %dma_wait3A_88] : memref<2x128x128xf32, #tpu.memory_space<vmem>> -> memref<1x128x128xf32, #tpu.memory_space<vmem>>
      %dma_wait3A_90 = tpu.memref_squeeze %dma_wait3A_89 : memref<1x128x128xf32, #tpu.memory_space<vmem>> -> memref<128x128xf32, #tpu.memory_space<vmem>>
      %dma_wait3A_91 = arith.constant 0 : i32
      %dma_wait3A_92 = tpu.memref_slice %arg11[%add3A_28, %dma_wait3A_91] : memref<10240x128xf32, #tpu.memory_space<vmem_shared>> -> memref<128x128xf32, #tpu.memory_space<vmem_shared>>
      %dma_wait3A_93 = arith.constant 0 : i32
      %dma_wait3A_94 = tpu.memref_slice %arg11[%add3A_28, %dma_wait3A_93] : memref<10240x128xf32, #tpu.memory_space<vmem_shared>> -> memref<128x128xf32, #tpu.memory_space<vmem_shared>>
      %dma_wait3A_95 = arith.constant 0 : i32
      %dma_wait3A_96 = arith.constant 0 : i32
      %dma_wait3A_97 = tpu.memref_slice %arg8[%run_scoped3A_29, %dma_wait3A_95, %dma_wait3A_96] : memref<2x128x128xf32, #tpu.memory_space<vmem>> -> memref<1x128x128xf32, #tpu.memory_space<vmem>>
      %dma_wait3A_98 = tpu.memref_squeeze %dma_wait3A_97 : memref<1x128x128xf32, #tpu.memory_space<vmem>> -> memref<128x128xf32, #tpu.memory_space<vmem>>
      tpu.wait_dma2 semaphore(%run_scoped3A_75 : memref<!tpu.dma_semaphore, #tpu.memory_space<semaphore_mem>>) src(%dma_wait3A_98 : memref<128x128xf32, #tpu.memory_space<vmem>>) dst(%dma_wait3A_94 : memref<128x128xf32, #tpu.memory_space<vmem_shared>>)
      tpu.yield
    }) : () -> ()
    %barrier3A = arith.constant 0 : index
    tpu.barrier barrier_id(%barrier3A)
    %scan3A_30 = arith.constant 0 : i32
    %scan3A_31 = arith.constant 0 : i32
    %scan3A_32 = arith.constant 5 : i32
    %scan3A_33 = arith.addi %scan3A_31, %scan3A_32 : i32
    %scan3A_34 = arith.constant 1 : i32
    %scan3A_35 = scf.for %scan3A_75 = %scan3A_31 to %scan3A_33 step %scan3A_34 iter_args(%scan3A_76 = %scan3A_30) -> (i32)  : i32 {
      %mul3A_77 = arith.constant 32 : i32
      %mul3A_78 = arith.muli %scan3A_75, %mul3A_77 : i32
      "tpu.region"() ({
        %run_scoped3A_89 = tpu.sem_alloc : memref<!tpu.dma_semaphore, #tpu.memory_space<semaphore_mem>>
        %dma_start3A = arith.constant 0 : i32
        %dma_start3A_90 = tpu.memref_slice %arg3[%arg1, %mul3A_78, %dma_start3A] : memref<16x160x128xi32, #tpu.memory_space<hbm>> -> memref<1x32x128xi32, #tpu.memory_space<hbm>>
        %dma_start3A_91 = tpu.memref_squeeze %dma_start3A_90 : memref<1x32x128xi32, #tpu.memory_space<hbm>> -> memref<32x128xi32, #tpu.memory_space<hbm>>
        %dma_start3A_92 = arith.constant 0 : i32
        %dma_start3A_93 = tpu.memref_slice %arg3[%arg1, %mul3A_78, %dma_start3A_92] : memref<16x160x128xi32, #tpu.memory_space<hbm>> -> memref<1x32x128xi32, #tpu.memory_space<hbm>>
        %dma_start3A_94 = tpu.memref_squeeze %dma_start3A_93 : memref<1x32x128xi32, #tpu.memory_space<hbm>> -> memref<32x128xi32, #tpu.memory_space<hbm>>
        tpu.enqueue_dma source(%dma_start3A_94 : memref<32x128xi32, #tpu.memory_space<hbm>>) target(%arg6 : memref<32x128xi32, #tpu.memory_space<vmem>>) target_semaphore(%run_scoped3A_89 : memref<!tpu.dma_semaphore, #tpu.memory_space<semaphore_mem>>)
        %dma_wait3A_95 = arith.constant 0 : i32
        %dma_wait3A_96 = tpu.memref_slice %arg3[%arg1, %mul3A_78, %dma_wait3A_95] : memref<16x160x128xi32, #tpu.memory_space<hbm>> -> memref<1x32x128xi32, #tpu.memory_space<hbm>>
        %dma_wait3A_97 = tpu.memref_squeeze %dma_wait3A_96 : memref<1x32x128xi32, #tpu.memory_space<hbm>> -> memref<32x128xi32, #tpu.memory_space<hbm>>
        %dma_wait3A_98 = arith.constant 0 : i32
        %dma_wait3A_99 = tpu.memref_slice %arg3[%arg1, %mul3A_78, %dma_wait3A_98] : memref<16x160x128xi32, #tpu.memory_space<hbm>> -> memref<1x32x128xi32, #tpu.memory_space<hbm>>
        %dma_wait3A_100 = tpu.memref_squeeze %dma_wait3A_99 : memref<1x32x128xi32, #tpu.memory_space<hbm>> -> memref<32x128xi32, #tpu.memory_space<hbm>>
        tpu.wait_dma2 semaphore(%run_scoped3A_89 : memref<!tpu.dma_semaphore, #tpu.memory_space<semaphore_mem>>) src(%dma_wait3A_100 : memref<32x128xi32, #tpu.memory_space<hbm>>) dst(%arg6 : memref<32x128xi32, #tpu.memory_space<vmem>>)
        tpu.yield
      }) : () -> ()
      %mul3A_79 = arith.constant 32 : i32
      %mul3A_80 = arith.muli %scan3A_75, %mul3A_79 : i32
      "tpu.region"() ({
        %run_scoped3A_89 = tpu.sem_alloc : memref<!tpu.dma_semaphore, #tpu.memory_space<semaphore_mem>>
        %dma_start3A = arith.constant 0 : i32
        %dma_start3A_90 = tpu.memref_slice %arg4[%arg1, %mul3A_80, %dma_start3A] : memref<16x160x128xi32, #tpu.memory_space<hbm>> -> memref<1x32x128xi32, #tpu.memory_space<hbm>>
        %dma_start3A_91 = tpu.memref_squeeze %dma_start3A_90 : memref<1x32x128xi32, #tpu.memory_space<hbm>> -> memref<32x128xi32, #tpu.memory_space<hbm>>
        %dma_start3A_92 = arith.constant 0 : i32
        %dma_start3A_93 = tpu.memref_slice %arg4[%arg1, %mul3A_80, %dma_start3A_92] : memref<16x160x128xi32, #tpu.memory_space<hbm>> -> memref<1x32x128xi32, #tpu.memory_space<hbm>>
        %dma_start3A_94 = tpu.memref_squeeze %dma_start3A_93 : memref<1x32x128xi32, #tpu.memory_space<hbm>> -> memref<32x128xi32, #tpu.memory_space<hbm>>
        tpu.enqueue_dma source(%dma_start3A_94 : memref<32x128xi32, #tpu.memory_space<hbm>>) target(%arg7 : memref<32x128xi32, #tpu.memory_space<vmem>>) target_semaphore(%run_scoped3A_89 : memref<!tpu.dma_semaphore, #tpu.memory_space<semaphore_mem>>)
        %dma_wait3A_95 = arith.constant 0 : i32
        %dma_wait3A_96 = tpu.memref_slice %arg4[%arg1, %mul3A_80, %dma_wait3A_95] : memref<16x160x128xi32, #tpu.memory_space<hbm>> -> memref<1x32x128xi32, #tpu.memory_space<hbm>>
        %dma_wait3A_97 = tpu.memref_squeeze %dma_wait3A_96 : memref<1x32x128xi32, #tpu.memory_space<hbm>> -> memref<32x128xi32, #tpu.memory_space<hbm>>
        %dma_wait3A_98 = arith.constant 0 : i32
        %dma_wait3A_99 = tpu.memref_slice %arg4[%arg1, %mul3A_80, %dma_wait3A_98] : memref<16x160x128xi32, #tpu.memory_space<hbm>> -> memref<1x32x128xi32, #tpu.memory_space<hbm>>
        %dma_wait3A_100 = tpu.memref_squeeze %dma_wait3A_99 : memref<1x32x128xi32, #tpu.memory_space<hbm>> -> memref<32x128xi32, #tpu.memory_space<hbm>>
        tpu.wait_dma2 semaphore(%run_scoped3A_89 : memref<!tpu.dma_semaphore, #tpu.memory_space<semaphore_mem>>) src(%dma_wait3A_100 : memref<32x128xi32, #tpu.memory_space<hbm>>) dst(%arg7 : memref<32x128xi32, #tpu.memory_space<vmem>>)
        tpu.yield
      }) : () -> ()
      %scan3A_81 = arith.constant 0 : i32
      %scan3A_82 = arith.constant 0 : i32
      %scan3A_83 = arith.constant 32 : i32
      %scan3A_84 = arith.addi %scan3A_82, %scan3A_83 : i32
      %scan3A_85 = arith.constant 1 : i32
      %scan3A_86 = scf.for %scan3A_89 = %scan3A_82 to %scan3A_84 step %scan3A_85 iter_args(%scan3A_90 = %scan3A_81) -> (i32)  : i32 {
        %mul3A_91 = arith.constant 32 : i32
        %mul3A_92 = arith.muli %scan3A_75, %mul3A_91 : i32
        %add3A_93 = arith.addi %mul3A_92, %scan3A_89 : i32
        %rem3A = arith.constant 2 : i32
        %rem3A_94 = arith.remsi %add3A_93, %rem3A : i32
        %ge3A = arith.constant 2 : i32
        %ge3A_95 = arith.cmpi sge, %add3A_93, %ge3A : i32
        %convert_element_type3A = arith.extui %ge3A_95 : i1 to i32
        %cond3A = arith.constant 0 : i32
        %cond3A_96 = arith.cmpi ne, %convert_element_type3A, %cond3A : i32
        scf.if %cond3A_96 {
          %dma_wait3A_135 = arith.constant 0 : i32
          %dma_wait3A_136 = arith.constant 0 : i32
          %dma_wait3A_137 = arith.constant 0 : i32
          %dma_wait3A_138 = tpu.memref_slice %arg8[%dma_wait3A_135, %dma_wait3A_136, %dma_wait3A_137] : memref<2x128x128xf32, #tpu.memory_space<vmem>> -> memref<1x128x128xf32, #tpu.memory_space<vmem>>
          %dma_wait3A_139 = tpu.memref_squeeze %dma_wait3A_138 : memref<1x128x128xf32, #tpu.memory_space<vmem>> -> memref<128x128xf32, #tpu.memory_space<vmem>>
          %dma_wait3A_140 = arith.constant 0 : i32
          %dma_wait3A_141 = arith.constant 0 : i32
          %dma_wait3A_142 = tpu.memref_slice %arg2[%arg0, %dma_wait3A_140, %dma_wait3A_141] : memref<2x10000x128xf32, #tpu.memory_space<hbm>> -> memref<1x128x128xf32, #tpu.memory_space<hbm>>
          %dma_wait3A_143 = tpu.memref_squeeze %dma_wait3A_142 : memref<1x128x128xf32, #tpu.memory_space<hbm>> -> memref<128x128xf32, #tpu.memory_space<hbm>>
          %dma_wait3A_144 = arith.constant 0 : i32
          %dma_wait3A_145 = arith.constant 0 : i32
          %dma_wait3A_146 = tpu.memref_slice %arg8[%dma_wait3A_135, %dma_wait3A_144, %dma_wait3A_145] : memref<2x128x128xf32, #tpu.memory_space<vmem>> -> memref<1x128x128xf32, #tpu.memory_space<vmem>>
          %dma_wait3A_147 = tpu.memref_squeeze %dma_wait3A_146 : memref<1x128x128xf32, #tpu.memory_space<vmem>> -> memref<128x128xf32, #tpu.memory_space<vmem>>
          %dma_wait3A_148 = arith.constant 0 : i32
          %dma_wait3A_149 = arith.constant 0 : i32
          %dma_wait3A_150 = tpu.memref_slice %arg2[%arg0, %dma_wait3A_148, %dma_wait3A_149] : memref<2x10000x128xf32, #tpu.memory_space<hbm>> -> memref<1x128x128xf32, #tpu.memory_space<hbm>>
          %dma_wait3A_151 = tpu.memref_squeeze %dma_wait3A_150 : memref<1x128x128xf32, #tpu.memory_space<hbm>> -> memref<128x128xf32, #tpu.memory_space<hbm>>
          tpu.wait_dma2 semaphore(%arg10 : memref<!tpu.dma_semaphore, #tpu.memory_space<semaphore_mem>>) src(%dma_wait3A_151 : memref<128x128xf32, #tpu.memory_space<hbm>>) dst(%dma_wait3A_147 : memref<128x128xf32, #tpu.memory_space<vmem>>)
        } else {
        }
        %dma_start3A = arith.constant 0 : i32
        %dma_start3A_97 = arith.constant 0 : i32
        %dma_start3A_98 = tpu.memref_slice %arg8[%rem3A_94, %dma_start3A, %dma_start3A_97] : memref<2x128x128xf32, #tpu.memory_space<vmem>> -> memref<1x128x128xf32, #tpu.memory_space<vmem>>
        %dma_start3A_99 = tpu.memref_squeeze %dma_start3A_98 : memref<1x128x128xf32, #tpu.memory_space<vmem>> -> memref<128x128xf32, #tpu.memory_space<vmem>>
        %dma_start3A_100 = arith.constant 0 : i32
        %dma_start3A_101 = tpu.memref_slice %arg6[%scan3A_89, %dma_start3A_100] : memref<32x128xi32, #tpu.memory_space<vmem>> -> memref<1x128xi32, #tpu.memory_space<vmem>>
        %dma_start3A_102 = tpu.memref_squeeze %dma_start3A_101 : memref<1x128xi32, #tpu.memory_space<vmem>> -> memref<128xi32, #tpu.memory_space<vmem>>
        %dma_start3A_103 = arith.constant 0 : i32
        %dma_start3A_104 = arith.constant 0 : i32
        %dma_start3A_105 = tpu.memref_slice %arg2[%arg0, %dma_start3A_103, %dma_start3A_104] : memref<2x10000x128xf32, #tpu.memory_space<hbm>> -> memref<1x10000x128xf32, #tpu.memory_space<hbm>>
        %dma_start3A_106 = tpu.memref_squeeze %dma_start3A_105 : memref<1x10000x128xf32, #tpu.memory_space<hbm>> -> memref<10000x128xf32, #tpu.memory_space<hbm>>
        %dma_start3A_107 = arith.constant 0 : i32
        %dma_start3A_108 = arith.constant 0 : i32
        %dma_start3A_109 = tpu.memref_slice %dma_start3A_106[%dma_start3A_107, %dma_start3A_108] : memref<10000x128xf32, #tpu.memory_space<hbm>> -> memref<10000x128xf32, #tpu.memory_space<hbm>>
        tpu.enqueue_indirect_dma source(%dma_start3A_109 : memref<10000x128xf32, #tpu.memory_space<hbm>>) target(%dma_start3A_99 : memref<128x128xf32, #tpu.memory_space<vmem>>) offsets(%dma_start3A_102 : memref<128xi32, #tpu.memory_space<vmem>>) semaphore(%arg9 : memref<!tpu.dma_semaphore, #tpu.memory_space<semaphore_mem>>)
        %dma_wait3A_110 = arith.constant 0 : i32
        %dma_wait3A_111 = arith.constant 0 : i32
        %dma_wait3A_112 = tpu.memref_slice %arg8[%rem3A_94, %dma_wait3A_110, %dma_wait3A_111] : memref<2x128x128xf32, #tpu.memory_space<vmem>> -> memref<1x128x128xf32, #tpu.memory_space<vmem>>
        %dma_wait3A_113 = tpu.memref_squeeze %dma_wait3A_112 : memref<1x128x128xf32, #tpu.memory_space<vmem>> -> memref<128x128xf32, #tpu.memory_space<vmem>>
        %dma_wait3A_114 = arith.constant 0 : i32
        %dma_wait3A_115 = tpu.memref_slice %arg6[%scan3A_89, %dma_wait3A_114] : memref<32x128xi32, #tpu.memory_space<vmem>> -> memref<1x128xi32, #tpu.memory_space<vmem>>
        %dma_wait3A_116 = tpu.memref_squeeze %dma_wait3A_115 : memref<1x128xi32, #tpu.memory_space<vmem>> -> memref<128xi32, #tpu.memory_space<vmem>>
        %dma_wait3A_117 = arith.constant 0 : i32
        %dma_wait3A_118 = arith.constant 0 : i32
        %dma_wait3A_119 = tpu.memref_slice %arg2[%arg0, %dma_wait3A_117, %dma_wait3A_118] : memref<2x10000x128xf32, #tpu.memory_space<hbm>> -> memref<1x10000x128xf32, #tpu.memory_space<hbm>>
        %dma_wait3A_120 = tpu.memref_squeeze %dma_wait3A_119 : memref<1x10000x128xf32, #tpu.memory_space<hbm>> -> memref<10000x128xf32, #tpu.memory_space<hbm>>
        %dma_wait3A_121 = arith.constant 0 : i32
        %dma_wait3A_122 = arith.constant 0 : i32
        %dma_wait3A_123 = tpu.memref_slice %dma_wait3A_120[%dma_wait3A_121, %dma_wait3A_122] : memref<10000x128xf32, #tpu.memory_space<hbm>> -> memref<10000x128xf32, #tpu.memory_space<hbm>>
        tpu.wait_indirect_dma semaphore(%arg9 : memref<!tpu.dma_semaphore, #tpu.memory_space<semaphore_mem>>) src(%dma_wait3A_123 : memref<10000x128xf32, #tpu.memory_space<hbm>>) dst(%dma_wait3A_113 : memref<128x128xf32, #tpu.memory_space<vmem>>)
        %dma_start3A_124 = arith.constant 0 : i32
        %dma_start3A_125 = arith.constant 0 : i32
        %dma_start3A_126 = tpu.memref_slice %arg8[%rem3A_94, %dma_start3A_124, %dma_start3A_125] : memref<2x128x128xf32, #tpu.memory_space<vmem>> -> memref<1x128x128xf32, #tpu.memory_space<vmem>>
        %dma_start3A_127 = tpu.memref_squeeze %dma_start3A_126 : memref<1x128x128xf32, #tpu.memory_space<vmem>> -> memref<128x128xf32, #tpu.memory_space<vmem>>
        %dma_start3A_128 = arith.constant 0 : i32
        %dma_start3A_129 = tpu.memref_slice %arg7[%scan3A_89, %dma_start3A_128] : memref<32x128xi32, #tpu.memory_space<vmem>> -> memref<1x128xi32, #tpu.memory_space<vmem>>
        %dma_start3A_130 = tpu.memref_squeeze %dma_start3A_129 : memref<1x128xi32, #tpu.memory_space<vmem>> -> memref<128xi32, #tpu.memory_space<vmem>>
        %dma_start3A_131 = arith.constant 0 : i32
        %dma_start3A_132 = arith.constant 0 : i32
        %dma_start3A_133 = tpu.memref_slice %arg11[%dma_start3A_131, %dma_start3A_132] : memref<10240x128xf32, #tpu.memory_space<vmem_shared>> -> memref<10240x128xf32, #tpu.memory_space<vmem_shared>>
        tpu.enqueue_indirect_dma source(%dma_start3A_127 : memref<128x128xf32, #tpu.memory_space<vmem>>) target(%dma_start3A_133 : memref<10240x128xf32, #tpu.memory_space<vmem_shared>>) offsets(%dma_start3A_130 : memref<128xi32, #tpu.memory_space<vmem>>) semaphore(%arg10 : memref<!tpu.dma_semaphore, #tpu.memory_space<semaphore_mem>>) {add = true}
        %scan3A_134 = arith.constant 0 : i32
        scf.yield %scan3A_134 : i32
      }
      %scan3A_87 = arith.constant 32 : i32
      %scan3A_88 = arith.constant 0 : i32
      scf.yield %scan3A_88 : i32
    }
    %scan3A_36 = arith.constant 5 : i32
    %dma_wait3A = arith.constant 0 : i32
    %dma_wait3A_37 = arith.constant 0 : i32
    %dma_wait3A_38 = arith.constant 0 : i32
    %dma_wait3A_39 = tpu.memref_slice %arg8[%dma_wait3A, %dma_wait3A_37, %dma_wait3A_38] : memref<2x128x128xf32, #tpu.memory_space<vmem>> -> memref<1x128x128xf32, #tpu.memory_space<vmem>>
    %dma_wait3A_40 = tpu.memref_squeeze %dma_wait3A_39 : memref<1x128x128xf32, #tpu.memory_space<vmem>> -> memref<128x128xf32, #tpu.memory_space<vmem>>
    %dma_wait3A_41 = arith.constant 0 : i32
    %dma_wait3A_42 = arith.constant 0 : i32
    %dma_wait3A_43 = tpu.memref_slice %arg2[%arg0, %dma_wait3A_41, %dma_wait3A_42] : memref<2x10000x128xf32, #tpu.memory_space<hbm>> -> memref<1x128x128xf32, #tpu.memory_space<hbm>>
    %dma_wait3A_44 = tpu.memref_squeeze %dma_wait3A_43 : memref<1x128x128xf32, #tpu.memory_space<hbm>> -> memref<128x128xf32, #tpu.memory_space<hbm>>
    %dma_wait3A_45 = arith.constant 0 : i32
    %dma_wait3A_46 = arith.constant 0 : i32
    %dma_wait3A_47 = tpu.memref_slice %arg8[%dma_wait3A, %dma_wait3A_45, %dma_wait3A_46] : memref<2x128x128xf32, #tpu.memory_space<vmem>> -> memref<1x128x128xf32, #tpu.memory_space<vmem>>
    %dma_wait3A_48 = tpu.memref_squeeze %dma_wait3A_47 : memref<1x128x128xf32, #tpu.memory_space<vmem>> -> memref<128x128xf32, #tpu.memory_space<vmem>>
    %dma_wait3A_49 = arith.constant 0 : i32
    %dma_wait3A_50 = arith.constant 0 : i32
    %dma_wait3A_51 = tpu.memref_slice %arg2[%arg0, %dma_wait3A_49, %dma_wait3A_50] : memref<2x10000x128xf32, #tpu.memory_space<hbm>> -> memref<1x128x128xf32, #tpu.memory_space<hbm>>
    %dma_wait3A_52 = tpu.memref_squeeze %dma_wait3A_51 : memref<1x128x128xf32, #tpu.memory_space<hbm>> -> memref<128x128xf32, #tpu.memory_space<hbm>>
    tpu.wait_dma2 semaphore(%arg10 : memref<!tpu.dma_semaphore, #tpu.memory_space<semaphore_mem>>) src(%dma_wait3A_52 : memref<128x128xf32, #tpu.memory_space<hbm>>) dst(%dma_wait3A_48 : memref<128x128xf32, #tpu.memory_space<vmem>>)
    %dma_wait3A_53 = arith.constant 0 : i32
    %dma_wait3A_54 = arith.constant 0 : i32
    %dma_wait3A_55 = arith.constant 0 : i32
    %dma_wait3A_56 = tpu.memref_slice %arg8[%dma_wait3A_53, %dma_wait3A_54, %dma_wait3A_55] : memref<2x128x128xf32, #tpu.memory_space<vmem>> -> memref<1x128x128xf32, #tpu.memory_space<vmem>>
    %dma_wait3A_57 = tpu.memref_squeeze %dma_wait3A_56 : memref<1x128x128xf32, #tpu.memory_space<vmem>> -> memref<128x128xf32, #tpu.memory_space<vmem>>
    %dma_wait3A_58 = arith.constant 0 : i32
    %dma_wait3A_59 = arith.constant 0 : i32
    %dma_wait3A_60 = tpu.memref_slice %arg2[%arg0, %dma_wait3A_58, %dma_wait3A_59] : memref<2x10000x128xf32, #tpu.memory_space<hbm>> -> memref<1x128x128xf32, #tpu.memory_space<hbm>>
    %dma_wait3A_61 = tpu.memref_squeeze %dma_wait3A_60 : memref<1x128x128xf32, #tpu.memory_space<hbm>> -> memref<128x128xf32, #tpu.memory_space<hbm>>
    %dma_wait3A_62 = arith.constant 0 : i32
    %dma_wait3A_63 = arith.constant 0 : i32
    %dma_wait3A_64 = tpu.memref_slice %arg8[%dma_wait3A_53, %dma_wait3A_62, %dma_wait3A_63] : memref<2x128x128xf32, #tpu.memory_space<vmem>> -> memref<1x128x128xf32, #tpu.memory_space<vmem>>
    %dma_wait3A_65 = tpu.memref_squeeze %dma_wait3A_64 : memref<1x128x128xf32, #tpu.memory_space<vmem>> -> memref<128x128xf32, #tpu.memory_space<vmem>>
    %dma_wait3A_66 = arith.constant 0 : i32
    %dma_wait3A_67 = arith.constant 0 : i32
    %dma_wait3A_68 = tpu.memref_slice %arg2[%arg0, %dma_wait3A_66, %dma_wait3A_67] : memref<2x10000x128xf32, #tpu.memory_space<hbm>> -> memref<1x128x128xf32, #tpu.memory_space<hbm>>
    %dma_wait3A_69 = tpu.memref_squeeze %dma_wait3A_68 : memref<1x128x128xf32, #tpu.memory_space<hbm>> -> memref<128x128xf32, #tpu.memory_space<hbm>>
    tpu.wait_dma2 semaphore(%arg10 : memref<!tpu.dma_semaphore, #tpu.memory_space<semaphore_mem>>) src(%dma_wait3A_69 : memref<128x128xf32, #tpu.memory_space<hbm>>) dst(%dma_wait3A_65 : memref<128x128xf32, #tpu.memory_space<vmem>>)
    %barrier3A_70 = arith.constant 0 : index
    tpu.barrier barrier_id(%barrier3A_70)
    %mul3A_71 = arith.constant 640 : i32
    %mul3A_72 = arith.muli %arg1, %mul3A_71 : i32
    %mul3A_73 = arith.constant 640 : i32
    %mul3A_74 = arith.muli %arg1, %mul3A_73 : i32
    "tpu.region"() ({
      %run_scoped3A_75 = tpu.sem_alloc : memref<!tpu.dma_semaphore, #tpu.memory_space<semaphore_mem>>
      %dma_start3A = arith.constant 0 : i32
      %dma_start3A_76 = tpu.memref_slice %arg5[%arg0, %mul3A_74, %dma_start3A] : memref<2x10240x128xf32, #tpu.memory_space<hbm>> -> memref<1x640x128xf32, #tpu.memory_space<hbm>>
      %dma_start3A_77 = tpu.memref_squeeze %dma_start3A_76 : memref<1x640x128xf32, #tpu.memory_space<hbm>> -> memref<640x128xf32, #tpu.memory_space<hbm>>
      %dma_start3A_78 = arith.constant 0 : i32
      %dma_start3A_79 = tpu.memref_slice %arg11[%mul3A_72, %dma_start3A_78] : memref<10240x128xf32, #tpu.memory_space<vmem_shared>> -> memref<640x128xf32, #tpu.memory_space<vmem_shared>>
      tpu.enqueue_dma source(%dma_start3A_79 : memref<640x128xf32, #tpu.memory_space<vmem_shared>>) target(%dma_start3A_77 : memref<640x128xf32, #tpu.memory_space<hbm>>) target_semaphore(%run_scoped3A_75 : memref<!tpu.dma_semaphore, #tpu.memory_space<semaphore_mem>>)
      %dma_wait3A_80 = arith.constant 0 : i32
      %dma_wait3A_81 = tpu.memref_slice %arg5[%arg0, %mul3A_74, %dma_wait3A_80] : memref<2x10240x128xf32, #tpu.memory_space<hbm>> -> memref<1x640x128xf32, #tpu.memory_space<hbm>>
      %dma_wait3A_82 = tpu.memref_squeeze %dma_wait3A_81 : memref<1x640x128xf32, #tpu.memory_space<hbm>> -> memref<640x128xf32, #tpu.memory_space<hbm>>
      %dma_wait3A_83 = arith.constant 0 : i32
      %dma_wait3A_84 = tpu.memref_slice %arg11[%mul3A_72, %dma_wait3A_83] : memref<10240x128xf32, #tpu.memory_space<vmem_shared>> -> memref<640x128xf32, #tpu.memory_space<vmem_shared>>
      tpu.wait_dma2 semaphore(%run_scoped3A_75 : memref<!tpu.dma_semaphore, #tpu.memory_space<semaphore_mem>>) src(%dma_wait3A_84 : memref<640x128xf32, #tpu.memory_space<vmem_shared>>) dst(%dma_wait3A_82 : memref<640x128xf32, #tpu.memory_space<hbm>>)
      tpu.yield
    }) : () -> ()
    return
  }
}

module attributes {stable_mosaic.version = 14 : i64} {
  func.func @_tc_stage1_body(%arg0: memref<10000x128xf32, #tpu.memory_space<vmem>>, %arg1: memref<128x256xf32, #tpu.memory_space<vmem>>, %arg2: memref<10000x1xf32, #tpu.memory_space<vmem>>, %arg3: memref<2x10000x128xf32, #tpu.memory_space<vmem>>) attributes {dimension_semantics = [], scalar_prefetch = 0 : i64, scratch_operands = 0 : i64, tpu.core_type = #tpu.core_type<tc>} {
    %get3A = arith.constant 0 : index
    %get3A_0 = arith.constant 0 : index
    %get3A_1 = vector.load %arg0[%get3A, %get3A_0] : memref<10000x128xf32, #tpu.memory_space<vmem>>, vector<10000x128xf32>
    %get3A_2 = arith.constant 0 : index
    %get3A_3 = arith.constant 0 : index
    %get3A_4 = vector.load %arg1[%get3A_2, %get3A_3] : memref<128x256xf32, #tpu.memory_space<vmem>>, vector<128x256xf32>
    %dot_general3A = arith.constant dense<0.000000e+00> : vector<10000x256xf32>
    %dot_general3A_5 = tpu.matmul %get3A_1, %get3A_4, %dot_general3A {dimension_numbers = #tpu.dot_dimension_numbers<[1], [0], [0], [1], [0, 0, 1, 1], [], []>, transpose_lhs_hint = false} : vector<10000x128xf32>, vector<128x256xf32>, vector<10000x256xf32> -> vector<10000x256xf32>
    %get3A_6 = arith.constant 0 : index
    %get3A_7 = arith.constant 0 : index
    %get3A_8 = vector.load %arg2[%get3A_6, %get3A_7] : memref<10000x1xf32, #tpu.memory_space<vmem>>, vector<10000x1xf32>
    %mul3A = vector.broadcast %get3A_8 : vector<10000x1xf32> to vector<10000x256xf32>
    %mul3A_9 = arith.mulf %dot_general3A_5, %mul3A : vector<10000x256xf32>
    %slice3A = vector.extract_strided_slice %mul3A_9 {offsets = [0, 0], sizes = [10000, 128], strides = [1, 1]} : vector<10000x256xf32> to vector<10000x128xf32>
    %swap3A = arith.constant 0 : index
    %swap3A_10 = arith.constant 0 : index
    %swap3A_11 = arith.constant 0 : index
    %swap3A_12 = vector.load %arg3[%swap3A, %swap3A_10, %swap3A_11] : memref<2x10000x128xf32, #tpu.memory_space<vmem>>, vector<1x10000x128xf32>
    %swap3A_13 = vector.shape_cast %swap3A_12 : vector<1x10000x128xf32> to vector<10000x128xf32>
    %swap3A_14 = vector.shape_cast %slice3A : vector<10000x128xf32> to vector<1x10000x128xf32>
    tpu.vector_store %arg3[%swap3A, %swap3A_10, %swap3A_11], %swap3A_14 {strides = array<i32>} : memref<2x10000x128xf32, #tpu.memory_space<vmem>>, vector<1x10000x128xf32>,
    %slice3A_15 = vector.extract_strided_slice %mul3A_9 {offsets = [0, 128], sizes = [10000, 128], strides = [1, 1]} : vector<10000x256xf32> to vector<10000x128xf32>
    %swap3A_16 = arith.constant 1 : index
    %swap3A_17 = arith.constant 0 : index
    %swap3A_18 = arith.constant 0 : index
    %swap3A_19 = vector.load %arg3[%swap3A_16, %swap3A_17, %swap3A_18] : memref<2x10000x128xf32, #tpu.memory_space<vmem>>, vector<1x10000x128xf32>
    %swap3A_20 = vector.shape_cast %swap3A_19 : vector<1x10000x128xf32> to vector<10000x128xf32>
    %swap3A_21 = vector.shape_cast %slice3A_15 : vector<10000x128xf32> to vector<1x10000x128xf32>
    tpu.vector_store %arg3[%swap3A_16, %swap3A_17, %swap3A_18], %swap3A_21 {strides = array<i32>} : memref<2x10000x128xf32, #tpu.memory_space<vmem>>, vector<1x10000x128xf32>,
    return
  }
}

module attributes {stable_mosaic.version = 14 : i64} {
  func.func @_tc_stage_body(%arg0: memref<2x10240x128xf32, #tpu.memory_space<vmem>>, %arg1: memref<2x10000x128xf32, #tpu.memory_space<vmem>>, %arg2: memref<10000x1xf32, #tpu.memory_space<vmem>>, %arg3: memref<1x256xf32, #tpu.memory_space<vmem>>, %arg4: memref<256x256xf32, #tpu.memory_space<vmem>>, %arg5: memref<2x10000x128xf32, #tpu.memory_space<vmem>>) attributes {dimension_semantics = [], scalar_prefetch = 0 : i64, scratch_operands = 0 : i64, tpu.core_type = #tpu.core_type<tc>} {
    %get3A = arith.constant 0 : index
    %get3A_0 = arith.constant 0 : index
    %get3A_1 = vector.load %arg2[%get3A, %get3A_0] : memref<10000x1xf32, #tpu.memory_space<vmem>>, vector<10000x1xf32>
    %get3A_2 = arith.constant 0 : index
    %get3A_3 = arith.constant 0 : index
    %get3A_4 = arith.constant 0 : index
    %get3A_5 = vector.load %arg0[%get3A_2, %get3A_3, %get3A_4] : memref<2x10240x128xf32, #tpu.memory_space<vmem>>, vector<1x10000x128xf32>
    %get3A_6 = vector.shape_cast %get3A_5 : vector<1x10000x128xf32> to vector<10000x128xf32>
    %get3A_7 = arith.constant 0 : index
    %get3A_8 = arith.constant 0 : index
    %get3A_9 = arith.constant 0 : index
    %get3A_10 = vector.load %arg1[%get3A_7, %get3A_8, %get3A_9] : memref<2x10000x128xf32, #tpu.memory_space<vmem>>, vector<1x10000x128xf32>
    %get3A_11 = vector.shape_cast %get3A_10 : vector<1x10000x128xf32> to vector<10000x128xf32>
    %add3A = arith.addf %get3A_6, %get3A_11 : vector<10000x128xf32>
    %get3A_12 = arith.constant 1 : index
    %get3A_13 = arith.constant 0 : index
    %get3A_14 = arith.constant 0 : index
    %get3A_15 = vector.load %arg0[%get3A_12, %get3A_13, %get3A_14] : memref<2x10240x128xf32, #tpu.memory_space<vmem>>, vector<1x10000x128xf32>
    %get3A_16 = vector.shape_cast %get3A_15 : vector<1x10000x128xf32> to vector<10000x128xf32>
    %get3A_17 = arith.constant 1 : index
    %get3A_18 = arith.constant 0 : index
    %get3A_19 = arith.constant 0 : index
    %get3A_20 = vector.load %arg1[%get3A_17, %get3A_18, %get3A_19] : memref<2x10000x128xf32, #tpu.memory_space<vmem>>, vector<1x10000x128xf32>
    %get3A_21 = vector.shape_cast %get3A_20 : vector<1x10000x128xf32> to vector<10000x128xf32>
    %add3A_22 = arith.addf %get3A_16, %get3A_21 : vector<10000x128xf32>
    %concatenate3A = tpu.concatenate %add3A, %add3A_22 in 1 : vector<10000x128xf32>, vector<10000x128xf32> -> vector<10000x256xf32>
    %mul3A = vector.broadcast %get3A_1 : vector<10000x1xf32> to vector<10000x256xf32>
    %mul3A_23 = arith.mulf %concatenate3A, %mul3A : vector<10000x256xf32>
    %get3A_24 = arith.constant 0 : index
    %get3A_25 = arith.constant 0 : index
    %get3A_26 = vector.load %arg3[%get3A_24, %get3A_25] : memref<1x256xf32, #tpu.memory_space<vmem>>, vector<1x256xf32>
    %add3A_27 = vector.broadcast %get3A_26 : vector<1x256xf32> to vector<10000x256xf32>
    %add3A_28 = arith.addf %mul3A_23, %add3A_27 : vector<10000x256xf32>
    %max3A = arith.constant 0.000000e+00 : f32
    %max3A_29 = vector.broadcast %max3A : f32 to vector<10000x256xf32>
    %max3A_30 = arith.maximumf %add3A_28, %max3A_29 : vector<10000x256xf32>
    %get3A_31 = arith.constant 0 : index
    %get3A_32 = arith.constant 0 : index
    %get3A_33 = vector.load %arg4[%get3A_31, %get3A_32] : memref<256x256xf32, #tpu.memory_space<vmem>>, vector<256x256xf32>
    %dot_general3A = arith.constant dense<0.000000e+00> : vector<10000x256xf32>
    %dot_general3A_34 = tpu.matmul %max3A_30, %get3A_33, %dot_general3A {dimension_numbers = #tpu.dot_dimension_numbers<[1], [0], [0], [1], [0, 0, 1, 1], [], []>, transpose_lhs_hint = false} : vector<10000x256xf32>, vector<256x256xf32>, vector<10000x256xf32> -> vector<10000x256xf32>
    %mul3A_35 = vector.broadcast %get3A_1 : vector<10000x1xf32> to vector<10000x256xf32>
    %mul3A_36 = arith.mulf %dot_general3A_34, %mul3A_35 : vector<10000x256xf32>
    %slice3A = vector.extract_strided_slice %mul3A_36 {offsets = [0, 0], sizes = [10000, 128], strides = [1, 1]} : vector<10000x256xf32> to vector<10000x128xf32>
    %swap3A = arith.constant 0 : index
    %swap3A_37 = arith.constant 0 : index
    %swap3A_38 = arith.constant 0 : index
    %swap3A_39 = vector.load %arg5[%swap3A, %swap3A_37, %swap3A_38] : memref<2x10000x128xf32, #tpu.memory_space<vmem>>, vector<1x10000x128xf32>
    %swap3A_40 = vector.shape_cast %swap3A_39 : vector<1x10000x128xf32> to vector<10000x128xf32>
    %swap3A_41 = vector.shape_cast %slice3A : vector<10000x128xf32> to vector<1x10000x128xf32>
    tpu.vector_store %arg5[%swap3A, %swap3A_37, %swap3A_38], %swap3A_41 {strides = array<i32>} : memref<2x10000x128xf32, #tpu.memory_space<vmem>>, vector<1x10000x128xf32>,
    %slice3A_42 = vector.extract_strided_slice %mul3A_36 {offsets = [0, 128], sizes = [10000, 128], strides = [1, 1]} : vector<10000x256xf32> to vector<10000x128xf32>
    %swap3A_43 = arith.constant 1 : index
    %swap3A_44 = arith.constant 0 : index
    %swap3A_45 = arith.constant 0 : index
    %swap3A_46 = vector.load %arg5[%swap3A_43, %swap3A_44, %swap3A_45] : memref<2x10000x128xf32, #tpu.memory_space<vmem>>, vector<1x10000x128xf32>
    %swap3A_47 = vector.shape_cast %swap3A_46 : vector<1x10000x128xf32> to vector<10000x128xf32>
    %swap3A_48 = vector.shape_cast %slice3A_42 : vector<10000x128xf32> to vector<1x10000x128xf32>
    tpu.vector_store %arg5[%swap3A_43, %swap3A_44, %swap3A_45], %swap3A_48 {strides = array<i32>} : memref<2x10000x128xf32, #tpu.memory_space<vmem>>, vector<1x10000x128xf32>,
    return
  }
}

module attributes {stable_mosaic.version = 14 : i64} {
  func.func @_tc_final_body(%arg0: memref<2x10240x128xf32, #tpu.memory_space<vmem>>, %arg1: memref<2x10000x128xf32, #tpu.memory_space<vmem>>, %arg2: memref<10000x1xf32, #tpu.memory_space<vmem>>, %arg3: memref<1x256xf32, #tpu.memory_space<vmem>>, %arg4: memref<1x10000xi32, #tpu.memory_space<vmem>>, %arg5: memref<256x10xf32, #tpu.memory_space<vmem>>, %arg6: memref<1x10xf32, #tpu.memory_space<vmem>>, %arg7: memref<64x10xf32, #tpu.memory_space<vmem>>) attributes {dimension_semantics = [], scalar_prefetch = 0 : i64, scratch_operands = 0 : i64, tpu.core_type = #tpu.core_type<tc>} {
    %get3A = arith.constant 0 : index
    %get3A_0 = arith.constant 0 : index
    %get3A_1 = arith.constant 0 : index
    %get3A_2 = vector.load %arg0[%get3A, %get3A_0, %get3A_1] : memref<2x10240x128xf32, #tpu.memory_space<vmem>>, vector<1x10000x128xf32>
    %get3A_3 = vector.shape_cast %get3A_2 : vector<1x10000x128xf32> to vector<10000x128xf32>
    %get3A_4 = arith.constant 0 : index
    %get3A_5 = arith.constant 0 : index
    %get3A_6 = arith.constant 0 : index
    %get3A_7 = vector.load %arg1[%get3A_4, %get3A_5, %get3A_6] : memref<2x10000x128xf32, #tpu.memory_space<vmem>>, vector<1x10000x128xf32>
    %get3A_8 = vector.shape_cast %get3A_7 : vector<1x10000x128xf32> to vector<10000x128xf32>
    %add3A = arith.addf %get3A_3, %get3A_8 : vector<10000x128xf32>
    %get3A_9 = arith.constant 1 : index
    %get3A_10 = arith.constant 0 : index
    %get3A_11 = arith.constant 0 : index
    %get3A_12 = vector.load %arg0[%get3A_9, %get3A_10, %get3A_11] : memref<2x10240x128xf32, #tpu.memory_space<vmem>>, vector<1x10000x128xf32>
    %get3A_13 = vector.shape_cast %get3A_12 : vector<1x10000x128xf32> to vector<10000x128xf32>
    %get3A_14 = arith.constant 1 : index
    %get3A_15 = arith.constant 0 : index
    %get3A_16 = arith.constant 0 : index
    %get3A_17 = vector.load %arg1[%get3A_14, %get3A_15, %get3A_16] : memref<2x10000x128xf32, #tpu.memory_space<vmem>>, vector<1x10000x128xf32>
    %get3A_18 = vector.shape_cast %get3A_17 : vector<1x10000x128xf32> to vector<10000x128xf32>
    %add3A_19 = arith.addf %get3A_13, %get3A_18 : vector<10000x128xf32>
    %concatenate3A = tpu.concatenate %add3A, %add3A_19 in 1 : vector<10000x128xf32>, vector<10000x128xf32> -> vector<10000x256xf32>
    %get3A_20 = arith.constant 0 : index
    %get3A_21 = arith.constant 0 : index
    %get3A_22 = vector.load %arg2[%get3A_20, %get3A_21] : memref<10000x1xf32, #tpu.memory_space<vmem>>, vector<10000x1xf32>
    %mul3A = vector.broadcast %get3A_22 : vector<10000x1xf32> to vector<10000x256xf32>
    %mul3A_23 = arith.mulf %concatenate3A, %mul3A : vector<10000x256xf32>
    %get3A_24 = arith.constant 0 : index
    %get3A_25 = arith.constant 0 : index
    %get3A_26 = vector.load %arg3[%get3A_24, %get3A_25] : memref<1x256xf32, #tpu.memory_space<vmem>>, vector<1x256xf32>
    %add3A_27 = vector.broadcast %get3A_26 : vector<1x256xf32> to vector<10000x256xf32>
    %add3A_28 = arith.addf %mul3A_23, %add3A_27 : vector<10000x256xf32>
    %max3A = arith.constant 0.000000e+00 : f32
    %max3A_29 = vector.broadcast %max3A : f32 to vector<10000x256xf32>
    %max3A_30 = arith.maximumf %add3A_28, %max3A_29 : vector<10000x256xf32>
    %iota3A = tpu.iota {dimensions = array<i32: 0>} : vector<64x10000xi32>
    %get3A_31 = arith.constant 0 : index
    %get3A_32 = arith.constant 0 : index
    %get3A_33 = vector.load %arg4[%get3A_31, %get3A_32] : memref<1x10000xi32, #tpu.memory_space<vmem>>, vector<1x10000xi32>
    %eq3A = vector.broadcast %get3A_33 : vector<1x10000xi32> to vector<64x10000xi32>
    %eq3A_34 = arith.cmpi eq, %eq3A, %iota3A : vector<64x10000xi32>
    %jit3A = arith.constant 1.000000e+00 : f32
    %jit3A_35 = arith.constant 0.000000e+00 : f32
    %broadcast_in_dim3A = vector.broadcast %jit3A : f32 to vector<64x10000xf32>
    %broadcast_in_dim3A_36 = vector.broadcast %jit3A_35 : f32 to vector<64x10000xf32>
    %select_n3A = arith.select %eq3A_34, %broadcast_in_dim3A, %broadcast_in_dim3A_36 : vector<64x10000xi1>, vector<64x10000xf32>
    %dot_general3A = arith.constant dense<0.000000e+00> : vector<64x256xf32>
    %dot_general3A_37 = tpu.matmul %select_n3A, %max3A_30, %dot_general3A {dimension_numbers = #tpu.dot_dimension_numbers<[1], [0], [0], [1], [0, 0, 1, 1], [], []>, transpose_lhs_hint = false} : vector<64x10000xf32>, vector<10000x256xf32>, vector<64x256xf32> -> vector<64x256xf32>
    %reduce_sum3A = arith.constant dense<0.000000e+00> : vector<64xf32>
    %reduce_sum3A_38 = vector.multi_reduction <add>, %select_n3A, %reduce_sum3A [1] : vector<64x10000xf32> to vector<64xf32>
    %broadcast_in_dim3A_39 = vector.shape_cast %reduce_sum3A_38 : vector<64xf32> to vector<64x1xf32>
    %max3A_40 = arith.constant 1.000000e+00 : f32
    %max3A_41 = vector.broadcast %max3A_40 : f32 to vector<64x1xf32>
    %max3A_42 = arith.maximumf %broadcast_in_dim3A_39, %max3A_41 : vector<64x1xf32>
    %div3A = vector.broadcast %max3A_42 : vector<64x1xf32> to vector<64x256xf32>
    %div3A_43 = arith.divf %dot_general3A_37, %div3A : vector<64x256xf32>
    %get3A_44 = arith.constant 0 : index
    %get3A_45 = arith.constant 0 : index
    %get3A_46 = vector.load %arg5[%get3A_44, %get3A_45] : memref<256x10xf32, #tpu.memory_space<vmem>>, vector<256x10xf32>
    %dot_general3A_47 = arith.constant dense<0.000000e+00> : vector<64x10xf32>
    %dot_general3A_48 = tpu.matmul %div3A_43, %get3A_46, %dot_general3A_47 {dimension_numbers = #tpu.dot_dimension_numbers<[1], [0], [0], [1], [0, 0, 1, 1], [], []>, transpose_lhs_hint = false} : vector<64x256xf32>, vector<256x10xf32>, vector<64x10xf32> -> vector<64x10xf32>
    %get3A_49 = arith.constant 0 : index
    %get3A_50 = arith.constant 0 : index
    %get3A_51 = vector.load %arg6[%get3A_49, %get3A_50] : memref<1x10xf32, #tpu.memory_space<vmem>>, vector<1x10xf32>
    %add3A_52 = vector.broadcast %get3A_51 : vector<1x10xf32> to vector<64x10xf32>
    %add3A_53 = arith.addf %dot_general3A_48, %add3A_52 : vector<64x10xf32>
    %swap3A = arith.constant 0 : index
    %swap3A_54 = arith.constant 0 : index
    %swap3A_55 = vector.load %arg7[%swap3A, %swap3A_54] : memref<64x10xf32, #tpu.memory_space<vmem>>, vector<64x10xf32>
    tpu.vector_store %arg7[%swap3A, %swap3A_54], %add3A_53 {strides = array<i32>} : memref<64x10xf32, #tpu.memory_space<vmem>>, vector<64x10xf32>,
    return
  }
}

</mosaic_0001>

<sc_bundles>
// kernel: kernel.10.cloned.1.call-start
scs
__scs_entry_jumppad:
0x0: {  	(pc) =	sbr.rel $0x88, $3  }
0x1: {  	(tag) =	ssettag $0x0;
	lr =	simm.s32 $0x1  }
0x2: {  	[smem:$0x3F95] =	sst lr;
	_ =	strace $0xD0000000  }
0x3: {  	_ = 	snop  }
0x4: {  	_ = 	snop  }
0x5: {  	_ = 	snop  }
0x6: {  	_ = 	snop  }
0x7: {  	_ = 	snop  }
__scs_overlays_trampoline_lowered:
0x8: {  	[smem:$0x3FA4] =	sst s0  }
0x9: {  	[smem:$0x3FA5] =	sst s1  }
0xa: {  	[smem:$0x3FA6] =	sst s2  }
0xb: {  	[smem:$0x3FA7] =	sst s3  }
0xc: {  	[smem:$0x3FA8] =	sst s4  }
0xd: {  	[smem:$0x3FA9] =	sst s5  }
0xe: {  	[smem:$0x3FAA] =	sst s6  }
0xf: {  	[smem:$0x3FAB] =	sst s7  }
0x10: {  	[smem:$0x3FAC] =	sst s8  }
0x11: {  	[smem:$0x3FAD] =	sst s9;
	s0 =	simm.s32 @!p0 $0x0  }
0x12: {  	s1 =	sld [smem:$0x3F93];
	s0 =	simm.s32 @p0 $0x1  }
0x13: {  	[smem:$0x3FAE] =	sst s0;
	s0 =	simm.s32 @!p1 $0x0  }
0x14: {  	s2 =	sld [smem:$0x3F92];
	s0 =	simm.s32 @p1 $0x1  }
0x15: {  	[smem:$0x3FAF] =	sst s0;
	s0 =	simm.s32 @!p2 $0x0  }
0x16: {  	s3 =	sld [smem:$0x3FDB];
	s0 =	simm.s32 @p2 $0x1  }
0x17: {  	s4 =	simm.s32 $0x1BF5;
	[smem:$0x3FB1] =	sst s0  }
0x18: {  	s0 =	sld [smem:$0x3F94];
	_ =	swait.ge [sflag:s4], $0x0  }
0x19: {  	s7 =	sld [smem:$0x3F95]  }
0x1a: {  	s8 =	sadd.s32 $0xFFFFE003, lr  }
0x1b: {  	s9 =	sadd.s32 $0xFFFFFEF7, lr;
	s5 =	simm.s32 $0xFFFFFFFF;
	p2 =	slt.u32 s8, $0xFFFFF086  }
0x1c: {  	p1 =	slt.u32 s9, $0xF7A;
	s5 =	simm.s32 @!p2 $0x0  }
0x1d: {  	s5 =	simm.s32 @p1 $0x1;
	p0 =	seq.s32 s7, s2  }
0x1e: {  	s7 =	smul.u32 @!p0 $0xF7A, s2;
	p2 =	seq.s32 @!p0 s5, $0x0  }
0x1f: {  	s9 =	smul.u32 $0xF7A, s1;
	s8 =	simm.s32 @!p0 $0x1BF5;
	p2 =	por !p2, p0  }
0x20: {  	[sflag:s8] =	ssyncset.s32 @!p0 $0xFFFFF086;
	s6 =	sadd.s32 @!p0 s3, s7;
	s7 =	simm.s32 @!p0 $0x108  }
0x21: {  	s3 =	sadd.s32 s3, s9;
	s6 =	sadd.s32 @!p0 $0x88, s6;
	s7 =	simm.s32 @p2 $0x1082  }
0x22: {  	[simem:s7], [sflag:s8] =	dma.local @!p0 [hbm:s6], $0xF7A  }
0x23: {  	s9 =	sor.u32 $0xD0000000, s2;
	s6 =	simm.s32 $0x108;
	_ =	swait.ge @!p0 [sflag:s8], $0x0  }
0x24: {  	s3 =	sadd.s32 $0x88, s3;
	s6 =	simm.s32 @!p1 $0x1082;
	[sflag:s4] =	ssyncset.s32 $0xFFFFF086  }
0x25: {  	[simem:s6], [sflag:s4] =	dma.local [hbm:s3], $0xF7A  }
0x26: {  	[smem:$0x3F95] =	sst s1;
	(tag) =	ssettag s2;
	_ =	strace s9  }
0x27: {  	s1 =	sld [smem:$0x3FA5]  }
0x28: {  	s2 =	sld [smem:$0x3FA6]  }
0x29: {  	s4 =	sld [smem:$0x3FA8]  }
0x2a: {  	p0 =	seq.s32 s5, $0x0;
	s5 =	sld [smem:$0x3FA9]  }
0x2b: {  	s6 =	sld [smem:$0x3FAA]  }
0x2c: {  	s7 =	sld [smem:$0x3FAB]  }
0x2d: {  	s3 =	simm.s32 $0x108;
	s8 =	sld [smem:$0x3FAC]  }
0x2e: {  	s3 =	simm.s32 @!p0 $0x1082;
	s9 =	sld [smem:$0x3FAD]  }
0x2f: {  	lr =	sadd.s32 s0, s3;
	s0 =	sld [smem:$0x3FA4]  }
0x30: {  	s3 =	sld [smem:$0x3FA7]  }
0x31: {  	[smem:$0x3FB0] =	sst s10  }
0x32: {  	s10 =	sld [smem:$0x3FAE];
	_ =	sdelay $0x3  }
0x33: {  	p0 =	seq.s32 s10, $0x1;
	s10 =	sld [smem:$0x3FB0];
	_ =	sdelay $0x3  }
0x34: {  	[smem:$0x3FB0] =	sst s10  }
0x35: {  	s10 =	sld [smem:$0x3FAF];
	_ =	sdelay $0x3  }
0x36: {  	p1 =	seq.s32 s10, $0x1;
	s10 =	sld [smem:$0x3FB0];
	_ =	sdelay $0x3  }
0x37: {  	[smem:$0x3FB0] =	sst s10  }
0x38: {  	s10 =	sld [smem:$0x3FB1]  }
0x39: {  	_ = 	snop;
	(pc) =	sbr.ind lr, $3  }
0x3a: {  	_ = 	snop  }
0x3b: {  	_ = 	snop  }
0x3c: {  	p2 =	seq.s32 s10, $0x1;
	s10 =	sld [smem:$0x3FB0]  }
0x3d: {  	_ =	shalt  }
0x3e: {  	_ =	shalt  }
0x3f: {  	_ =	shalt  }
0x40: {  	_ =	shalt  }
0x41: {  	_ =	shalt  }
0x42: {  	_ =	shalt  }
0x43: {  	_ =	shalt  }
0x44: {  	_ =	shalt  }
0x45: {  	_ =	shalt  }
0x46: {  	_ =	shalt  }
0x47: {  	_ =	shalt  }
0x48: {  	_ =	shalt  }
0x49: {  	_ =	shalt  }
0x4a: {  	_ =	shalt  }
0x4b: {  	_ =	shalt  }
0x4c: {  	_ =	shalt  }
0x4d: {  	_ =	shalt  }
0x4e: {  	_ =	shalt  }
0x4f: {  	_ =	shalt  }
0x50: {  	_ =	shalt  }
0x51: {  	_ =	shalt  }
0x52: {  	_ =	shalt  }
0x53: {  	_ =	shalt  }
0x54: {  	_ =	shalt  }
0x55: {  	_ =	shalt  }
0x56: {  	_ =	shalt  }
0x57: {  	_ =	shalt  }
0x58: {  	_ =	shalt  }
0x59: {  	_ =	shalt  }
0x5a: {  	_ =	shalt  }
0x5b: {  	_ =	shalt  }
0x5c: {  	_ =	shalt  }
0x5d: {  	_ =	shalt  }
0x5e: {  	_ =	shalt  }
0x5f: {  	_ =	shalt  }
0x60: {  	_ =	shalt  }
0x61: {  	_ =	shalt  }
0x62: {  	_ =	shalt  }
0x63: {  	_ =	shalt  }
0x64: {  	_ =	shalt  }
0x65: {  	_ =	shalt  }
0x66: {  	_ =	shalt  }
0x67: {  	_ =	shalt  }
0x68: {  	_ =	shalt  }
0x69: {  	_ =	shalt  }
0x6a: {  	_ =	shalt  }
0x6b: {  	_ =	shalt  }
0x6c: {  	_ =	shalt  }
0x6d: {  	_ =	shalt  }
0x6e: {  	_ =	shalt  }
0x6f: {  	_ =	shalt  }
0x70: {  	_ =	shalt  }
0x71: {  	_ =	shalt  }
0x72: {  	_ =	shalt  }
0x73: {  	_ =	shalt  }
0x74: {  	_ =	shalt  }
0x75: {  	_ =	shalt  }
0x76: {  	_ =	shalt  }
0x77: {  	_ =	shalt  }
0x78: {  	_ =	shalt  }
0x79: {  	_ =	shalt  }
0x7a: {  	_ =	shalt  }
0x7b: {  	_ =	shalt  }
0x7c: {  	_ =	shalt  }
0x7d: {  	_ =	shalt  }
0x7e: {  	_ =	shalt  }
0x7f: {  	_ =	shalt  }
0x80: {  	_ =	shalt  }
0x81: {  	_ =	shalt  }
0x82: {  	_ =	shalt  }
0x83: {  	_ =	shalt  }
0x84: {  	_ =	shalt  }
0x85: {  	_ =	shalt  }
0x86: {  	_ =	shalt  }
0x87: {  	_ =	shalt  }
.Lfunc_end0:
.L_simem_size_0:
called_computation_lowered:
.L_overlay_start_0:
0x88: {  	s2 =	sld [smem:$0x3FD9]  }
0x89: {  	s3 =	sld [smem:$0x3FFE];
	_ =	sdelay $0x1  }
0x8a: {  	s1 =	srdreg.scid  }
0x8b: {  	s0 =	sand.u32 $0x1, s1  }
0x8c: {  	s16 =	sshll.u32 s0, $0xA;
	s2 =	sadd.s32 s3, s2  }
0x8d: {  	s2 =	sadd.s32 s2, s16  }
0x8e: {  	[smem:$0x3FBC] =	sst s2  }
0x8f: {  	_ = 	snop  }
0x90: {  	(tm) =	ssettm $0x1  }
0x91: {  	s17 =	sld [smem:$0x3FFB];
	_ =	sdelay $0x3  }
0x92: {  	_ =	strace s17  }
0x93: {  	s2 =	sld [smem:$0x3FFC];
	_ =	sdelay $0x3  }
0x94: {  	_ =	strace s2  }
0x95: {  	s2 =	sld [smem:$0x3FFD];
	_ =	sdelay $0x3  }
0x96: {  	_ =	strace s2  }
0x97: {  	_ =	strace $0x8FFFFFFF  }
0x98: {  	s18 =	sld [smem:$0x3FDB];
	_ =	sdelay $0x1  }
0x99: {  	s19 =	simm.s32 $_scs_section_size  }
0x9a: {  	s4 =	simm.s32 $_size__tile_overlayer_lowered;
	s5 =	simm.s32 $_tile_overlayer_lowered  }
0x9b: {  	s22 =	simm.s32 $0x1BFF;
	s21 =	sshll.u32 s5, $0x1;
	s2 =	sadd.s32 s19, s18  }
0x9c: {  	s6 =	simm.s32 $0x0;
	s20 =	sshll.u32 s4, $0x1;
	s4 =	sadd.s32 s21, s2  }
0x9d: {  	[timem:s6], [sflag:s22] =	dma.local [hbm:s4], s20  }
0x9e: {  	_ =	swait.ge [sflag:s22], s20  }
0x9f: {  	s3 =	ssub.s32 $0x0, s20;
	[sflag:s22] =	ssyncset.done $0x0  }
0xa0: {  	[sflag:s22] =	ssyncadd.s32 s3;
	_ =	sdelay $0x1  }
0xa1: {  	s23 =	simm.s32 $0x1B8B  }
0xa2: {  	_ =	swait.ge [sflag:s23], $0x1  }
0xa3: {  	[sflag:s23] =	ssyncset.done $0x0  }
0xa4: {  	s25 =	simm.s32 $0x1B8E;
	s24 =	sld [smem:$0x3FFE];
	[sflag:s23] =	ssyncadd.s32 $0xFFFFFFFF  }
0xa5: {  	s26 =	simm.s32 $execute0_lowered;
	[smem:$0x3FD2] =	sst s25  }
0xa6: {  	s4 =	sshll.u32 s26, $0x1;
	_ =	strace $0x80000046;
	[dreg:$0x1] =	wrdreg $0xFFFFFFFF  }
0xa7: {  	s28 =	simm.s32 $_size_execute0_lowered;
	s2 =	sadd.s32 s2, s4;
	[dreg:$0x0] =	wrdreg $0x0  }
0xa8: {  	s4 =	sshll.u32 s28, $0x1;
	[dreg:$0x2] =	wrdreg s2  }
0xa9: {  	[dreg:$0x3] =	wrdreg s4  }
0xaa: {  	[dreg:$0x4] =	wrdreg $0xC0  }
0xab: {  	_ =	task [dreg:s6], $0x5FFFF  }
0xac: {  	[dreg:$0x1] =	wrdreg $0xFFFFFFFF  }
0xad: {  	[dreg:$0x0] =	wrdreg $0x60  }
0xae: {  	[dreg:$0x2] =	wrdreg s24  }
0xaf: {  	[dreg:$0x3] =	wrdreg $0x1800  }
0xb0: {  	[dreg:$0x4] =	wrdreg $0x9  }
0xb1: {  	_ =	task.clear_ibuf [dreg:s6], $0x5FFFF;
	_ =	strace $0x90000046  }
0xb2: {  	s29 =	simm.s32 $0x9;
	_ =	strace $0x80000048  }
0xb3: {  	_ =	swait.ge [sflag:s29], $0x1  }
0xb4: {  	[sflag:s29] =	ssyncadd.s32 $0xFFFFFFFF  }
0xb5: {  	_ =	strace $0x90000048  }
0xb6: {  	_ =	sfence  }
0xb7: {  	s30 =	sld [smem:$0x0];
	_ =	sdelay $0x2  }
0xb8: {  	s31 =	sshll.u32 s1, $0xD;
	s1 =	sshrl.u32 s1, $0x2  }
0xb9: {  	s3 =	sand.u32 $0x4000, s31;
	s1 =	sadd.s32 s1, s30  }
0xba: {  	s0 =	sor.u32 s3, s0;
	s1 =	sshll.u32 s1, $0x11  }
0xbb: {  	s0 =	sor.u32 s1, s0  }
0xbc: {  	s0 =	sadd.s32 $0x8F2B, s0  }
0xbd: {  	[sflag:s0] =	ssyncadd.remote.s32 $0x1  }
0xbe: {  	_ =	sfence.sel $0xFFFF  }
0xbf: {  	[dreg:$0x0] =	wrdreg $0xFFFFFFFF;
	(pc) =	sbr.abs _section_cstart, $3  }
0xc0: {  	[dreg:$0x1] =	wrdreg $0xFFFFFFFF  }
0xc1: {  	_ =	task.clear_ibuf [dreg:s6], $0x2FFFF;
	_ =	strace $0x9FFFFFFF  }
0xc2: {  	(tm) =	ssettm $0x7FFFFFFF  }
0xc3: {  	_ =	shalt  }
tec
execute0_lowered:
.L_overlay_start_1:
0x0: {  	(tag) =	ssettag $0x1  }
0x1: {  	s4 =	rddreg [dreg:$0x0]  }
0x2: {  	s2 =	rddreg [dreg:$0x1];
	s1 =	stileid.u32  }
0x3: {  	s3 =	srdreg.scid;
	s0 =	rddreg [dreg:$0x2];
	s13 =	simm.s32 $0x1  }
0x4: {  	s14 =	simm.s32 $0x80;
	s17 =	simm.s32 $0x20;
	s18 =	simm.s32 $0x10  }
0x5: {  	s19 =	simm.s32 $0x0;
	s5 =	sand.u32 $0x1, s3;
	s6 =	smul.u32 $0x500, s1  }
0x6: {  	s3 =	simm.s32 $0x0;
	s7 =	smul.u32 $0xA00, s1;
	s15 =	sshll.u32 s1, $0x6  }
0x7: {  	s8 =	sshll.u32 s5, $0x7;
	[smem:$0x7FF] =	sst s3;
	s29 =	ssub.s32 $0x2, s5  }
0x8: {  	s11 =	smul.u32 $0x500, s5;
	s15 =	sor.u32 $0x1C01, s15;
	s6 =	sor.u32 s8, s6  }
0x9: {  	_ =	strace $0x80000047;
	s9 =	sadd.s32 s7, s4;
	s31 =	sshrl.u32 s29, $0x1  }
0xa: {  	s30 =	sshrl.u32 s7, $0x2;
	s6 =	sshrl.u32 s6, $0x3;
	s12 =	ssub.s32 s29, s31  }
0xb: {  	s11 =	sadd.s32 s11, s9;
	s10 =	sadd.s32 s6, s4;
	s4 =	sadd.s32 s30, s2  }
0xc: {  	s11 =	sadd.s32 $0x2C00, s11;
	s5 =	sadd.s32 $0x80, s4;
	s6 =	sadd.s32 $0x100, s4  }
0xd: {  	s7 =	sadd.s32 $0x180, s4;
	s8 =	sadd.s32 $0x200, s4;
	s9 =	sadd.s32 $0xCC00, s10  }
0xe: {  	v0 =	vimm.f32 $1.000000000e+00;
	v1 =	vimm.f32 $0.0e+00;
	s10 =	smax.u32 s12, $0x1;
	s12 =	simm.s32 $0x100;
	s16 =	sshrl.u32 s4, $0x3  }
.LBB2_1:
0xf: {  	[tilespmem:$0x80] =	vst v0  }
0x10: {  	[tilespmem:$0x100] =	vst v1  }
0x11: {  	[tilespmem:$0x90] =	vst v0  }
0x12: {  	[tilespmem:$0x110] =	vst v1  }
0x13: {  	[tilespmem:$0xA0] =	vst v0  }
0x14: {  	[tilespmem:$0x120] =	vst v1  }
0x15: {  	[tilespmem:$0xB0] =	vst v0  }
0x16: {  	[tilespmem:$0x130] =	vst v1  }
0x17: {  	[tilespmem:$0xC0] =	vst v0  }
0x18: {  	[tilespmem:$0x140] =	vst v1  }
0x19: {  	[tilespmem:$0xD0] =	vst v0  }
0x1a: {  	[tilespmem:$0x150] =	vst v1  }
0x1b: {  	[tilespmem:$0xE0] =	vst v0  }
0x1c: {  	[tilespmem:$0x160] =	vst v1  }
0x1d: {  	[tilespmem:$0xF0] =	vst v0  }
0x1e: {  	[tilespmem:$0x170] =	vst v1  }
0x1f: {  	[spmem:s4] =	stream.linear.scatter [tilespmem:s12], [sflag:$0x1], $0x80, $0x38;
	[tilespmem:$0x400] =	vst v63  }
0x20: {  	_ =	swait.ge [sflag:s13], $0x80  }
0x21: {  	[sflag:s13] =	ssyncset.done $0x0  }
0x22: {  	[sflag:s13] =	ssyncadd.s32 $0xFFFFFF80  }
0x23: {  	[spmem:s5] =	stream.linear.scatter [tilespmem:s12], [sflag:$0x1], $0x80, $0x38;
	[tilespmem:$0x400] =	vst v63  }
0x24: {  	_ =	swait.ge [sflag:s13], $0x80  }
0x25: {  	[sflag:s13] =	ssyncset.done $0x0  }
0x26: {  	[sflag:s13] =	ssyncadd.s32 $0xFFFFFF80  }
0x27: {  	[spmem:s6] =	stream.linear.scatter [tilespmem:s12], [sflag:$0x1], $0x80, $0x38;
	[tilespmem:$0x400] =	vst v63  }
0x28: {  	_ =	swait.ge [sflag:s13], $0x80  }
0x29: {  	[sflag:s13] =	ssyncset.done $0x0  }
0x2a: {  	[sflag:s13] =	ssyncadd.s32 $0xFFFFFF80  }
0x2b: {  	[spmem:s7] =	stream.linear.scatter [tilespmem:s12], [sflag:$0x1], $0x80, $0x38;
	[tilespmem:$0x400] =	vst v63  }
0x2c: {  	_ =	swait.ge [sflag:s13], $0x80  }
0x2d: {  	[sflag:s13] =	ssyncset.done $0x0  }
0x2e: {  	[sflag:s13] =	ssyncadd.s32 $0xFFFFFF80  }
0x2f: {  	[spmem:s8] =	stream.linear.scatter [tilespmem:s12], [sflag:$0x1], $0x80, $0x38;
	[tilespmem:$0x400] =	vst v63  }
0x30: {  	_ =	swait.ge [sflag:s13], $0x80  }
0x31: {  	[sflag:s13] =	ssyncset.done $0x0  }
0x32: {  	[sflag:s13] =	ssyncadd.s32 $0xFFFFFF80  }
0x33: {  	s20 =	sadd.s32 $0x0, s11;
	[bflag:$0x0] =	sbarrier.arrive $0xFFFF  }
0x34: {  	[tilespmem:s3], [sflag:$0x1] =	stream.linear.gather [hbm4b:s20+s3], $0x80, $0x38;
	[tilespmem:$0x400] =	vst v63  }
0x35: {  	_ =	swait.ge [sflag:s13], $0x80  }
0x36: {  	[sflag:s13] =	ssyncset.done $0x0  }
0x37: {  	[sflag:s13] =	ssyncadd.s32 $0xFFFFFF80  }
0x38: {  	[spmem:s2] =	stream.indirect.scatter.add.f32 [tilespmem:s14], [sflag:$0x1], $0x1, s3, s14, $0xb8;
	[tilespmem:$0x400] =	vst v63  }
0x39: {  	_ =	swait.ge [sflag:s13], $0x80  }
0x3a: {  	s21 =	simm.s32 $0x20;
	s20 =	simm.s32 $0x10;
	[sflag:s13] =	ssyncset.done $0x0  }
.LBB2_2:
0x3b: {  	s22 =	sadd.s32 s20, s11  }
0x3c: {  	[sflag:s13] =	ssyncadd.s32 $0xFFFFFF80;
	s20 =	smov.u32 s21;
	s23 =	sadd.s32 $0x10, s21  }
0x3d: {  	[tilespmem:s3], [sflag:$0x1] =	stream.linear.gather [hbm4b:s22+s3], $0x80, $0x38;
	[tilespmem:$0x400] =	vst v63  }
0x3e: {  	p0 =	sne.s32 s21, $0x4F0;
	_ =	swait.ge [sflag:s13], $0x80  }
.Ltmp0:
0x3f: {  	[sflag:s13] =	ssyncset.done $0x0;
	(pc) =	sbr.rel @p0 .LBB2_2-.Ltmp0, $4  }
0x40: {  	[sflag:s13] =	ssyncadd.s32 $0xFFFFFF80  }
0x41: {  	[spmem:s2] =	stream.indirect.scatter.add.f32 [tilespmem:s14], [sflag:$0x1], $0x1, s3, s14, $0xb8;
	[tilespmem:$0x400] =	vst v63  }
0x42: {  	_ =	swait.ge [sflag:s13], $0x80  }
0x43: {  	s21 =	smov.u32 s23;
	[sflag:s13] =	ssyncset.done $0x0  }
0x44: {  	s20 =	sadd.s32 s20, s11;
	[sflag:s13] =	ssyncadd.s32 $0xFFFFFF80  }
0x45: {  	[tilespmem:s3], [sflag:$0x1] =	stream.linear.gather [hbm4b:s20+s3], $0x80, $0x38;
	[tilespmem:$0x400] =	vst v63  }
0x46: {  	_ =	swait.ge [sflag:s13], $0x80  }
0x47: {  	[sflag:s13] =	ssyncset.done $0x0  }
0x48: {  	[sflag:s13] =	ssyncadd.s32 $0xFFFFFF80  }
0x49: {  	[spmem:s2] =	stream.indirect.scatter.add.f32 [tilespmem:s14], [sflag:$0x1], $0x1, s3, s14, $0xb8;
	[tilespmem:$0x400] =	vst v63  }
0x4a: {  	_ =	swait.ge [sflag:s13], $0x80  }
0x4b: {  	s19 =	sadd.s32 $0x1, s19;
	[sflag:s13] =	ssyncset.done $0x0  }
0x4c: {  	p0 =	sne.s32 s19, s10;
	[sflag:s13] =	ssyncadd.s32 $0xFFFFFF80  }
.Ltmp1:
0x4d: {  	[bflag:$0x0] =	sbarrier.arrive $0xFFFF;
	(pc) =	sbr.rel @p0 .LBB2_1-.Ltmp1, $4  }
0x4e: {  	[hbm:s9@s17], [sflag:s15] =	dma.strided [spmem:s16@s18], $0x50, s13, $0x10   }
0x4f: {  	_ =	swait.ge [sflag:s13], $0x50  }
0x50: {  	[sflag:s13] =	ssyncset.done $0x0  }
0x51: {  	[sflag:s13] =	ssyncadd.s32 $0xFFFFFFB0  }
0x52: {  	_ =	sfence.sel $0x180000  }
0x53: {  	[bflag:$0x0] =	sbarrier.arrive $0xFFFF  }
0x54: {  	p0 =	sne.s32 s1, $0x0;
	_ =	strace $0x90000047  }
0x55: {  	s0 =	sadd.s32 @!p0 $0x100000, s0;
	[bflag:$0x2] =	sbarrier.arrive $0xFFFF  }
0x56: {  	[sflag:s0] =	ssyncadd.tile.s32 @!p0 $0x1;
	_ =	shalt  }
.Lfunc_end2:
_tile_overlayer_lowered:
.L_overlay_start_2:
0x57: {  	(tag) =	ssettag $0x2  }
0x58: {  	s0 =	rddreg [dreg:$0x0];
	s2 =	stileid.u32  }
0x59: {  	s1 =	rddreg [dreg:$0x1];
	p0 =	sne.s32 s2, $0x0  }
0x5a: {  	s3 =	rddreg [dreg:$0x2];
	[bflag:$0x3] =	sbarrier.arrive $0xFFFF;
	s2 =	simm.s32 @!p0 $0x1C01  }
0x5b: {  	[timem:s3], [sflag:s2] =	dma.local @!p0 [hbm:s0], s1  }
0x5c: {  	s0 =	simm.s32 @!p0 $0x1  }
0x5d: {  	_ =	swait.ge @!p0 [sflag:s0], s1  }
0x5e: {  	s1 =	ssub.s32 @!p0 $0x0, s1;
	[sflag:s0] =	ssyncset.done @!p0 $0x0  }
0x5f: {  	[sflag:s0] =	ssyncadd.s32 @!p0 s1  }
0x60: {  	[bflag:$0x3] =	sbarrier.arrive $0xFFFF  }
0x61: {  	_ =	shalt  }

// kernel: kernel.13.cloned.1.call-start
scs
__scs_entry_jumppad:
0x0: {  	(pc) =	sbr.rel $0x88, $3  }
0x1: {  	(tag) =	ssettag $0x0;
	lr =	simm.s32 $0x1  }
0x2: {  	[smem:$0x3F95] =	sst lr;
	_ =	strace $0xD0000000  }
0x3: {  	_ = 	snop  }
0x4: {  	_ = 	snop  }
0x5: {  	_ = 	snop  }
0x6: {  	_ = 	snop  }
0x7: {  	_ = 	snop  }
__scs_overlays_trampoline_lowered:
0x8: {  	[smem:$0x3FA4] =	sst s0  }
0x9: {  	[smem:$0x3FA5] =	sst s1  }
0xa: {  	[smem:$0x3FA6] =	sst s2  }
0xb: {  	[smem:$0x3FA7] =	sst s3  }
0xc: {  	[smem:$0x3FA8] =	sst s4  }
0xd: {  	[smem:$0x3FA9] =	sst s5  }
0xe: {  	[smem:$0x3FAA] =	sst s6  }
0xf: {  	[smem:$0x3FAB] =	sst s7  }
0x10: {  	[smem:$0x3FAC] =	sst s8  }
0x11: {  	[smem:$0x3FAD] =	sst s9;
	s0 =	simm.s32 @!p0 $0x0  }
0x12: {  	s1 =	sld [smem:$0x3F93];
	s0 =	simm.s32 @p0 $0x1  }
0x13: {  	[smem:$0x3FAE] =	sst s0;
	s0 =	simm.s32 @!p1 $0x0  }
0x14: {  	s2 =	sld [smem:$0x3F92];
	s0 =	simm.s32 @p1 $0x1  }
0x15: {  	[smem:$0x3FAF] =	sst s0;
	s0 =	simm.s32 @!p2 $0x0  }
0x16: {  	s3 =	sld [smem:$0x3FDB];
	s0 =	simm.s32 @p2 $0x1  }
0x17: {  	s4 =	simm.s32 $0x1BF5;
	[smem:$0x3FB1] =	sst s0  }
0x18: {  	s0 =	sld [smem:$0x3F94];
	_ =	swait.ge [sflag:s4], $0x0  }
0x19: {  	s7 =	sld [smem:$0x3F95]  }
0x1a: {  	s8 =	sadd.s32 $0xFFFFE003, lr  }
0x1b: {  	s9 =	sadd.s32 $0xFFFFFEF7, lr;
	s5 =	simm.s32 $0xFFFFFFFF;
	p2 =	slt.u32 s8, $0xFFFFF086  }
0x1c: {  	p1 =	slt.u32 s9, $0xF7A;
	s5 =	simm.s32 @!p2 $0x0  }
0x1d: {  	s5 =	simm.s32 @p1 $0x1;
	p0 =	seq.s32 s7, s2  }
0x1e: {  	s7 =	smul.u32 @!p0 $0xF7A, s2;
	p2 =	seq.s32 @!p0 s5, $0x0  }
0x1f: {  	s9 =	smul.u32 $0xF7A, s1;
	s8 =	simm.s32 @!p0 $0x1BF5;
	p2 =	por !p2, p0  }
0x20: {  	[sflag:s8] =	ssyncset.s32 @!p0 $0xFFFFF086;
	s6 =	sadd.s32 @!p0 s3, s7;
	s7 =	simm.s32 @!p0 $0x108  }
0x21: {  	s3 =	sadd.s32 s3, s9;
	s6 =	sadd.s32 @!p0 $0x88, s6;
	s7 =	simm.s32 @p2 $0x1082  }
0x22: {  	[simem:s7], [sflag:s8] =	dma.local @!p0 [hbm:s6], $0xF7A  }
0x23: {  	s9 =	sor.u32 $0xD0000000, s2;
	s6 =	simm.s32 $0x108;
	_ =	swait.ge @!p0 [sflag:s8], $0x0  }
0x24: {  	s3 =	sadd.s32 $0x88, s3;
	s6 =	simm.s32 @!p1 $0x1082;
	[sflag:s4] =	ssyncset.s32 $0xFFFFF086  }
0x25: {  	[simem:s6], [sflag:s4] =	dma.local [hbm:s3], $0xF7A  }
0x26: {  	[smem:$0x3F95] =	sst s1;
	(tag) =	ssettag s2;
	_ =	strace s9  }
0x27: {  	s1 =	sld [smem:$0x3FA5]  }
0x28: {  	s2 =	sld [smem:$0x3FA6]  }
0x29: {  	s4 =	sld [smem:$0x3FA8]  }
0x2a: {  	p0 =	seq.s32 s5, $0x0;
	s5 =	sld [smem:$0x3FA9]  }
0x2b: {  	s6 =	sld [smem:$0x3FAA]  }
0x2c: {  	s7 =	sld [smem:$0x3FAB]  }
0x2d: {  	s3 =	simm.s32 $0x108;
	s8 =	sld [smem:$0x3FAC]  }
0x2e: {  	s3 =	simm.s32 @!p0 $0x1082;
	s9 =	sld [smem:$0x3FAD]  }
0x2f: {  	lr =	sadd.s32 s0, s3;
	s0 =	sld [smem:$0x3FA4]  }
0x30: {  	s3 =	sld [smem:$0x3FA7]  }
0x31: {  	[smem:$0x3FB0] =	sst s10  }
0x32: {  	s10 =	sld [smem:$0x3FAE];
	_ =	sdelay $0x3  }
0x33: {  	p0 =	seq.s32 s10, $0x1;
	s10 =	sld [smem:$0x3FB0];
	_ =	sdelay $0x3  }
0x34: {  	[smem:$0x3FB0] =	sst s10  }
0x35: {  	s10 =	sld [smem:$0x3FAF];
	_ =	sdelay $0x3  }
0x36: {  	p1 =	seq.s32 s10, $0x1;
	s10 =	sld [smem:$0x3FB0];
	_ =	sdelay $0x3  }
0x37: {  	[smem:$0x3FB0] =	sst s10  }
0x38: {  	s10 =	sld [smem:$0x3FB1]  }
0x39: {  	_ = 	snop;
	(pc) =	sbr.ind lr, $3  }
0x3a: {  	_ = 	snop  }
0x3b: {  	_ = 	snop  }
0x3c: {  	p2 =	seq.s32 s10, $0x1;
	s10 =	sld [smem:$0x3FB0]  }
0x3d: {  	_ =	shalt  }
0x3e: {  	_ =	shalt  }
0x3f: {  	_ =	shalt  }
0x40: {  	_ =	shalt  }
0x41: {  	_ =	shalt  }
0x42: {  	_ =	shalt  }
0x43: {  	_ =	shalt  }
0x44: {  	_ =	shalt  }
0x45: {  	_ =	shalt  }
0x46: {  	_ =	shalt  }
0x47: {  	_ =	shalt  }
0x48: {  	_ =	shalt  }
0x49: {  	_ =	shalt  }
0x4a: {  	_ =	shalt  }
0x4b: {  	_ =	shalt  }
0x4c: {  	_ =	shalt  }
0x4d: {  	_ =	shalt  }
0x4e: {  	_ =	shalt  }
0x4f: {  	_ =	shalt  }
0x50: {  	_ =	shalt  }
0x51: {  	_ =	shalt  }
0x52: {  	_ =	shalt  }
0x53: {  	_ =	shalt  }
0x54: {  	_ =	shalt  }
0x55: {  	_ =	shalt  }
0x56: {  	_ =	shalt  }
0x57: {  	_ =	shalt  }
0x58: {  	_ =	shalt  }
0x59: {  	_ =	shalt  }
0x5a: {  	_ =	shalt  }
0x5b: {  	_ =	shalt  }
0x5c: {  	_ =	shalt  }
0x5d: {  	_ =	shalt  }
0x5e: {  	_ =	shalt  }
0x5f: {  	_ =	shalt  }
0x60: {  	_ =	shalt  }
0x61: {  	_ =	shalt  }
0x62: {  	_ =	shalt  }
0x63: {  	_ =	shalt  }
0x64: {  	_ =	shalt  }
0x65: {  	_ =	shalt  }
0x66: {  	_ =	shalt  }
0x67: {  	_ =	shalt  }
0x68: {  	_ =	shalt  }
0x69: {  	_ =	shalt  }
0x6a: {  	_ =	shalt  }
0x6b: {  	_ =	shalt  }
0x6c: {  	_ =	shalt  }
0x6d: {  	_ =	shalt  }
0x6e: {  	_ =	shalt  }
0x6f: {  	_ =	shalt  }
0x70: {  	_ =	shalt  }
0x71: {  	_ =	shalt  }
0x72: {  	_ =	shalt  }
0x73: {  	_ =	shalt  }
0x74: {  	_ =	shalt  }
0x75: {  	_ =	shalt  }
0x76: {  	_ =	shalt  }
0x77: {  	_ =	shalt  }
0x78: {  	_ =	shalt  }
0x79: {  	_ =	shalt  }
0x7a: {  	_ =	shalt  }
0x7b: {  	_ =	shalt  }
0x7c: {  	_ =	shalt  }
0x7d: {  	_ =	shalt  }
0x7e: {  	_ =	shalt  }
0x7f: {  	_ =	shalt  }
0x80: {  	_ =	shalt  }
0x81: {  	_ =	shalt  }
0x82: {  	_ =	shalt  }
0x83: {  	_ =	shalt  }
0x84: {  	_ =	shalt  }
0x85: {  	_ =	shalt  }
0x86: {  	_ =	shalt  }
0x87: {  	_ =	shalt  }
.Lfunc_end0:
.L_simem_size_0:
called_computation.1_lowered:
.L_overlay_start_0:
0x88: {  	s2 =	sld [smem:$0x3FD9]  }
0x89: {  	s3 =	sld [smem:$0x3FFE];
	_ =	sdelay $0x1  }
0x8a: {  	s1 =	srdreg.scid  }
0x8b: {  	s0 =	sand.u32 $0x1, s1  }
0x8c: {  	s16 =	sshll.u32 s0, $0xA;
	s2 =	sadd.s32 s3, s2  }
0x8d: {  	s2 =	sadd.s32 s2, s16  }
0x8e: {  	[smem:$0x3FBC] =	sst s2  }
0x8f: {  	_ = 	snop  }
0x90: {  	(tm) =	ssettm $0x1  }
0x91: {  	s17 =	sld [smem:$0x3FFB];
	_ =	sdelay $0x3  }
0x92: {  	_ =	strace s17  }
0x93: {  	s2 =	sld [smem:$0x3FFC];
	_ =	sdelay $0x3  }
0x94: {  	_ =	strace s2  }
0x95: {  	s2 =	sld [smem:$0x3FFD];
	_ =	sdelay $0x3  }
0x96: {  	_ =	strace s2  }
0x97: {  	_ =	strace $0x8FFFFFFF  }
0x98: {  	s18 =	sld [smem:$0x3FDB];
	_ =	sdelay $0x1  }
0x99: {  	s19 =	simm.s32 $_scs_section_size  }
0x9a: {  	s4 =	simm.s32 $_size__tile_overlayer_lowered;
	s5 =	simm.s32 $_tile_overlayer_lowered  }
0x9b: {  	s22 =	simm.s32 $0x1BFF;
	s21 =	sshll.u32 s5, $0x1;
	s2 =	sadd.s32 s19, s18  }
0x9c: {  	s6 =	simm.s32 $0x0;
	s20 =	sshll.u32 s4, $0x1;
	s4 =	sadd.s32 s21, s2  }
0x9d: {  	[timem:s6], [sflag:s22] =	dma.local [hbm:s4], s20  }
0x9e: {  	_ =	swait.ge [sflag:s22], s20  }
0x9f: {  	s3 =	ssub.s32 $0x0, s20;
	[sflag:s22] =	ssyncset.done $0x0  }
0xa0: {  	[sflag:s22] =	ssyncadd.s32 s3;
	_ =	sdelay $0x1  }
0xa1: {  	s23 =	simm.s32 $0x1B8B  }
0xa2: {  	_ =	swait.ge [sflag:s23], $0x1  }
0xa3: {  	[sflag:s23] =	ssyncset.done $0x0  }
0xa4: {  	s25 =	simm.s32 $0x1B8E;
	s24 =	sld [smem:$0x3FFE];
	[sflag:s23] =	ssyncadd.s32 $0xFFFFFFFF  }
0xa5: {  	s26 =	simm.s32 $execute0_lowered;
	[smem:$0x3FD2] =	sst s25  }
0xa6: {  	s4 =	sshll.u32 s26, $0x1;
	_ =	strace $0x80000049;
	[dreg:$0x1] =	wrdreg $0xFFFFFFFF  }
0xa7: {  	s28 =	simm.s32 $_size_execute0_lowered;
	s2 =	sadd.s32 s2, s4;
	[dreg:$0x0] =	wrdreg $0x0  }
0xa8: {  	s4 =	sshll.u32 s28, $0x1;
	[dreg:$0x2] =	wrdreg s2  }
0xa9: {  	[dreg:$0x3] =	wrdreg s4  }
0xaa: {  	[dreg:$0x4] =	wrdreg $0xC0  }
0xab: {  	_ =	task [dreg:s6], $0x5FFFF  }
0xac: {  	[dreg:$0x1] =	wrdreg $0xFFFFFFFF  }
0xad: {  	[dreg:$0x0] =	wrdreg $0x60  }
0xae: {  	[dreg:$0x2] =	wrdreg s24  }
0xaf: {  	[dreg:$0x3] =	wrdreg $0xA0000  }
0xb0: {  	[dreg:$0x4] =	wrdreg $0x9  }
0xb1: {  	_ =	task.clear_ibuf [dreg:s6], $0x5FFFF;
	_ =	strace $0x90000049  }
0xb2: {  	s29 =	simm.s32 $0x9;
	_ =	strace $0x8000004B  }
0xb3: {  	_ =	swait.ge [sflag:s29], $0x1  }
0xb4: {  	[sflag:s29] =	ssyncadd.s32 $0xFFFFFFFF  }
0xb5: {  	_ =	strace $0x9000004B  }
0xb6: {  	_ =	sfence  }
0xb7: {  	s30 =	sld [smem:$0x0];
	_ =	sdelay $0x2  }
0xb8: {  	s31 =	sshll.u32 s1, $0xD;
	s1 =	sshrl.u32 s1, $0x2  }
0xb9: {  	s3 =	sand.u32 $0x4000, s31;
	s1 =	sadd.s32 s1, s30  }
0xba: {  	s0 =	sor.u32 s3, s0;
	s1 =	sshll.u32 s1, $0x11  }
0xbb: {  	s0 =	sor.u32 s1, s0  }
0xbc: {  	s0 =	sadd.s32 $0x8F2B, s0  }
0xbd: {  	[sflag:s0] =	ssyncadd.remote.s32 $0x1  }
0xbe: {  	_ =	sfence.sel $0xFFFF  }
0xbf: {  	[dreg:$0x0] =	wrdreg $0xFFFFFFFF;
	(pc) =	sbr.abs _section_cstart, $3  }
0xc0: {  	[dreg:$0x1] =	wrdreg $0xFFFFFFFF  }
0xc1: {  	_ =	task.clear_ibuf [dreg:s6], $0x2FFFF;
	_ =	strace $0x9FFFFFFF  }
0xc2: {  	(tm) =	ssettm $0x7FFFFFFF  }
0xc3: {  	_ =	shalt  }
tec
execute0_lowered:
.L_overlay_start_1:
0x0: {  	(tag) =	ssettag $0x1  }
0x1: {  	s7 =	rddreg [dreg:$0x0]  }
0x2: {  	s0 =	srdreg.scid;
	s28 =	stileid.u32  }
0x3: {  	s1 =	rddreg [dreg:$0x1];
	s3 =	simm.s32 $0x0;
	s9 =	smul.u32 $0x14000, s28  }
0x4: {  	s15 =	simm.s32 $0x2000;
	s16 =	simm.s32 $0x3;
	s10 =	smul.u32 $0x50000, s28  }
0x5: {  	s17 =	simm.s32 $0x80;
	s6 =	sand.u32 $0x1, s0;
	s11 =	smul.u32 $0x5000, s28  }
0x6: {  	s18 =	simm.s32 $0x1;
	s19 =	simm.s32 $0x2;
	s4 =	smul.u32 $0x27100, s6  }
0x7: {  	[smem:$0x7FF] =	sst s3;
	s5 =	sadd.s32 $0x2C00, s7;
	s8 =	smul.u32 $0x140000, s6  }
0x8: {  	_ =	strace $0x8000004A;
	s29 =	ssub.s32 $0x2, s6;
	s30 =	sshrl.u32 s10, $0x2  }
0x9: {  	s31 =	sshrl.u32 s29, $0x1;
	s12 =	sadd.s32 s4, s7;
	s4 =	sadd.s32 $0xD600, s7  }
0xa: {  	s8 =	sadd.s32 s9, s8;
	s6 =	sadd.s32 s30, s1;
	s14 =	ssub.s32 s29, s31  }
0xb: {  	s8 =	sshrl.u32 s8, $0x3;
	s9 =	sadd.s32 $0xC000, s6;
	s10 =	sadd.s32 $0x10000, s6  }
0xc: {  	s12 =	sadd.s32 $0x17600, s12;
	s14 =	smax.u32 s14, $0x1;
	s13 =	sadd.s32 s8, s7  }
0xd: {  	v0 =	vimm.f32 $0.0e+00;
	s7 =	sadd.s32 $0x4000, s6;
	s8 =	sadd.s32 $0x8000, s6;
	s13 =	sadd.s32 $0x65800, s13  }
.LBB2_1:
0xe: {  	s20 =	simm.s32 $0x0;
	s21 =	simm.s32 $0x200  }
.LBB2_2:
0xf: {  	p0 =	sne.s32 s21, $0xFE00;
	[tilespmem:s20+$0x2070] =	vst v0  }
0x10: {  	[tilespmem:s20+$0x2000] =	vst v0  }
0x11: {  	[tilespmem:s20+$0x2010] =	vst v0  }
.Ltmp0:
0x12: {  	[tilespmem:s20+$0x2020] =	vst v0;
	(pc) =	sbr.rel @p0 .LBB2_2-.Ltmp0, $4  }
0x13: {  	[tilespmem:s20+$0x2030] =	vst v0  }
0x14: {  	[tilespmem:s20+$0x2040] =	vst v0  }
0x15: {  	[tilespmem:s20+$0x2050] =	vst v0  }
0x16: {  	[tilespmem:s20+$0x2060] =	vst v0;
	s20 =	sshra.s32 s21, $0x2;
	s21 =	sadd.s32 $0x200, s21  }
0x17: {  	[tilespmem:s20+$0x2070] =	vst v0  }
0x18: {  	[tilespmem:s20+$0x2000] =	vst v0  }
0x19: {  	[tilespmem:s20+$0x2010] =	vst v0  }
0x1a: {  	[tilespmem:s20+$0x2020] =	vst v0  }
0x1b: {  	[tilespmem:s20+$0x2030] =	vst v0  }
0x1c: {  	[tilespmem:s20+$0x2040] =	vst v0  }
0x1d: {  	[tilespmem:s20+$0x2050] =	vst v0  }
0x1e: {  	[tilespmem:s20+$0x2060] =	vst v0  }
0x1f: {  	[spmem:s6] =	stream.linear.scatter [tilespmem:s15], [sflag:$0x3], $0x4000, $0x38;
	[tilespmem:$0x1E000] =	vst v63  }
0x20: {  	_ =	swait.ge [sflag:s16], $0x4000  }
0x21: {  	[sflag:s16] =	ssyncset.done $0x0  }
0x22: {  	[sflag:s16] =	ssyncadd.s32 $0xFFFFC000  }
0x23: {  	[spmem:s7] =	stream.linear.scatter [tilespmem:s15], [sflag:$0x3], $0x4000, $0x38;
	[tilespmem:$0x1E000] =	vst v63  }
0x24: {  	_ =	swait.ge [sflag:s16], $0x4000  }
0x25: {  	[sflag:s16] =	ssyncset.done $0x0  }
0x26: {  	[sflag:s16] =	ssyncadd.s32 $0xFFFFC000  }
0x27: {  	[spmem:s8] =	stream.linear.scatter [tilespmem:s15], [sflag:$0x3], $0x4000, $0x38;
	[tilespmem:$0x1E000] =	vst v63  }
0x28: {  	_ =	swait.ge [sflag:s16], $0x4000  }
0x29: {  	[sflag:s16] =	ssyncset.done $0x0  }
0x2a: {  	[sflag:s16] =	ssyncadd.s32 $0xFFFFC000  }
0x2b: {  	[spmem:s9] =	stream.linear.scatter [tilespmem:s15], [sflag:$0x3], $0x4000, $0x38;
	[tilespmem:$0x1E000] =	vst v63  }
0x2c: {  	_ =	swait.ge [sflag:s16], $0x4000  }
0x2d: {  	[sflag:s16] =	ssyncset.done $0x0  }
0x2e: {  	[sflag:s16] =	ssyncadd.s32 $0xFFFFC000  }
0x2f: {  	[spmem:s10] =	stream.linear.scatter [tilespmem:s15], [sflag:$0x3], $0x4000, $0x38;
	[tilespmem:$0x1E000] =	vst v63  }
0x30: {  	_ =	swait.ge [sflag:s16], $0x4000  }
0x31: {  	[sflag:s16] =	ssyncset.done $0x0  }
0x32: {  	s20 =	simm.s32 $0x0;
	[sflag:s16] =	ssyncadd.s32 $0xFFFFC000  }
0x33: {  	s21 =	simm.s32 $0x0;
	s22 =	simm.s32 $0x0;
	[bflag:$0x0] =	sbarrier.arrive $0xFFFF  }
.LBB2_4:
0x34: {  	s23 =	sshll.u32 s22, $0xC  }
0x35: {  	s23 =	sadd.s32 s11, s23  }
0x36: {  	s23 =	sshrl.u32 s23, $0x3  }
0x37: {  	s24 =	sadd.s32 s4, s23  }
0x38: {  	[tilespmem:s20], [sflag:$0x3] =	stream.linear.gather [hbm4b:s24+s20], $0x1000, $0x38;
	[tilespmem:$0x1E000] =	vst v63  }
0x39: {  	_ =	swait.ge [sflag:s16], $0x1000  }
0x3a: {  	[sflag:s16] =	ssyncset.done $0x0  }
0x3b: {  	s31 =	sadd.s32 s5, s23;
	s23 =	simm.s32 $0x1000;
	[sflag:s16] =	ssyncadd.s32 $0xFFFFF000  }
0x3c: {  	[tilespmem:s23], [sflag:$0x3] =	stream.linear.gather [hbm4b:s31+s20], $0x1000, $0x38;
	[tilespmem:$0x1E000] =	vst v63  }
0x3d: {  	_ =	swait.ge [sflag:s16], $0x1000  }
0x3e: {  	p0 =	slt.u32 s21, $0x2;
	[sflag:s16] =	ssyncset.done $0x0  }
0x3f: {  	s24 =	simm.s32 @!p0 $0x2;
	[sflag:s16] =	ssyncadd.s32 $0xFFFFF000  }
0x40: {  	s26 =	sand.u32 $0x10000, s20;
	_ =	swait.ge @!p0 [sflag:s24], $0x4000  }
0x41: {  	s25 =	simm.s32 $0x10000;
	s26 =	sshrl.u32 s26, $0x2;
	[sflag:s24] =	ssyncset.done @!p0 $0x0  }
0x42: {  	s28 =	simm.s32 $0x20000;
	s30 =	sor.u32 $0x2000, s26;
	[sflag:s24] =	ssyncadd.s32 @!p0 $0xFFFFC000  }
0x43: {  	[tilespmem:s30], [sflag:$0x1] =	stream.indirect.gather [hbm4b:s12+s17], $0x80, s20, s17, $0xb8;
	[tilespmem:$0x1E000] =	vst v63  }
0x44: {  	s29 =	sadd.s32 $0x1, s21;
	s26 =	simm.s32 $0x80;
	_ =	swait.ge [sflag:s18], $0x4000  }
0x45: {  	s24 =	simm.s32 $0x1080;
	p0 =	slt.u32 s29, $0x2;
	[sflag:s18] =	ssyncset.done $0x0  }
.LBB2_5:
0x46: {  	s31 =	simm.s32 @!p0 $0x2;
	[sflag:s18] =	ssyncadd.s32 $0xFFFFC000;
	s0 =	smov.u32 s28  }
0x47: {  	s28 =	sadd.s32 $0x10000, s28;
	s2 =	smov.u32 s23;
	s23 =	smov.u32 s24  }
0x48: {  	[spmem:s1] =	stream.indirect.scatter.add.f32 [tilespmem:s30], [sflag:$0x2], $0x80, s2, s17, $0xb8;
	[tilespmem:$0x1E000] =	vst v63  }
0x49: {  	p1 =	sne.s32 s28, $0x200000;
	s2 =	sand.u32 $0x10000, s25;
	_ =	swait.ge @!p0 [sflag:s31], $0x4000  }
.Ltmp1:
0x4a: {  	s2 =	sshrl.u32 s2, $0x2;
	[sflag:s31] =	ssyncset.done @!p0 $0x0;
	(pc) =	sbr.rel @p1 .LBB2_5-.Ltmp1, $4  }
0x4b: {  	s25 =	smov.u32 s0;
	s30 =	sor.u32 $0x2000, s2;
	[sflag:s31] =	ssyncadd.s32 @!p0 $0xFFFFC000  }
0x4c: {  	[tilespmem:s30], [sflag:$0x1] =	stream.indirect.gather [hbm4b:s12+s17], $0x80, s26, s17, $0xb8;
	[tilespmem:$0x1E000] =	vst v63  }
0x4d: {  	s24 =	sadd.s32 $0x80, s24;
	s29 =	sadd.s32 $0x1, s29;
	_ =	swait.ge [sflag:s18], $0x4000  }
0x4e: {  	p0 =	slt.u32 s29, $0x2;
	s26 =	sadd.s32 $0x80, s26;
	[sflag:s18] =	ssyncset.done $0x0  }
0x4f: {  	s0 =	simm.s32 @!p0 $0x2;
	[sflag:s18] =	ssyncadd.s32 $0xFFFFC000  }
0x50: {  	[spmem:s1] =	stream.indirect.scatter.add.f32 [tilespmem:s30], [sflag:$0x2], $0x80, s23, s17, $0xb8;
	[tilespmem:$0x1E000] =	vst v63  }
0x51: {  	s2 =	sand.u32 $0x10000, s25;
	_ =	swait.ge @!p0 [sflag:s0], $0x4000  }
0x52: {  	s22 =	sadd.s32 $0x1, s22;
	s2 =	sshrl.u32 s2, $0x2;
	[sflag:s0] =	ssyncset.done @!p0 $0x0  }
0x53: {  	s31 =	sor.u32 $0x2000, s2;
	[sflag:s0] =	ssyncadd.s32 @!p0 $0xFFFFC000;
	p0 =	sne.s32 s22, $0x5  }
0x54: {  	[tilespmem:s31], [sflag:$0x1] =	stream.indirect.gather [hbm4b:s12+s17], $0x80, s26, s17, $0xb8;
	[tilespmem:$0x1E000] =	vst v63  }
.Ltmp2:
0x55: {  	_ = 	snop;
	(pc) =	sbr.rel @p0 .LBB2_4-.Ltmp2, $4  }
0x56: {  	_ =	swait.ge [sflag:s18], $0x4000  }
0x57: {  	[sflag:s18] =	ssyncset.done $0x0  }
0x58: {  	s21 =	sadd.s32 $0x20, s21;
	[sflag:s18] =	ssyncadd.s32 $0xFFFFC000  }
0x59: {  	[spmem:s1] =	stream.indirect.scatter.add.f32 [tilespmem:s31], [sflag:$0x2], $0x80, s24, s17, $0xb8;
	[tilespmem:$0x1E000] =	vst v63  }
0x5a: {  	_ =	swait.ge [sflag:s19], $0x4000  }
0x5b: {  	[sflag:s19] =	ssyncset.done $0x0  }
0x5c: {  	[sflag:s19] =	ssyncadd.s32 $0xFFFFC000  }
0x5d: {  	s0 =	stileid.u32;
	_ =	swait.ge [sflag:s19], $0x4000  }
0x5e: {  	s2 =	sshrl.u32 s6, $0x3;
	s3 =	sadd.s32 $0x1, s3;
	[sflag:s19] =	ssyncset.done $0x0  }
0x5f: {  	s0 =	sshll.u32 s0, $0x6;
	p0 =	sne.s32 s3, s14;
	[sflag:s19] =	ssyncadd.s32 $0xFFFFC000  }
.Ltmp3:
0x60: {  	s0 =	sor.u32 $0x1C03, s0;
	[bflag:$0x0] =	sbarrier.arrive $0xFFFF;
	(pc) =	sbr.rel @p0 .LBB2_1-.Ltmp3, $4  }
0x61: {  	[hbm:s13], [sflag:s0] =	dma.local [spmem:s2], $0x2800  }
0x62: {  	_ =	swait.ge [sflag:s16], $0x2800  }
0x63: {  	[sflag:s16] =	ssyncset.done $0x0  }
0x64: {  	[sflag:s16] =	ssyncadd.s32 $0xFFFFD800  }
0x65: {  	_ =	sfence.sel $0x180000  }
0x66: {  	[bflag:$0x0] =	sbarrier.arrive $0xFFFF  }
0x67: {  	_ =	strace $0x9000004A  }
0x68: {  	s0 =	stileid.u32;
	[bflag:$0x2] =	sbarrier.arrive $0xFFFF  }
0x69: {  	p0 =	sne.s32 s0, $0x0;
	s0 =	rddreg [dreg:$0x2]  }
0x6a: {  	s0 =	sadd.s32 @!p0 $0x100000, s0  }
0x6b: {  	[sflag:s0] =	ssyncadd.tile.s32 @!p0 $0x1;
	_ =	shalt  }
.Lfunc_end2:
_tile_overlayer_lowered:
.L_overlay_start_2:
0x6c: {  	(tag) =	ssettag $0x2  }
0x6d: {  	s0 =	rddreg [dreg:$0x0];
	s2 =	stileid.u32  }
0x6e: {  	s1 =	rddreg [dreg:$0x1];
	p0 =	sne.s32 s2, $0x0  }
0x6f: {  	s3 =	rddreg [dreg:$0x2];
	[bflag:$0x3] =	sbarrier.arrive $0xFFFF;
	s2 =	simm.s32 @!p0 $0x1C03  }
0x70: {  	[timem:s3], [sflag:s2] =	dma.local @!p0 [hbm:s0], s1  }
0x71: {  	s0 =	simm.s32 @!p0 $0x3  }
0x72: {  	_ =	swait.ge @!p0 [sflag:s0], s1  }
0x73: {  	s1 =	ssub.s32 @!p0 $0x0, s1;
	[sflag:s0] =	ssyncset.done @!p0 $0x0  }
0x74: {  	[sflag:s0] =	ssyncadd.s32 @!p0 s1  }
0x75: {  	[bflag:$0x3] =	sbarrier.arrive $0xFFFF  }
0x76: {  	_ =	shalt  }

// kernel: kernel.16.cloned.1.call-start
scs
__scs_entry_jumppad:
0x0: {  	(pc) =	sbr.rel $0x88, $3  }
0x1: {  	(tag) =	ssettag $0x0;
	lr =	simm.s32 $0x1  }
0x2: {  	[smem:$0x3F95] =	sst lr;
	_ =	strace $0xD0000000  }
0x3: {  	_ = 	snop  }
0x4: {  	_ = 	snop  }
0x5: {  	_ = 	snop  }
0x6: {  	_ = 	snop  }
0x7: {  	_ = 	snop  }
__scs_overlays_trampoline_lowered:
0x8: {  	[smem:$0x3FA4] =	sst s0  }
0x9: {  	[smem:$0x3FA5] =	sst s1  }
0xa: {  	[smem:$0x3FA6] =	sst s2  }
0xb: {  	[smem:$0x3FA7] =	sst s3  }
0xc: {  	[smem:$0x3FA8] =	sst s4  }
0xd: {  	[smem:$0x3FA9] =	sst s5  }
0xe: {  	[smem:$0x3FAA] =	sst s6  }
0xf: {  	[smem:$0x3FAB] =	sst s7  }
0x10: {  	[smem:$0x3FAC] =	sst s8  }
0x11: {  	[smem:$0x3FAD] =	sst s9;
	s0 =	simm.s32 @!p0 $0x0  }
0x12: {  	s1 =	sld [smem:$0x3F93];
	s0 =	simm.s32 @p0 $0x1  }
0x13: {  	[smem:$0x3FAE] =	sst s0;
	s0 =	simm.s32 @!p1 $0x0  }
0x14: {  	s2 =	sld [smem:$0x3F92];
	s0 =	simm.s32 @p1 $0x1  }
0x15: {  	[smem:$0x3FAF] =	sst s0;
	s0 =	simm.s32 @!p2 $0x0  }
0x16: {  	s3 =	sld [smem:$0x3FDB];
	s0 =	simm.s32 @p2 $0x1  }
0x17: {  	s4 =	simm.s32 $0x1BF5;
	[smem:$0x3FB1] =	sst s0  }
0x18: {  	s0 =	sld [smem:$0x3F94];
	_ =	swait.ge [sflag:s4], $0x0  }
0x19: {  	s7 =	sld [smem:$0x3F95]  }
0x1a: {  	s8 =	sadd.s32 $0xFFFFE003, lr  }
0x1b: {  	s9 =	sadd.s32 $0xFFFFFEF7, lr;
	s5 =	simm.s32 $0xFFFFFFFF;
	p2 =	slt.u32 s8, $0xFFFFF086  }
0x1c: {  	p1 =	slt.u32 s9, $0xF7A;
	s5 =	simm.s32 @!p2 $0x0  }
0x1d: {  	s5 =	simm.s32 @p1 $0x1;
	p0 =	seq.s32 s7, s2  }
0x1e: {  	s7 =	smul.u32 @!p0 $0xF7A, s2;
	p2 =	seq.s32 @!p0 s5, $0x0  }
0x1f: {  	s9 =	smul.u32 $0xF7A, s1;
	s8 =	simm.s32 @!p0 $0x1BF5;
	p2 =	por !p2, p0  }
0x20: {  	[sflag:s8] =	ssyncset.s32 @!p0 $0xFFFFF086;
	s6 =	sadd.s32 @!p0 s3, s7;
	s7 =	simm.s32 @!p0 $0x108  }
0x21: {  	s3 =	sadd.s32 s3, s9;
	s6 =	sadd.s32 @!p0 $0x88, s6;
	s7 =	simm.s32 @p2 $0x1082  }
0x22: {  	[simem:s7], [sflag:s8] =	dma.local @!p0 [hbm:s6], $0xF7A  }
0x23: {  	s9 =	sor.u32 $0xD0000000, s2;
	s6 =	simm.s32 $0x108;
	_ =	swait.ge @!p0 [sflag:s8], $0x0  }
0x24: {  	s3 =	sadd.s32 $0x88, s3;
	s6 =	simm.s32 @!p1 $0x1082;
	[sflag:s4] =	ssyncset.s32 $0xFFFFF086  }
0x25: {  	[simem:s6], [sflag:s4] =	dma.local [hbm:s3], $0xF7A  }
0x26: {  	[smem:$0x3F95] =	sst s1;
	(tag) =	ssettag s2;
	_ =	strace s9  }
0x27: {  	s1 =	sld [smem:$0x3FA5]  }
0x28: {  	s2 =	sld [smem:$0x3FA6]  }
0x29: {  	s4 =	sld [smem:$0x3FA8]  }
0x2a: {  	p0 =	seq.s32 s5, $0x0;
	s5 =	sld [smem:$0x3FA9]  }
0x2b: {  	s6 =	sld [smem:$0x3FAA]  }
0x2c: {  	s7 =	sld [smem:$0x3FAB]  }
0x2d: {  	s3 =	simm.s32 $0x108;
	s8 =	sld [smem:$0x3FAC]  }
0x2e: {  	s3 =	simm.s32 @!p0 $0x1082;
	s9 =	sld [smem:$0x3FAD]  }
0x2f: {  	lr =	sadd.s32 s0, s3;
	s0 =	sld [smem:$0x3FA4]  }
0x30: {  	s3 =	sld [smem:$0x3FA7]  }
0x31: {  	[smem:$0x3FB0] =	sst s10  }
0x32: {  	s10 =	sld [smem:$0x3FAE];
	_ =	sdelay $0x3  }
0x33: {  	p0 =	seq.s32 s10, $0x1;
	s10 =	sld [smem:$0x3FB0];
	_ =	sdelay $0x3  }
0x34: {  	[smem:$0x3FB0] =	sst s10  }
0x35: {  	s10 =	sld [smem:$0x3FAF];
	_ =	sdelay $0x3  }
0x36: {  	p1 =	seq.s32 s10, $0x1;
	s10 =	sld [smem:$0x3FB0];
	_ =	sdelay $0x3  }
0x37: {  	[smem:$0x3FB0] =	sst s10  }
0x38: {  	s10 =	sld [smem:$0x3FB1]  }
0x39: {  	_ = 	snop;
	(pc) =	sbr.ind lr, $3  }
0x3a: {  	_ = 	snop  }
0x3b: {  	_ = 	snop  }
0x3c: {  	p2 =	seq.s32 s10, $0x1;
	s10 =	sld [smem:$0x3FB0]  }
0x3d: {  	_ =	shalt  }
0x3e: {  	_ =	shalt  }
0x3f: {  	_ =	shalt  }
0x40: {  	_ =	shalt  }
0x41: {  	_ =	shalt  }
0x42: {  	_ =	shalt  }
0x43: {  	_ =	shalt  }
0x44: {  	_ =	shalt  }
0x45: {  	_ =	shalt  }
0x46: {  	_ =	shalt  }
0x47: {  	_ =	shalt  }
0x48: {  	_ =	shalt  }
0x49: {  	_ =	shalt  }
0x4a: {  	_ =	shalt  }
0x4b: {  	_ =	shalt  }
0x4c: {  	_ =	shalt  }
0x4d: {  	_ =	shalt  }
0x4e: {  	_ =	shalt  }
0x4f: {  	_ =	shalt  }
0x50: {  	_ =	shalt  }
0x51: {  	_ =	shalt  }
0x52: {  	_ =	shalt  }
0x53: {  	_ =	shalt  }
0x54: {  	_ =	shalt  }
0x55: {  	_ =	shalt  }
0x56: {  	_ =	shalt  }
0x57: {  	_ =	shalt  }
0x58: {  	_ =	shalt  }
0x59: {  	_ =	shalt  }
0x5a: {  	_ =	shalt  }
0x5b: {  	_ =	shalt  }
0x5c: {  	_ =	shalt  }
0x5d: {  	_ =	shalt  }
0x5e: {  	_ =	shalt  }
0x5f: {  	_ =	shalt  }
0x60: {  	_ =	shalt  }
0x61: {  	_ =	shalt  }
0x62: {  	_ =	shalt  }
0x63: {  	_ =	shalt  }
0x64: {  	_ =	shalt  }
0x65: {  	_ =	shalt  }
0x66: {  	_ =	shalt  }
0x67: {  	_ =	shalt  }
0x68: {  	_ =	shalt  }
0x69: {  	_ =	shalt  }
0x6a: {  	_ =	shalt  }
0x6b: {  	_ =	shalt  }
0x6c: {  	_ =	shalt  }
0x6d: {  	_ =	shalt  }
0x6e: {  	_ =	shalt  }
0x6f: {  	_ =	shalt  }
0x70: {  	_ =	shalt  }
0x71: {  	_ =	shalt  }
0x72: {  	_ =	shalt  }
0x73: {  	_ =	shalt  }
0x74: {  	_ =	shalt  }
0x75: {  	_ =	shalt  }
0x76: {  	_ =	shalt  }
0x77: {  	_ =	shalt  }
0x78: {  	_ =	shalt  }
0x79: {  	_ =	shalt  }
0x7a: {  	_ =	shalt  }
0x7b: {  	_ =	shalt  }
0x7c: {  	_ =	shalt  }
0x7d: {  	_ =	shalt  }
0x7e: {  	_ =	shalt  }
0x7f: {  	_ =	shalt  }
0x80: {  	_ =	shalt  }
0x81: {  	_ =	shalt  }
0x82: {  	_ =	shalt  }
0x83: {  	_ =	shalt  }
0x84: {  	_ =	shalt  }
0x85: {  	_ =	shalt  }
0x86: {  	_ =	shalt  }
0x87: {  	_ =	shalt  }
.Lfunc_end0:
.L_simem_size_0:
called_computation.2_lowered:
.L_overlay_start_0:
0x88: {  	s2 =	sld [smem:$0x3FD9]  }
0x89: {  	s3 =	sld [smem:$0x3FFE];
	_ =	sdelay $0x1  }
0x8a: {  	s1 =	srdreg.scid  }
0x8b: {  	s0 =	sand.u32 $0x1, s1  }
0x8c: {  	s16 =	sshll.u32 s0, $0xA;
	s2 =	sadd.s32 s3, s2  }
0x8d: {  	s2 =	sadd.s32 s2, s16  }
0x8e: {  	[smem:$0x3FBC] =	sst s2  }
0x8f: {  	_ = 	snop  }
0x90: {  	(tm) =	ssettm $0x1  }
0x91: {  	s17 =	sld [smem:$0x3FFB];
	_ =	sdelay $0x3  }
0x92: {  	_ =	strace s17  }
0x93: {  	s2 =	sld [smem:$0x3FFC];
	_ =	sdelay $0x3  }
0x94: {  	_ =	strace s2  }
0x95: {  	s2 =	sld [smem:$0x3FFD];
	_ =	sdelay $0x3  }
0x96: {  	_ =	strace s2  }
0x97: {  	_ =	strace $0x8FFFFFFF  }
0x98: {  	s18 =	sld [smem:$0x3FDB];
	_ =	sdelay $0x1  }
0x99: {  	s19 =	simm.s32 $_scs_section_size  }
0x9a: {  	s4 =	simm.s32 $_size__tile_overlayer_lowered;
	s5 =	simm.s32 $_tile_overlayer_lowered  }
0x9b: {  	s22 =	simm.s32 $0x1BFF;
	s21 =	sshll.u32 s5, $0x1;
	s2 =	sadd.s32 s19, s18  }
0x9c: {  	s6 =	simm.s32 $0x0;
	s20 =	sshll.u32 s4, $0x1;
	s4 =	sadd.s32 s21, s2  }
0x9d: {  	[timem:s6], [sflag:s22] =	dma.local [hbm:s4], s20  }
0x9e: {  	_ =	swait.ge [sflag:s22], s20  }
0x9f: {  	s3 =	ssub.s32 $0x0, s20;
	[sflag:s22] =	ssyncset.done $0x0  }
0xa0: {  	[sflag:s22] =	ssyncadd.s32 s3;
	_ =	sdelay $0x1  }
0xa1: {  	s23 =	simm.s32 $0x1B8B  }
0xa2: {  	_ =	swait.ge [sflag:s23], $0x1  }
0xa3: {  	[sflag:s23] =	ssyncset.done $0x0  }
0xa4: {  	s25 =	simm.s32 $0x1B8E;
	s24 =	sld [smem:$0x3FFE];
	[sflag:s23] =	ssyncadd.s32 $0xFFFFFFFF  }
0xa5: {  	s26 =	simm.s32 $execute0_lowered;
	[smem:$0x3FD2] =	sst s25  }
0xa6: {  	s4 =	sshll.u32 s26, $0x1;
	_ =	strace $0x8000004C;
	[dreg:$0x1] =	wrdreg $0xFFFFFFFF  }
0xa7: {  	s28 =	simm.s32 $_size_execute0_lowered;
	s2 =	sadd.s32 s2, s4;
	[dreg:$0x0] =	wrdreg $0x0  }
0xa8: {  	s4 =	sshll.u32 s28, $0x1;
	[dreg:$0x2] =	wrdreg s2  }
0xa9: {  	[dreg:$0x3] =	wrdreg s4  }
0xaa: {  	[dreg:$0x4] =	wrdreg $0xC0  }
0xab: {  	_ =	task [dreg:s6], $0x5FFFF  }
0xac: {  	[dreg:$0x1] =	wrdreg $0xFFFFFFFF  }
0xad: {  	[dreg:$0x0] =	wrdreg $0x60  }
0xae: {  	[dreg:$0x2] =	wrdreg s24  }
0xaf: {  	[dreg:$0x3] =	wrdreg $0xA0000  }
0xb0: {  	[dreg:$0x4] =	wrdreg $0x9  }
0xb1: {  	_ =	task.clear_ibuf [dreg:s6], $0x5FFFF;
	_ =	strace $0x9000004C  }
0xb2: {  	s29 =	simm.s32 $0x9;
	_ =	strace $0x8000004E  }
0xb3: {  	_ =	swait.ge [sflag:s29], $0x1  }
0xb4: {  	[sflag:s29] =	ssyncadd.s32 $0xFFFFFFFF  }
0xb5: {  	_ =	strace $0x9000004E  }
0xb6: {  	_ =	sfence  }
0xb7: {  	s30 =	sld [smem:$0x0];
	_ =	sdelay $0x2  }
0xb8: {  	s31 =	sshll.u32 s1, $0xD;
	s1 =	sshrl.u32 s1, $0x2  }
0xb9: {  	s3 =	sand.u32 $0x4000, s31;
	s1 =	sadd.s32 s1, s30  }
0xba: {  	s0 =	sor.u32 s3, s0;
	s1 =	sshll.u32 s1, $0x11  }
0xbb: {  	s0 =	sor.u32 s1, s0  }
0xbc: {  	s0 =	sadd.s32 $0x8F2B, s0  }
0xbd: {  	[sflag:s0] =	ssyncadd.remote.s32 $0x1  }
0xbe: {  	_ =	sfence.sel $0xFFFF  }
0xbf: {  	[dreg:$0x0] =	wrdreg $0xFFFFFFFF;
	(pc) =	sbr.abs _section_cstart, $3  }
0xc0: {  	[dreg:$0x1] =	wrdreg $0xFFFFFFFF  }
0xc1: {  	_ =	task.clear_ibuf [dreg:s6], $0x2FFFF;
	_ =	strace $0x9FFFFFFF  }
0xc2: {  	(tm) =	ssettm $0x7FFFFFFF  }
0xc3: {  	_ =	shalt  }
tec
execute0_lowered:
.L_overlay_start_1:
0x0: {  	(tag) =	ssettag $0x1  }
0x1: {  	s7 =	rddreg [dreg:$0x0]  }
0x2: {  	s0 =	srdreg.scid;
	s28 =	stileid.u32  }
0x3: {  	s1 =	rddreg [dreg:$0x1];
	s3 =	simm.s32 $0x0;
	s9 =	smul.u32 $0x14000, s28  }
0x4: {  	s15 =	simm.s32 $0x2000;
	s16 =	simm.s32 $0x3;
	s10 =	smul.u32 $0x50000, s28  }
0x5: {  	s17 =	simm.s32 $0x80;
	s6 =	sand.u32 $0x1, s0;
	s11 =	smul.u32 $0x5000, s28  }
0x6: {  	s18 =	simm.s32 $0x1;
	s19 =	simm.s32 $0x2;
	s4 =	smul.u32 $0x27100, s6  }
0x7: {  	[smem:$0x7FF] =	sst s3;
	s5 =	sadd.s32 $0x2C00, s7;
	s8 =	smul.u32 $0x140000, s6  }
0x8: {  	_ =	strace $0x8000004D;
	s29 =	ssub.s32 $0x2, s6;
	s30 =	sshrl.u32 s10, $0x2  }
0x9: {  	s31 =	sshrl.u32 s29, $0x1;
	s12 =	sadd.s32 s4, s7;
	s4 =	sadd.s32 $0xD600, s7  }
0xa: {  	s8 =	sadd.s32 s9, s8;
	s6 =	sadd.s32 s30, s1;
	s14 =	ssub.s32 s29, s31  }
0xb: {  	s8 =	sshrl.u32 s8, $0x3;
	s9 =	sadd.s32 $0xC000, s6;
	s10 =	sadd.s32 $0x10000, s6  }
0xc: {  	s12 =	sadd.s32 $0x17600, s12;
	s14 =	smax.u32 s14, $0x1;
	s13 =	sadd.s32 s8, s7  }
0xd: {  	v0 =	vimm.f32 $0.0e+00;
	s7 =	sadd.s32 $0x4000, s6;
	s8 =	sadd.s32 $0x8000, s6;
	s13 =	sadd.s32 $0x65800, s13  }
.LBB2_1:
0xe: {  	s20 =	simm.s32 $0x0;
	s21 =	simm.s32 $0x200  }
.LBB2_2:
0xf: {  	p0 =	sne.s32 s21, $0xFE00;
	[tilespmem:s20+$0x2070] =	vst v0  }
0x10: {  	[tilespmem:s20+$0x2000] =	vst v0  }
0x11: {  	[tilespmem:s20+$0x2010] =	vst v0  }
.Ltmp0:
0x12: {  	[tilespmem:s20+$0x2020] =	vst v0;
	(pc) =	sbr.rel @p0 .LBB2_2-.Ltmp0, $4  }
0x13: {  	[tilespmem:s20+$0x2030] =	vst v0  }
0x14: {  	[tilespmem:s20+$0x2040] =	vst v0  }
0x15: {  	[tilespmem:s20+$0x2050] =	vst v0  }
0x16: {  	[tilespmem:s20+$0x2060] =	vst v0;
	s20 =	sshra.s32 s21, $0x2;
	s21 =	sadd.s32 $0x200, s21  }
0x17: {  	[tilespmem:s20+$0x2070] =	vst v0  }
0x18: {  	[tilespmem:s20+$0x2000] =	vst v0  }
0x19: {  	[tilespmem:s20+$0x2010] =	vst v0  }
0x1a: {  	[tilespmem:s20+$0x2020] =	vst v0  }
0x1b: {  	[tilespmem:s20+$0x2030] =	vst v0  }
0x1c: {  	[tilespmem:s20+$0x2040] =	vst v0  }
0x1d: {  	[tilespmem:s20+$0x2050] =	vst v0  }
0x1e: {  	[tilespmem:s20+$0x2060] =	vst v0  }
0x1f: {  	[spmem:s6] =	stream.linear.scatter [tilespmem:s15], [sflag:$0x3], $0x4000, $0x38;
	[tilespmem:$0x1E000] =	vst v63  }
0x20: {  	_ =	swait.ge [sflag:s16], $0x4000  }
0x21: {  	[sflag:s16] =	ssyncset.done $0x0  }
0x22: {  	[sflag:s16] =	ssyncadd.s32 $0xFFFFC000  }
0x23: {  	[spmem:s7] =	stream.linear.scatter [tilespmem:s15], [sflag:$0x3], $0x4000, $0x38;
	[tilespmem:$0x1E000] =	vst v63  }
0x24: {  	_ =	swait.ge [sflag:s16], $0x4000  }
0x25: {  	[sflag:s16] =	ssyncset.done $0x0  }
0x26: {  	[sflag:s16] =	ssyncadd.s32 $0xFFFFC000  }
0x27: {  	[spmem:s8] =	stream.linear.scatter [tilespmem:s15], [sflag:$0x3], $0x4000, $0x38;
	[tilespmem:$0x1E000] =	vst v63  }
0x28: {  	_ =	swait.ge [sflag:s16], $0x4000  }
0x29: {  	[sflag:s16] =	ssyncset.done $0x0  }
0x2a: {  	[sflag:s16] =	ssyncadd.s32 $0xFFFFC000  }
0x2b: {  	[spmem:s9] =	stream.linear.scatter [tilespmem:s15], [sflag:$0x3], $0x4000, $0x38;
	[tilespmem:$0x1E000] =	vst v63  }
0x2c: {  	_ =	swait.ge [sflag:s16], $0x4000  }
0x2d: {  	[sflag:s16] =	ssyncset.done $0x0  }
0x2e: {  	[sflag:s16] =	ssyncadd.s32 $0xFFFFC000  }
0x2f: {  	[spmem:s10] =	stream.linear.scatter [tilespmem:s15], [sflag:$0x3], $0x4000, $0x38;
	[tilespmem:$0x1E000] =	vst v63  }
0x30: {  	_ =	swait.ge [sflag:s16], $0x4000  }
0x31: {  	[sflag:s16] =	ssyncset.done $0x0  }
0x32: {  	s20 =	simm.s32 $0x0;
	[sflag:s16] =	ssyncadd.s32 $0xFFFFC000  }
0x33: {  	s21 =	simm.s32 $0x0;
	s22 =	simm.s32 $0x0;
	[bflag:$0x0] =	sbarrier.arrive $0xFFFF  }
.LBB2_4:
0x34: {  	s23 =	sshll.u32 s22, $0xC  }
0x35: {  	s23 =	sadd.s32 s11, s23  }
0x36: {  	s23 =	sshrl.u32 s23, $0x3  }
0x37: {  	s24 =	sadd.s32 s4, s23  }
0x38: {  	[tilespmem:s20], [sflag:$0x3] =	stream.linear.gather [hbm4b:s24+s20], $0x1000, $0x38;
	[tilespmem:$0x1E000] =	vst v63  }
0x39: {  	_ =	swait.ge [sflag:s16], $0x1000  }
0x3a: {  	[sflag:s16] =	ssyncset.done $0x0  }
0x3b: {  	s31 =	sadd.s32 s5, s23;
	s23 =	simm.s32 $0x1000;
	[sflag:s16] =	ssyncadd.s32 $0xFFFFF000  }
0x3c: {  	[tilespmem:s23], [sflag:$0x3] =	stream.linear.gather [hbm4b:s31+s20], $0x1000, $0x38;
	[tilespmem:$0x1E000] =	vst v63  }
0x3d: {  	_ =	swait.ge [sflag:s16], $0x1000  }
0x3e: {  	p0 =	slt.u32 s21, $0x2;
	[sflag:s16] =	ssyncset.done $0x0  }
0x3f: {  	s24 =	simm.s32 @!p0 $0x2;
	[sflag:s16] =	ssyncadd.s32 $0xFFFFF000  }
0x40: {  	s26 =	sand.u32 $0x10000, s20;
	_ =	swait.ge @!p0 [sflag:s24], $0x4000  }
0x41: {  	s25 =	simm.s32 $0x10000;
	s26 =	sshrl.u32 s26, $0x2;
	[sflag:s24] =	ssyncset.done @!p0 $0x0  }
0x42: {  	s28 =	simm.s32 $0x20000;
	s30 =	sor.u32 $0x2000, s26;
	[sflag:s24] =	ssyncadd.s32 @!p0 $0xFFFFC000  }
0x43: {  	[tilespmem:s30], [sflag:$0x1] =	stream.indirect.gather [hbm4b:s12+s17], $0x80, s20, s17, $0xb8;
	[tilespmem:$0x1E000] =	vst v63  }
0x44: {  	s29 =	sadd.s32 $0x1, s21;
	s26 =	simm.s32 $0x80;
	_ =	swait.ge [sflag:s18], $0x4000  }
0x45: {  	s24 =	simm.s32 $0x1080;
	p0 =	slt.u32 s29, $0x2;
	[sflag:s18] =	ssyncset.done $0x0  }
.LBB2_5:
0x46: {  	s31 =	simm.s32 @!p0 $0x2;
	[sflag:s18] =	ssyncadd.s32 $0xFFFFC000;
	s0 =	smov.u32 s28  }
0x47: {  	s28 =	sadd.s32 $0x10000, s28;
	s2 =	smov.u32 s23;
	s23 =	smov.u32 s24  }
0x48: {  	[spmem:s1] =	stream.indirect.scatter.add.f32 [tilespmem:s30], [sflag:$0x2], $0x80, s2, s17, $0xb8;
	[tilespmem:$0x1E000] =	vst v63  }
0x49: {  	p1 =	sne.s32 s28, $0x200000;
	s2 =	sand.u32 $0x10000, s25;
	_ =	swait.ge @!p0 [sflag:s31], $0x4000  }
.Ltmp1:
0x4a: {  	s2 =	sshrl.u32 s2, $0x2;
	[sflag:s31] =	ssyncset.done @!p0 $0x0;
	(pc) =	sbr.rel @p1 .LBB2_5-.Ltmp1, $4  }
0x4b: {  	s25 =	smov.u32 s0;
	s30 =	sor.u32 $0x2000, s2;
	[sflag:s31] =	ssyncadd.s32 @!p0 $0xFFFFC000  }
0x4c: {  	[tilespmem:s30], [sflag:$0x1] =	stream.indirect.gather [hbm4b:s12+s17], $0x80, s26, s17, $0xb8;
	[tilespmem:$0x1E000] =	vst v63  }
0x4d: {  	s24 =	sadd.s32 $0x80, s24;
	s29 =	sadd.s32 $0x1, s29;
	_ =	swait.ge [sflag:s18], $0x4000  }
0x4e: {  	p0 =	slt.u32 s29, $0x2;
	s26 =	sadd.s32 $0x80, s26;
	[sflag:s18] =	ssyncset.done $0x0  }
0x4f: {  	s0 =	simm.s32 @!p0 $0x2;
	[sflag:s18] =	ssyncadd.s32 $0xFFFFC000  }
0x50: {  	[spmem:s1] =	stream.indirect.scatter.add.f32 [tilespmem:s30], [sflag:$0x2], $0x80, s23, s17, $0xb8;
	[tilespmem:$0x1E000] =	vst v63  }
0x51: {  	s2 =	sand.u32 $0x10000, s25;
	_ =	swait.ge @!p0 [sflag:s0], $0x4000  }
0x52: {  	s22 =	sadd.s32 $0x1, s22;
	s2 =	sshrl.u32 s2, $0x2;
	[sflag:s0] =	ssyncset.done @!p0 $0x0  }
0x53: {  	s31 =	sor.u32 $0x2000, s2;
	[sflag:s0] =	ssyncadd.s32 @!p0 $0xFFFFC000;
	p0 =	sne.s32 s22, $0x5  }
0x54: {  	[tilespmem:s31], [sflag:$0x1] =	stream.indirect.gather [hbm4b:s12+s17], $0x80, s26, s17, $0xb8;
	[tilespmem:$0x1E000] =	vst v63  }
.Ltmp2:
0x55: {  	_ = 	snop;
	(pc) =	sbr.rel @p0 .LBB2_4-.Ltmp2, $4  }
0x56: {  	_ =	swait.ge [sflag:s18], $0x4000  }
0x57: {  	[sflag:s18] =	ssyncset.done $0x0  }
0x58: {  	s21 =	sadd.s32 $0x20, s21;
	[sflag:s18] =	ssyncadd.s32 $0xFFFFC000  }
0x59: {  	[spmem:s1] =	stream.indirect.scatter.add.f32 [tilespmem:s31], [sflag:$0x2], $0x80, s24, s17, $0xb8;
	[tilespmem:$0x1E000] =	vst v63  }
0x5a: {  	_ =	swait.ge [sflag:s19], $0x4000  }
0x5b: {  	[sflag:s19] =	ssyncset.done $0x0  }
0x5c: {  	[sflag:s19] =	ssyncadd.s32 $0xFFFFC000  }
0x5d: {  	s0 =	stileid.u32;
	_ =	swait.ge [sflag:s19], $0x4000  }
0x5e: {  	s2 =	sshrl.u32 s6, $0x3;
	s3 =	sadd.s32 $0x1, s3;
	[sflag:s19] =	ssyncset.done $0x0  }
0x5f: {  	s0 =	sshll.u32 s0, $0x6;
	p0 =	sne.s32 s3, s14;
	[sflag:s19] =	ssyncadd.s32 $0xFFFFC000  }
.Ltmp3:
0x60: {  	s0 =	sor.u32 $0x1C03, s0;
	[bflag:$0x0] =	sbarrier.arrive $0xFFFF;
	(pc) =	sbr.rel @p0 .LBB2_1-.Ltmp3, $4  }
0x61: {  	[hbm:s13], [sflag:s0] =	dma.local [spmem:s2], $0x2800  }
0x62: {  	_ =	swait.ge [sflag:s16], $0x2800  }
0x63: {  	[sflag:s16] =	ssyncset.done $0x0  }
0x64: {  	[sflag:s16] =	ssyncadd.s32 $0xFFFFD800  }
0x65: {  	_ =	sfence.sel $0x180000  }
0x66: {  	[bflag:$0x0] =	sbarrier.arrive $0xFFFF  }
0x67: {  	_ =	strace $0x9000004D  }
0x68: {  	s0 =	stileid.u32;
	[bflag:$0x2] =	sbarrier.arrive $0xFFFF  }
0x69: {  	p0 =	sne.s32 s0, $0x0;
	s0 =	rddreg [dreg:$0x2]  }
0x6a: {  	s0 =	sadd.s32 @!p0 $0x100000, s0  }
0x6b: {  	[sflag:s0] =	ssyncadd.tile.s32 @!p0 $0x1;
	_ =	shalt  }
.Lfunc_end2:
_tile_overlayer_lowered:
.L_overlay_start_2:
0x6c: {  	(tag) =	ssettag $0x2  }
0x6d: {  	s0 =	rddreg [dreg:$0x0];
	s2 =	stileid.u32  }
0x6e: {  	s1 =	rddreg [dreg:$0x1];
	p0 =	sne.s32 s2, $0x0  }
0x6f: {  	s3 =	rddreg [dreg:$0x2];
	[bflag:$0x3] =	sbarrier.arrive $0xFFFF;
	s2 =	simm.s32 @!p0 $0x1C03  }
0x70: {  	[timem:s3], [sflag:s2] =	dma.local @!p0 [hbm:s0], s1  }
0x71: {  	s0 =	simm.s32 @!p0 $0x3  }
0x72: {  	_ =	swait.ge @!p0 [sflag:s0], s1  }
0x73: {  	s1 =	ssub.s32 @!p0 $0x0, s1;
	[sflag:s0] =	ssyncset.done @!p0 $0x0  }
0x74: {  	[sflag:s0] =	ssyncadd.s32 @!p0 s1  }
0x75: {  	[bflag:$0x3] =	sbarrier.arrive $0xFFFF  }
0x76: {  	_ =	shalt  }

// kernel: kernel.19.cloned.1.call-start
scs
__scs_entry_jumppad:
0x0: {  	(pc) =	sbr.rel $0x88, $3  }
0x1: {  	(tag) =	ssettag $0x0;
	lr =	simm.s32 $0x1  }
0x2: {  	[smem:$0x3F95] =	sst lr;
	_ =	strace $0xD0000000  }
0x3: {  	_ = 	snop  }
0x4: {  	_ = 	snop  }
0x5: {  	_ = 	snop  }
0x6: {  	_ = 	snop  }
0x7: {  	_ = 	snop  }
__scs_overlays_trampoline_lowered:
0x8: {  	[smem:$0x3FA4] =	sst s0  }
0x9: {  	[smem:$0x3FA5] =	sst s1  }
0xa: {  	[smem:$0x3FA6] =	sst s2  }
0xb: {  	[smem:$0x3FA7] =	sst s3  }
0xc: {  	[smem:$0x3FA8] =	sst s4  }
0xd: {  	[smem:$0x3FA9] =	sst s5  }
0xe: {  	[smem:$0x3FAA] =	sst s6  }
0xf: {  	[smem:$0x3FAB] =	sst s7  }
0x10: {  	[smem:$0x3FAC] =	sst s8  }
0x11: {  	[smem:$0x3FAD] =	sst s9;
	s0 =	simm.s32 @!p0 $0x0  }
0x12: {  	s1 =	sld [smem:$0x3F93];
	s0 =	simm.s32 @p0 $0x1  }
0x13: {  	[smem:$0x3FAE] =	sst s0;
	s0 =	simm.s32 @!p1 $0x0  }
0x14: {  	s2 =	sld [smem:$0x3F92];
	s0 =	simm.s32 @p1 $0x1  }
0x15: {  	[smem:$0x3FAF] =	sst s0;
	s0 =	simm.s32 @!p2 $0x0  }
0x16: {  	s3 =	sld [smem:$0x3FDB];
	s0 =	simm.s32 @p2 $0x1  }
0x17: {  	s4 =	simm.s32 $0x1BF5;
	[smem:$0x3FB1] =	sst s0  }
0x18: {  	s0 =	sld [smem:$0x3F94];
	_ =	swait.ge [sflag:s4], $0x0  }
0x19: {  	s7 =	sld [smem:$0x3F95]  }
0x1a: {  	s8 =	sadd.s32 $0xFFFFE003, lr  }
0x1b: {  	s9 =	sadd.s32 $0xFFFFFEF7, lr;
	s5 =	simm.s32 $0xFFFFFFFF;
	p2 =	slt.u32 s8, $0xFFFFF086  }
0x1c: {  	p1 =	slt.u32 s9, $0xF7A;
	s5 =	simm.s32 @!p2 $0x0  }
0x1d: {  	s5 =	simm.s32 @p1 $0x1;
	p0 =	seq.s32 s7, s2  }
0x1e: {  	s7 =	smul.u32 @!p0 $0xF7A, s2;
	p2 =	seq.s32 @!p0 s5, $0x0  }
0x1f: {  	s9 =	smul.u32 $0xF7A, s1;
	s8 =	simm.s32 @!p0 $0x1BF5;
	p2 =	por !p2, p0  }
0x20: {  	[sflag:s8] =	ssyncset.s32 @!p0 $0xFFFFF086;
	s6 =	sadd.s32 @!p0 s3, s7;
	s7 =	simm.s32 @!p0 $0x108  }
0x21: {  	s3 =	sadd.s32 s3, s9;
	s6 =	sadd.s32 @!p0 $0x88, s6;
	s7 =	simm.s32 @p2 $0x1082  }
0x22: {  	[simem:s7], [sflag:s8] =	dma.local @!p0 [hbm:s6], $0xF7A  }
0x23: {  	s9 =	sor.u32 $0xD0000000, s2;
	s6 =	simm.s32 $0x108;
	_ =	swait.ge @!p0 [sflag:s8], $0x0  }
0x24: {  	s3 =	sadd.s32 $0x88, s3;
	s6 =	simm.s32 @!p1 $0x1082;
	[sflag:s4] =	ssyncset.s32 $0xFFFFF086  }
0x25: {  	[simem:s6], [sflag:s4] =	dma.local [hbm:s3], $0xF7A  }
0x26: {  	[smem:$0x3F95] =	sst s1;
	(tag) =	ssettag s2;
	_ =	strace s9  }
0x27: {  	s1 =	sld [smem:$0x3FA5]  }
0x28: {  	s2 =	sld [smem:$0x3FA6]  }
0x29: {  	s4 =	sld [smem:$0x3FA8]  }
0x2a: {  	p0 =	seq.s32 s5, $0x0;
	s5 =	sld [smem:$0x3FA9]  }
0x2b: {  	s6 =	sld [smem:$0x3FAA]  }
0x2c: {  	s7 =	sld [smem:$0x3FAB]  }
0x2d: {  	s3 =	simm.s32 $0x108;
	s8 =	sld [smem:$0x3FAC]  }
0x2e: {  	s3 =	simm.s32 @!p0 $0x1082;
	s9 =	sld [smem:$0x3FAD]  }
0x2f: {  	lr =	sadd.s32 s0, s3;
	s0 =	sld [smem:$0x3FA4]  }
0x30: {  	s3 =	sld [smem:$0x3FA7]  }
0x31: {  	[smem:$0x3FB0] =	sst s10  }
0x32: {  	s10 =	sld [smem:$0x3FAE];
	_ =	sdelay $0x3  }
0x33: {  	p0 =	seq.s32 s10, $0x1;
	s10 =	sld [smem:$0x3FB0];
	_ =	sdelay $0x3  }
0x34: {  	[smem:$0x3FB0] =	sst s10  }
0x35: {  	s10 =	sld [smem:$0x3FAF];
	_ =	sdelay $0x3  }
0x36: {  	p1 =	seq.s32 s10, $0x1;
	s10 =	sld [smem:$0x3FB0];
	_ =	sdelay $0x3  }
0x37: {  	[smem:$0x3FB0] =	sst s10  }
0x38: {  	s10 =	sld [smem:$0x3FB1]  }
0x39: {  	_ = 	snop;
	(pc) =	sbr.ind lr, $3  }
0x3a: {  	_ = 	snop  }
0x3b: {  	_ = 	snop  }
0x3c: {  	p2 =	seq.s32 s10, $0x1;
	s10 =	sld [smem:$0x3FB0]  }
0x3d: {  	_ =	shalt  }
0x3e: {  	_ =	shalt  }
0x3f: {  	_ =	shalt  }
0x40: {  	_ =	shalt  }
0x41: {  	_ =	shalt  }
0x42: {  	_ =	shalt  }
0x43: {  	_ =	shalt  }
0x44: {  	_ =	shalt  }
0x45: {  	_ =	shalt  }
0x46: {  	_ =	shalt  }
0x47: {  	_ =	shalt  }
0x48: {  	_ =	shalt  }
0x49: {  	_ =	shalt  }
0x4a: {  	_ =	shalt  }
0x4b: {  	_ =	shalt  }
0x4c: {  	_ =	shalt  }
0x4d: {  	_ =	shalt  }
0x4e: {  	_ =	shalt  }
0x4f: {  	_ =	shalt  }
0x50: {  	_ =	shalt  }
0x51: {  	_ =	shalt  }
0x52: {  	_ =	shalt  }
0x53: {  	_ =	shalt  }
0x54: {  	_ =	shalt  }
0x55: {  	_ =	shalt  }
0x56: {  	_ =	shalt  }
0x57: {  	_ =	shalt  }
0x58: {  	_ =	shalt  }
0x59: {  	_ =	shalt  }
0x5a: {  	_ =	shalt  }
0x5b: {  	_ =	shalt  }
0x5c: {  	_ =	shalt  }
0x5d: {  	_ =	shalt  }
0x5e: {  	_ =	shalt  }
0x5f: {  	_ =	shalt  }
0x60: {  	_ =	shalt  }
0x61: {  	_ =	shalt  }
0x62: {  	_ =	shalt  }
0x63: {  	_ =	shalt  }
0x64: {  	_ =	shalt  }
0x65: {  	_ =	shalt  }
0x66: {  	_ =	shalt  }
0x67: {  	_ =	shalt  }
0x68: {  	_ =	shalt  }
0x69: {  	_ =	shalt  }
0x6a: {  	_ =	shalt  }
0x6b: {  	_ =	shalt  }
0x6c: {  	_ =	shalt  }
0x6d: {  	_ =	shalt  }
0x6e: {  	_ =	shalt  }
0x6f: {  	_ =	shalt  }
0x70: {  	_ =	shalt  }
0x71: {  	_ =	shalt  }
0x72: {  	_ =	shalt  }
0x73: {  	_ =	shalt  }
0x74: {  	_ =	shalt  }
0x75: {  	_ =	shalt  }
0x76: {  	_ =	shalt  }
0x77: {  	_ =	shalt  }
0x78: {  	_ =	shalt  }
0x79: {  	_ =	shalt  }
0x7a: {  	_ =	shalt  }
0x7b: {  	_ =	shalt  }
0x7c: {  	_ =	shalt  }
0x7d: {  	_ =	shalt  }
0x7e: {  	_ =	shalt  }
0x7f: {  	_ =	shalt  }
0x80: {  	_ =	shalt  }
0x81: {  	_ =	shalt  }
0x82: {  	_ =	shalt  }
0x83: {  	_ =	shalt  }
0x84: {  	_ =	shalt  }
0x85: {  	_ =	shalt  }
0x86: {  	_ =	shalt  }
0x87: {  	_ =	shalt  }
.Lfunc_end0:
.L_simem_size_0:
called_computation.3_lowered:
.L_overlay_start_0:
0x88: {  	s2 =	sld [smem:$0x3FD9]  }
0x89: {  	s3 =	sld [smem:$0x3FFE];
	_ =	sdelay $0x1  }
0x8a: {  	s1 =	srdreg.scid  }
0x8b: {  	s0 =	sand.u32 $0x1, s1  }
0x8c: {  	s16 =	sshll.u32 s0, $0xA;
	s2 =	sadd.s32 s3, s2  }
0x8d: {  	s2 =	sadd.s32 s2, s16  }
0x8e: {  	[smem:$0x3FBC] =	sst s2  }
0x8f: {  	_ = 	snop  }
0x90: {  	(tm) =	ssettm $0x1  }
0x91: {  	s17 =	sld [smem:$0x3FFB];
	_ =	sdelay $0x3  }
0x92: {  	_ =	strace s17  }
0x93: {  	s2 =	sld [smem:$0x3FFC];
	_ =	sdelay $0x3  }
0x94: {  	_ =	strace s2  }
0x95: {  	s2 =	sld [smem:$0x3FFD];
	_ =	sdelay $0x3  }
0x96: {  	_ =	strace s2  }
0x97: {  	_ =	strace $0x8FFFFFFF  }
0x98: {  	s18 =	sld [smem:$0x3FDB];
	_ =	sdelay $0x1  }
0x99: {  	s19 =	simm.s32 $_scs_section_size  }
0x9a: {  	s4 =	simm.s32 $_size__tile_overlayer_lowered;
	s5 =	simm.s32 $_tile_overlayer_lowered  }
0x9b: {  	s22 =	simm.s32 $0x1BFF;
	s21 =	sshll.u32 s5, $0x1;
	s2 =	sadd.s32 s19, s18  }
0x9c: {  	s6 =	simm.s32 $0x0;
	s20 =	sshll.u32 s4, $0x1;
	s4 =	sadd.s32 s21, s2  }
0x9d: {  	[timem:s6], [sflag:s22] =	dma.local [hbm:s4], s20  }
0x9e: {  	_ =	swait.ge [sflag:s22], s20  }
0x9f: {  	s3 =	ssub.s32 $0x0, s20;
	[sflag:s22] =	ssyncset.done $0x0  }
0xa0: {  	[sflag:s22] =	ssyncadd.s32 s3;
	_ =	sdelay $0x1  }
0xa1: {  	s23 =	simm.s32 $0x1B8B  }
0xa2: {  	_ =	swait.ge [sflag:s23], $0x1  }
0xa3: {  	[sflag:s23] =	ssyncset.done $0x0  }
0xa4: {  	s25 =	simm.s32 $0x1B8E;
	s24 =	sld [smem:$0x3FFE];
	[sflag:s23] =	ssyncadd.s32 $0xFFFFFFFF  }
0xa5: {  	s26 =	simm.s32 $execute0_lowered;
	[smem:$0x3FD2] =	sst s25  }
0xa6: {  	s4 =	sshll.u32 s26, $0x1;
	_ =	strace $0x8000004F;
	[dreg:$0x1] =	wrdreg $0xFFFFFFFF  }
0xa7: {  	s28 =	simm.s32 $_size_execute0_lowered;
	s2 =	sadd.s32 s2, s4;
	[dreg:$0x0] =	wrdreg $0x0  }
0xa8: {  	s4 =	sshll.u32 s28, $0x1;
	[dreg:$0x2] =	wrdreg s2  }
0xa9: {  	[dreg:$0x3] =	wrdreg s4  }
0xaa: {  	[dreg:$0x4] =	wrdreg $0xC0  }
0xab: {  	_ =	task [dreg:s6], $0x5FFFF  }
0xac: {  	[dreg:$0x1] =	wrdreg $0xFFFFFFFF  }
0xad: {  	[dreg:$0x0] =	wrdreg $0x60  }
0xae: {  	[dreg:$0x2] =	wrdreg s24  }
0xaf: {  	[dreg:$0x3] =	wrdreg $0xA0000  }
0xb0: {  	[dreg:$0x4] =	wrdreg $0x9  }
0xb1: {  	_ =	task.clear_ibuf [dreg:s6], $0x5FFFF;
	_ =	strace $0x9000004F  }
0xb2: {  	s29 =	simm.s32 $0x9;
	_ =	strace $0x80000051  }
0xb3: {  	_ =	swait.ge [sflag:s29], $0x1  }
0xb4: {  	[sflag:s29] =	ssyncadd.s32 $0xFFFFFFFF  }
0xb5: {  	_ =	strace $0x90000051  }
0xb6: {  	_ =	sfence  }
0xb7: {  	s30 =	sld [smem:$0x0];
	_ =	sdelay $0x2  }
0xb8: {  	s31 =	sshll.u32 s1, $0xD;
	s1 =	sshrl.u32 s1, $0x2  }
0xb9: {  	s3 =	sand.u32 $0x4000, s31;
	s1 =	sadd.s32 s1, s30  }
0xba: {  	s0 =	sor.u32 s3, s0;
	s1 =	sshll.u32 s1, $0x11  }
0xbb: {  	s0 =	sor.u32 s1, s0  }
0xbc: {  	s0 =	sadd.s32 $0x8F2B, s0  }
0xbd: {  	[sflag:s0] =	ssyncadd.remote.s32 $0x1  }
0xbe: {  	_ =	sfence.sel $0xFFFF  }
0xbf: {  	[dreg:$0x0] =	wrdreg $0xFFFFFFFF;
	(pc) =	sbr.abs _section_cstart, $3  }
0xc0: {  	[dreg:$0x1] =	wrdreg $0xFFFFFFFF  }
0xc1: {  	_ =	task.clear_ibuf [dreg:s6], $0x2FFFF;
	_ =	strace $0x9FFFFFFF  }
0xc2: {  	(tm) =	ssettm $0x7FFFFFFF  }
0xc3: {  	_ =	shalt  }
tec
execute0_lowered:
.L_overlay_start_1:
0x0: {  	(tag) =	ssettag $0x1  }
0x1: {  	s7 =	rddreg [dreg:$0x0]  }
0x2: {  	s0 =	srdreg.scid;
	s28 =	stileid.u32  }
0x3: {  	s1 =	rddreg [dreg:$0x1];
	s3 =	simm.s32 $0x0;
	s9 =	smul.u32 $0x14000, s28  }
0x4: {  	s15 =	simm.s32 $0x2000;
	s16 =	simm.s32 $0x3;
	s10 =	smul.u32 $0x50000, s28  }
0x5: {  	s17 =	simm.s32 $0x80;
	s6 =	sand.u32 $0x1, s0;
	s11 =	smul.u32 $0x5000, s28  }
0x6: {  	s18 =	simm.s32 $0x1;
	s19 =	simm.s32 $0x2;
	s4 =	smul.u32 $0x27100, s6  }
0x7: {  	[smem:$0x7FF] =	sst s3;
	s5 =	sadd.s32 $0x2C00, s7;
	s8 =	smul.u32 $0x140000, s6  }
0x8: {  	_ =	strace $0x80000050;
	s29 =	ssub.s32 $0x2, s6;
	s30 =	sshrl.u32 s10, $0x2  }
0x9: {  	s31 =	sshrl.u32 s29, $0x1;
	s12 =	sadd.s32 s4, s7;
	s4 =	sadd.s32 $0xD600, s7  }
0xa: {  	s8 =	sadd.s32 s9, s8;
	s6 =	sadd.s32 s30, s1;
	s14 =	ssub.s32 s29, s31  }
0xb: {  	s8 =	sshrl.u32 s8, $0x3;
	s9 =	sadd.s32 $0xC000, s6;
	s10 =	sadd.s32 $0x10000, s6  }
0xc: {  	s12 =	sadd.s32 $0x17600, s12;
	s14 =	smax.u32 s14, $0x1;
	s13 =	sadd.s32 s8, s7  }
0xd: {  	v0 =	vimm.f32 $0.0e+00;
	s7 =	sadd.s32 $0x4000, s6;
	s8 =	sadd.s32 $0x8000, s6;
	s13 =	sadd.s32 $0x65800, s13  }
.LBB2_1:
0xe: {  	s20 =	simm.s32 $0x0;
	s21 =	simm.s32 $0x200  }
.LBB2_2:
0xf: {  	p0 =	sne.s32 s21, $0xFE00;
	[tilespmem:s20+$0x2070] =	vst v0  }
0x10: {  	[tilespmem:s20+$0x2000] =	vst v0  }
0x11: {  	[tilespmem:s20+$0x2010] =	vst v0  }
.Ltmp0:
0x12: {  	[tilespmem:s20+$0x2020] =	vst v0;
	(pc) =	sbr.rel @p0 .LBB2_2-.Ltmp0, $4  }
0x13: {  	[tilespmem:s20+$0x2030] =	vst v0  }
0x14: {  	[tilespmem:s20+$0x2040] =	vst v0  }
0x15: {  	[tilespmem:s20+$0x2050] =	vst v0  }
0x16: {  	[tilespmem:s20+$0x2060] =	vst v0;
	s20 =	sshra.s32 s21, $0x2;
	s21 =	sadd.s32 $0x200, s21  }
0x17: {  	[tilespmem:s20+$0x2070] =	vst v0  }
0x18: {  	[tilespmem:s20+$0x2000] =	vst v0  }
0x19: {  	[tilespmem:s20+$0x2010] =	vst v0  }
0x1a: {  	[tilespmem:s20+$0x2020] =	vst v0  }
0x1b: {  	[tilespmem:s20+$0x2030] =	vst v0  }
0x1c: {  	[tilespmem:s20+$0x2040] =	vst v0  }
0x1d: {  	[tilespmem:s20+$0x2050] =	vst v0  }
0x1e: {  	[tilespmem:s20+$0x2060] =	vst v0  }
0x1f: {  	[spmem:s6] =	stream.linear.scatter [tilespmem:s15], [sflag:$0x3], $0x4000, $0x38;
	[tilespmem:$0x1E000] =	vst v63  }
0x20: {  	_ =	swait.ge [sflag:s16], $0x4000  }
0x21: {  	[sflag:s16] =	ssyncset.done $0x0  }
0x22: {  	[sflag:s16] =	ssyncadd.s32 $0xFFFFC000  }
0x23: {  	[spmem:s7] =	stream.linear.scatter [tilespmem:s15], [sflag:$0x3], $0x4000, $0x38;
	[tilespmem:$0x1E000] =	vst v63  }
0x24: {  	_ =	swait.ge [sflag:s16], $0x4000  }
0x25: {  	[sflag:s16] =	ssyncset.done $0x0  }
0x26: {  	[sflag:s16] =	ssyncadd.s32 $0xFFFFC000  }
0x27: {  	[spmem:s8] =	stream.linear.scatter [tilespmem:s15], [sflag:$0x3], $0x4000, $0x38;
	[tilespmem:$0x1E000] =	vst v63  }
0x28: {  	_ =	swait.ge [sflag:s16], $0x4000  }
0x29: {  	[sflag:s16] =	ssyncset.done $0x0  }
0x2a: {  	[sflag:s16] =	ssyncadd.s32 $0xFFFFC000  }
0x2b: {  	[spmem:s9] =	stream.linear.scatter [tilespmem:s15], [sflag:$0x3], $0x4000, $0x38;
	[tilespmem:$0x1E000] =	vst v63  }
0x2c: {  	_ =	swait.ge [sflag:s16], $0x4000  }
0x2d: {  	[sflag:s16] =	ssyncset.done $0x0  }
0x2e: {  	[sflag:s16] =	ssyncadd.s32 $0xFFFFC000  }
0x2f: {  	[spmem:s10] =	stream.linear.scatter [tilespmem:s15], [sflag:$0x3], $0x4000, $0x38;
	[tilespmem:$0x1E000] =	vst v63  }
0x30: {  	_ =	swait.ge [sflag:s16], $0x4000  }
0x31: {  	[sflag:s16] =	ssyncset.done $0x0  }
0x32: {  	s20 =	simm.s32 $0x0;
	[sflag:s16] =	ssyncadd.s32 $0xFFFFC000  }
0x33: {  	s21 =	simm.s32 $0x0;
	s22 =	simm.s32 $0x0;
	[bflag:$0x0] =	sbarrier.arrive $0xFFFF  }
.LBB2_4:
0x34: {  	s23 =	sshll.u32 s22, $0xC  }
0x35: {  	s23 =	sadd.s32 s11, s23  }
0x36: {  	s23 =	sshrl.u32 s23, $0x3  }
0x37: {  	s24 =	sadd.s32 s4, s23  }
0x38: {  	[tilespmem:s20], [sflag:$0x3] =	stream.linear.gather [hbm4b:s24+s20], $0x1000, $0x38;
	[tilespmem:$0x1E000] =	vst v63  }
0x39: {  	_ =	swait.ge [sflag:s16], $0x1000  }
0x3a: {  	[sflag:s16] =	ssyncset.done $0x0  }
0x3b: {  	s31 =	sadd.s32 s5, s23;
	s23 =	simm.s32 $0x1000;
	[sflag:s16] =	ssyncadd.s32 $0xFFFFF000  }
0x3c: {  	[tilespmem:s23], [sflag:$0x3] =	stream.linear.gather [hbm4b:s31+s20], $0x1000, $0x38;
	[tilespmem:$0x1E000] =	vst v63  }
0x3d: {  	_ =	swait.ge [sflag:s16], $0x1000  }
0x3e: {  	p0 =	slt.u32 s21, $0x2;
	[sflag:s16] =	ssyncset.done $0x0  }
0x3f: {  	s24 =	simm.s32 @!p0 $0x2;
	[sflag:s16] =	ssyncadd.s32 $0xFFFFF000  }
0x40: {  	s26 =	sand.u32 $0x10000, s20;
	_ =	swait.ge @!p0 [sflag:s24], $0x4000  }
0x41: {  	s25 =	simm.s32 $0x10000;
	s26 =	sshrl.u32 s26, $0x2;
	[sflag:s24] =	ssyncset.done @!p0 $0x0  }
0x42: {  	s28 =	simm.s32 $0x20000;
	s30 =	sor.u32 $0x2000, s26;
	[sflag:s24] =	ssyncadd.s32 @!p0 $0xFFFFC000  }
0x43: {  	[tilespmem:s30], [sflag:$0x1] =	stream.indirect.gather [hbm4b:s12+s17], $0x80, s20, s17, $0xb8;
	[tilespmem:$0x1E000] =	vst v63  }
0x44: {  	s29 =	sadd.s32 $0x1, s21;
	s26 =	simm.s32 $0x80;
	_ =	swait.ge [sflag:s18], $0x4000  }
0x45: {  	s24 =	simm.s32 $0x1080;
	p0 =	slt.u32 s29, $0x2;
	[sflag:s18] =	ssyncset.done $0x0  }
.LBB2_5:
0x46: {  	s31 =	simm.s32 @!p0 $0x2;
	[sflag:s18] =	ssyncadd.s32 $0xFFFFC000;
	s0 =	smov.u32 s28  }
0x47: {  	s28 =	sadd.s32 $0x10000, s28;
	s2 =	smov.u32 s23;
	s23 =	smov.u32 s24  }
0x48: {  	[spmem:s1] =	stream.indirect.scatter.add.f32 [tilespmem:s30], [sflag:$0x2], $0x80, s2, s17, $0xb8;
	[tilespmem:$0x1E000] =	vst v63  }
0x49: {  	p1 =	sne.s32 s28, $0x200000;
	s2 =	sand.u32 $0x10000, s25;
	_ =	swait.ge @!p0 [sflag:s31], $0x4000  }
.Ltmp1:
0x4a: {  	s2 =	sshrl.u32 s2, $0x2;
	[sflag:s31] =	ssyncset.done @!p0 $0x0;
	(pc) =	sbr.rel @p1 .LBB2_5-.Ltmp1, $4  }
0x4b: {  	s25 =	smov.u32 s0;
	s30 =	sor.u32 $0x2000, s2;
	[sflag:s31] =	ssyncadd.s32 @!p0 $0xFFFFC000  }
0x4c: {  	[tilespmem:s30], [sflag:$0x1] =	stream.indirect.gather [hbm4b:s12+s17], $0x80, s26, s17, $0xb8;
	[tilespmem:$0x1E000] =	vst v63  }
0x4d: {  	s24 =	sadd.s32 $0x80, s24;
	s29 =	sadd.s32 $0x1, s29;
	_ =	swait.ge [sflag:s18], $0x4000  }
0x4e: {  	p0 =	slt.u32 s29, $0x2;
	s26 =	sadd.s32 $0x80, s26;
	[sflag:s18] =	ssyncset.done $0x0  }
0x4f: {  	s0 =	simm.s32 @!p0 $0x2;
	[sflag:s18] =	ssyncadd.s32 $0xFFFFC000  }
0x50: {  	[spmem:s1] =	stream.indirect.scatter.add.f32 [tilespmem:s30], [sflag:$0x2], $0x80, s23, s17, $0xb8;
	[tilespmem:$0x1E000] =	vst v63  }
0x51: {  	s2 =	sand.u32 $0x10000, s25;
	_ =	swait.ge @!p0 [sflag:s0], $0x4000  }
0x52: {  	s22 =	sadd.s32 $0x1, s22;
	s2 =	sshrl.u32 s2, $0x2;
	[sflag:s0] =	ssyncset.done @!p0 $0x0  }
0x53: {  	s31 =	sor.u32 $0x2000, s2;
	[sflag:s0] =	ssyncadd.s32 @!p0 $0xFFFFC000;
	p0 =	sne.s32 s22, $0x5  }
0x54: {  	[tilespmem:s31], [sflag:$0x1] =	stream.indirect.gather [hbm4b:s12+s17], $0x80, s26, s17, $0xb8;
	[tilespmem:$0x1E000] =	vst v63  }
.Ltmp2:
0x55: {  	_ = 	snop;
	(pc) =	sbr.rel @p0 .LBB2_4-.Ltmp2, $4  }
0x56: {  	_ =	swait.ge [sflag:s18], $0x4000  }
0x57: {  	[sflag:s18] =	ssyncset.done $0x0  }
0x58: {  	s21 =	sadd.s32 $0x20, s21;
	[sflag:s18] =	ssyncadd.s32 $0xFFFFC000  }
0x59: {  	[spmem:s1] =	stream.indirect.scatter.add.f32 [tilespmem:s31], [sflag:$0x2], $0x80, s24, s17, $0xb8;
	[tilespmem:$0x1E000] =	vst v63  }
0x5a: {  	_ =	swait.ge [sflag:s19], $0x4000  }
0x5b: {  	[sflag:s19] =	ssyncset.done $0x0  }
0x5c: {  	[sflag:s19] =	ssyncadd.s32 $0xFFFFC000  }
0x5d: {  	s0 =	stileid.u32;
	_ =	swait.ge [sflag:s19], $0x4000  }
0x5e: {  	s2 =	sshrl.u32 s6, $0x3;
	s3 =	sadd.s32 $0x1, s3;
	[sflag:s19] =	ssyncset.done $0x0  }
0x5f: {  	s0 =	sshll.u32 s0, $0x6;
	p0 =	sne.s32 s3, s14;
	[sflag:s19] =	ssyncadd.s32 $0xFFFFC000  }
.Ltmp3:
0x60: {  	s0 =	sor.u32 $0x1C03, s0;
	[bflag:$0x0] =	sbarrier.arrive $0xFFFF;
	(pc) =	sbr.rel @p0 .LBB2_1-.Ltmp3, $4  }
0x61: {  	[hbm:s13], [sflag:s0] =	dma.local [spmem:s2], $0x2800  }
0x62: {  	_ =	swait.ge [sflag:s16], $0x2800  }
0x63: {  	[sflag:s16] =	ssyncset.done $0x0  }
0x64: {  	[sflag:s16] =	ssyncadd.s32 $0xFFFFD800  }
0x65: {  	_ =	sfence.sel $0x180000  }
0x66: {  	[bflag:$0x0] =	sbarrier.arrive $0xFFFF  }
0x67: {  	_ =	strace $0x90000050  }
0x68: {  	s0 =	stileid.u32;
	[bflag:$0x2] =	sbarrier.arrive $0xFFFF  }
0x69: {  	p0 =	sne.s32 s0, $0x0;
	s0 =	rddreg [dreg:$0x2]  }
0x6a: {  	s0 =	sadd.s32 @!p0 $0x100000, s0  }
0x6b: {  	[sflag:s0] =	ssyncadd.tile.s32 @!p0 $0x1;
	_ =	shalt  }
.Lfunc_end2:
_tile_overlayer_lowered:
.L_overlay_start_2:
0x6c: {  	(tag) =	ssettag $0x2  }
0x6d: {  	s0 =	rddreg [dreg:$0x0];
	s2 =	stileid.u32  }
0x6e: {  	s1 =	rddreg [dreg:$0x1];
	p0 =	sne.s32 s2, $0x0  }
0x6f: {  	s3 =	rddreg [dreg:$0x2];
	[bflag:$0x3] =	sbarrier.arrive $0xFFFF;
	s2 =	simm.s32 @!p0 $0x1C03  }
0x70: {  	[timem:s3], [sflag:s2] =	dma.local @!p0 [hbm:s0], s1  }
0x71: {  	s0 =	simm.s32 @!p0 $0x3  }
0x72: {  	_ =	swait.ge @!p0 [sflag:s0], s1  }
0x73: {  	s1 =	ssub.s32 @!p0 $0x0, s1;
	[sflag:s0] =	ssyncset.done @!p0 $0x0  }
0x74: {  	[sflag:s0] =	ssyncadd.s32 @!p0 s1  }
0x75: {  	[bflag:$0x3] =	sbarrier.arrive $0xFFFF  }
0x76: {  	_ =	shalt  }

</sc_bundles>
